<compile_context>
chip_gen: v7x
topology: tpu7x:2x2x1
jax: 0.10.2.dev20260603
libtpu: 0.0.44.dev20260713+nightly
codegen_flags: <defaults>
</compile_context>

<pallas_src>
import functools

import jax
import jax.numpy as jnp
from jax import lax
from jax.experimental import pallas as pl
from jax.experimental.pallas import tpu as pltpu
from jax.experimental.pallas import tpu_sc as plsc

N_D = 128
N_P = 100000
L = 16
NC, NS = 2, 16
NW = NC * NS
RPW = N_D // NW
CH = 10000
NCH = N_P // CH
UNROLL = 5
VPC = CH // L
G = 25

_LN2_HI = 0.693359375
_LN2_LO = -2.12194440e-4
_SQRTHF = 0.70710678118654752440
_LOG_POLY = (7.0376836292e-2, -1.1514610310e-1, 1.1676998740e-1,
             -1.2420140846e-1, 1.4249322787e-1, -1.6668057665e-1,
             2.0000714765e-1, -2.4999993993e-1, 3.3333331174e-1)


def _plog(x):
    bits = lax.bitcast_convert_type(x, jnp.int32)
    e = jnp.right_shift(bits, 23) - 126
    m = lax.bitcast_convert_type((bits & 0x007FFFFF) | 0x3F000000,
                                 jnp.float32)
    ef = e.astype(jnp.float32)
    small = m < _SQRTHF
    ef = jnp.where(small, ef - 1.0, ef)
    m = jnp.where(small, m + m, m)
    r = m - 1.0
    z = r * r
    y = jnp.full((L,), _LOG_POLY[0], jnp.float32)
    for coef in _LOG_POLY[1:]:
        y = y * r + coef
    y = y * r * z
    y = y + ef * _LN2_LO
    y = y - 0.5 * z
    return r + y + ef * _LN2_HI


def _take16(x, idx):
    return lax.gather(
        x, idx[:, None],
        lax.GatherDimensionNumbers(offset_dims=(), collapsed_slice_dims=(0,),
                                   start_index_map=(0,)),
        (1,), mode=lax.GatherScatterMode.PROMISE_IN_BOUNDS)


def _allreduce(x, op):
    lane = lax.iota(jnp.int32, L)
    for sh in (1, 2, 4, 8):
        x = op(x, _take16(x, lane ^ sh))
    return x


def _lane0(x):
    return lax.squeeze(lax.slice(x, (0,), (1,)), (0,))


NGR = N_P // (G * L)
GPC = VPC // G


def _make_kernel():
    mesh = plsc.VectorSubcoreMesh(core_axis_name="c", subcore_axis_name="s")

    @functools.partial(
        pl.kernel,
        out_type=[jax.ShapeDtypeStruct((NW * L,), jnp.int32),
                  jax.ShapeDtypeStruct((NW * L,), jnp.float32)],
        mesh=mesh,
        scratch_types=[
            pltpu.VMEM((CH,), jnp.float32),
            pltpu.VMEM((CH,), jnp.float32),
            pltpu.VMEM((CH,), jnp.float32),
            pltpu.VMEM((CH,), jnp.float32),
            pltpu.VMEM((NGR * L,), jnp.float32),
            pltpu.VMEM((G * L,), jnp.float32),
            pltpu.VMEM((G * L,), jnp.float32),
            pltpu.VMEM((L,), jnp.int32),
            pltpu.VMEM((L,), jnp.float32),
            pltpu.VMEM((L,), jnp.float32),
            pltpu.VMEM((L,), jnp.float32),
            pltpu.VMEM((L,), jnp.int32),
            pltpu.VMEM((L,), jnp.float32),
            pltpu.SemaphoreType.DMA,
            pltpu.SemaphoreType.DMA,
            pltpu.SemaphoreType.DMA,
            pltpu.SemaphoreType.DMA,
            pltpu.SemaphoreType.DMA,
            pltpu.SemaphoreType.DMA,
        ],
    )
    def k(params_hbm, noise_hbm, vals_hbm, lps_hbm,
          pbuf0, pbuf1, ubuf0, ubuf1, gmu, pgrp, ugrp, vstage, lstage,
          nb_buf, tb_buf, ib_buf, thr_buf,
          psem0, psem1, nsem0, nsem1, gsem0, gsem1):
        wid = lax.axis_index("s") * NC + lax.axis_index("c")
        lane = lax.iota(jnp.int32, L)

        def issue_pair(rb, ch0):
            pltpu.async_copy(params_hbm.at[pl.ds(rb + ch0 * CH, CH)],
                             pbuf0, psem0)
            pltpu.async_copy(noise_hbm.at[pl.ds(rb + ch0 * CH, CH)],
                             ubuf0, nsem0)
            pltpu.async_copy(params_hbm.at[pl.ds(rb + (ch0 + 1) * CH, CH)],
                             pbuf1, psem1)
            pltpu.async_copy(noise_hbm.at[pl.ds(rb + (ch0 + 1) * CH, CH)],
                             ubuf1, nsem1)

        issue_pair(wid * RPW * N_P, 0)

        def row_body(rr, row_carry):
            vvals, vlps = row_carry
            row = wid * RPW + rr
            rbase = row * N_P

            def consume(ci, pbuf, ubuf, acc):
                def grp_body(g, acc):
                    base = g * (G * L)
                    mu = ubuf[pl.ds(base, L)]
                    acc = acc + pbuf[pl.ds(base, L)]
                    for j in range(1, G):
                        off = base + j * L
                        acc = acc + pbuf[pl.ds(off, L)]
                        mu = jnp.maximum(mu, ubuf[pl.ds(off, L)])
                    gmu[pl.ds((ci * GPC + g) * L, L)] = mu
                    return acc

                return lax.fori_loop(0, GPC, grp_body, acc)

            def pair_body(pi, acc):
                ch0 = 2 * pi
                pltpu.make_async_copy(
                    params_hbm.at[pl.ds(rbase + ch0 * CH, CH)],
                    pbuf0, psem0).wait()
                pltpu.make_async_copy(
                    noise_hbm.at[pl.ds(rbase + ch0 * CH, CH)],
                    ubuf0, nsem0).wait()
                acc = consume(ch0, pbuf0, ubuf0, acc)

                @pl.when(pi + 1 < NCH // 2)
                def _():
                    pltpu.async_copy(
                        params_hbm.at[pl.ds(rbase + (ch0 + 2) * CH, CH)],
                        pbuf0, psem0)
                    pltpu.async_copy(
                        noise_hbm.at[pl.ds(rbase + (ch0 + 2) * CH, CH)],
                        ubuf0, nsem0)

                pltpu.make_async_copy(
                    params_hbm.at[pl.ds(rbase + (ch0 + 1) * CH, CH)],
                    pbuf1, psem1).wait()
                pltpu.make_async_copy(
                    noise_hbm.at[pl.ds(rbase + (ch0 + 1) * CH, CH)],
                    ubuf1, nsem1).wait()
                acc = consume(ch0 + 1, pbuf1, ubuf1, acc)

                @pl.when(pi + 1 < NCH // 2)
                def _():
                    pltpu.async_copy(
                        params_hbm.at[pl.ds(rbase + (ch0 + 3) * CH, CH)],
                        pbuf1, psem1)
                    pltpu.async_copy(
                        noise_hbm.at[pl.ds(rbase + (ch0 + 3) * CH, CH)],
                        ubuf1, nsem1)

                return acc

            acc = lax.fori_loop(0, NCH // 2, pair_body,
                                jnp.zeros((L,), jnp.float32))

            @pl.when(rr + 1 < RPW)
            def _():
                issue_pair(rbase + N_P, 0)

            s_vec = _allreduce(acc, jnp.add)
            cshift = s_vec * 1e-12
            thrv = (1.0 + cshift) * (1.0 + 1e-5)

            nb_buf[...] = jnp.zeros((L,), jnp.float32)
            tb_buf[...] = jnp.ones((L,), jnp.float32)
            ib_buf[...] = jnp.zeros((L,), jnp.int32)

            def eval_group(gs):
                ebase = gs * (G * L)
                cp = pltpu.async_copy(
                    params_hbm.at[pl.ds(rbase + ebase, G * L)],
                    pgrp, gsem0)
                cu = pltpu.async_copy(
                    noise_hbm.at[pl.ds(rbase + ebase, G * L)],
                    ugrp, gsem1)
                cp.wait()
                cu.wait()

                def vec_body(j, dummy):
                    off = j * L
                    u = ugrp[pl.ds(off, L)]
                    p = pgrp[pl.ds(off, L)]
                    nb = nb_buf[...]
                    tb = tb_buf[...]
                    ib = ib_buf[...]
                    uc = jnp.minimum(jnp.maximum(u, 1e-9), 1.0)
                    t = -_plog(uc)
                    num = p + cshift
                    win = (num * tb) > (nb * t)
                    nb_buf[...] = jnp.where(win, num, nb)
                    tb_buf[...] = jnp.where(win, t, tb)
                    ib_buf[...] = jnp.where(win, ebase + off + lane, ib)
                    return dummy

                lax.fori_loop(0, G, vec_body, 0)
                gr = _allreduce(nb_buf[...] / tb_buf[...], jnp.maximum)
                thr_buf[...] = 1.0 - thrv / gr - 1e-6

            def fmax_body(g, carry):
                runmax, gidx = carry
                m = gmu[pl.ds(g * L, L)]
                w = m > runmax
                return (jnp.where(w, m, runmax), jnp.where(w, g, gidx))

            runmax, gidx = lax.fori_loop(
                0, NGR, fmax_body,
                (jnp.full((L,), -1.0, jnp.float32),
                 jnp.zeros((L,), jnp.int32)))
            mvec = _allreduce(runmax, jnp.maximum)
            gstar = _lane0(_allreduce(
                jnp.where(runmax == mvec, gidx, -1), jnp.maximum))
            eval_group(gstar)

            def scan_body(g, uthr_s):
                m = gmu[pl.ds(g * L, L)]
                mu_s = _lane0(_allreduce(m, jnp.maximum))

                @pl.when(jnp.logical_and(mu_s > uthr_s, g != gstar))
                def _():
                    eval_group(g)

                return _lane0(thr_buf[...])

            lax.fori_loop(0, NGR, scan_body, _lane0(thr_buf[...]))
            nb = nb_buf[...]
            tb = tb_buf[...]
            ib = ib_buf[...]

            sb = nb / tb
            mx = _allreduce(sb, jnp.maximum)
            eq = sb == mx
            iw = _allreduce(jnp.where(eq, ib, -1), jnp.maximum)
            numw = _allreduce(jnp.where(eq, nb, 0.0), jnp.maximum)
            lp = _plog(numw / s_vec)
            vvals = jnp.where(lane == rr, iw, vvals)
            vlps = jnp.where(lane == rr, lp, vlps)
            return vvals, vlps

        vvals, vlps = lax.fori_loop(
            0, RPW, row_body,
            (jnp.zeros((L,), jnp.int32), jnp.zeros((L,), jnp.float32)))

        vstage[...] = vvals
        lstage[...] = vlps
        pltpu.sync_copy(vstage, vals_hbm.at[pl.ds(wid * L, L)])
        pltpu.sync_copy(lstage, lps_hbm.at[pl.ds(wid * L, L)])

    return k


_sc_kernel = _make_kernel()


def kernel(params, noise):
    vals2, lps2 = _sc_kernel(params.reshape(-1), noise.reshape(-1))
    values = vals2.reshape(NW, L)[:, :RPW].reshape(N_D)
    log_probs = lps2.reshape(NW, L)[:, :RPW].reshape(N_D)
    return values, log_probs

# --- scband reference (transcript-rebuilt; emitter-appended) ---
"""Pipeline reference for scband-multi-multinomial-distribution-90185723281839 (READ-ONLY COPY).

The authoritative reference and input builder live on the scoring server;
editing this copy changes nothing except your own understanding.
"""

import jax, jax.numpy as jnp
import numpy as np

N_DISTS = 128
N_PARAMS = 100000


def setup_inputs(seed: int = 0) -> dict:
    key = jax.random.key(seed)
    k1, k2 = jax.random.split(key)
    # params mirror the module's positive probability table (it normalizes internally)
    params = jax.random.uniform(k1, (N_DISTS, N_PARAMS), dtype=jnp.float32)
    # uniform noise used to drive reparameterized Gumbel-max categorical sampling
    noise = jax.random.uniform(k2, (N_DISTS, N_PARAMS), dtype=jnp.float32)
    return {"params": params, "noise": noise}


def reference(params, noise):
    # Faithful translation of MultiMultinomialDistribution.sample_value + Categorical.log_prob:
    # torch Categorical(probs) normalizes probs along the last dim, samples one index
    # per distribution row, and log_prob gathers log(probs)[row, sample].
    probs = params / jnp.sum(params, axis=-1, keepdims=True)
    logits = jnp.log(probs + 1e-12)
    # Gumbel-max trick is an exact sampler for the categorical distribution
    u = jnp.clip(noise, 1e-9, 1.0 - 1e-9)
    gumbel = -jnp.log(-jnp.log(u))
    values = jnp.argmax(logits + gumbel, axis=-1)
    # log_prob of the sampled values (used by rein_update / accumulate_sampling_losses)
    log_probs = jnp.take_along_axis(logits, values[:, None], axis=1).squeeze(-1)
    return values, log_probs

if __name__ == "__main__":
    import jax
    _d = setup_inputs()
    print(jax.jit(kernel)(*tuple(_d.values())))

</pallas_src>

<mosaic_0001>
#map = affine_map<(d0, d1) -> (0)>
module attributes {stable_mosaic.version = 14 : i64} {
  func.func @k(%arg0: i32, %arg1: i32, %arg2: memref<12800000xf32, #tpu.memory_space<hbm>>, %arg3: memref<12800000xf32, #tpu.memory_space<hbm>>, %arg4: memref<512xi32, #tpu.memory_space<hbm>>, %arg5: memref<512xf32, #tpu.memory_space<hbm>>, %arg6: memref<10000xf32, #tpu.memory_space<vmem>>, %arg7: memref<10000xf32, #tpu.memory_space<vmem>>, %arg8: memref<10000xf32, #tpu.memory_space<vmem>>, %arg9: memref<10000xf32, #tpu.memory_space<vmem>>, %arg10: memref<4000xf32, #tpu.memory_space<vmem>>, %arg11: memref<400xf32, #tpu.memory_space<vmem>>, %arg12: memref<400xf32, #tpu.memory_space<vmem>>, %arg13: memref<16xi32, #tpu.memory_space<vmem>>, %arg14: memref<16xf32, #tpu.memory_space<vmem>>, %arg15: memref<16xf32, #tpu.memory_space<vmem>>, %arg16: memref<16xf32, #tpu.memory_space<vmem>>, %arg17: memref<16xi32, #tpu.memory_space<vmem>>, %arg18: memref<16xf32, #tpu.memory_space<vmem>>, %arg19: memref<!tpu.dma_semaphore, #tpu.memory_space<semaphore_mem>>, %arg20: memref<!tpu.dma_semaphore, #tpu.memory_space<semaphore_mem>>, %arg21: memref<!tpu.dma_semaphore, #tpu.memory_space<semaphore_mem>>, %arg22: memref<!tpu.dma_semaphore, #tpu.memory_space<semaphore_mem>>, %arg23: memref<!tpu.dma_semaphore, #tpu.memory_space<semaphore_mem>>, %arg24: memref<!tpu.dma_semaphore, #tpu.memory_space<semaphore_mem>>) attributes {dimension_semantics = [#tpu.dimension_semantics<core_parallel>, #tpu.dimension_semantics<subcore_parallel>], iteration_bounds = array<i64: 2, 16>, scalar_prefetch = 0 : i64, scratch_operands = 19 : i64, tpu.core_type = #tpu.core_type<sc_vector_subcore>, window_params = [{transform_indices = #map}, {transform_indices = #map}, {transform_indices = #map}, {transform_indices = #map}]} {
    %mul3A = arith.constant 2 : i32
    %mul3A_0 = arith.muli %arg1, %mul3A : i32
    %add3A = arith.addi %mul3A_0, %arg0 : i32
    %iota3A = tpu.iota {dimensions = array<i32: 0>} : vector<16xi32>
    %mul3A_1 = arith.constant 4 : i32
    %mul3A_2 = arith.muli %add3A, %mul3A_1 : i32
    %mul3A_3 = arith.constant 100000 : i32
    %mul3A_4 = arith.muli %mul3A_2, %mul3A_3 : i32
    %add3A_5 = arith.constant 0 : i32
    %add3A_6 = arith.addi %mul3A_4, %add3A_5 : i32
    %dma_start3A = tpu.memref_slice %arg2[%add3A_6] : memref<12800000xf32, #tpu.memory_space<hbm>> -> memref<10000xf32, #tpu.memory_space<hbm>>
    %dma_start3A_7 = tpu.memref_slice %arg2[%add3A_6] : memref<12800000xf32, #tpu.memory_space<hbm>> -> memref<10000xf32, #tpu.memory_space<hbm>>
    tpu.enqueue_dma source(%dma_start3A_7 : memref<10000xf32, #tpu.memory_space<hbm>>) target(%arg6 : memref<10000xf32, #tpu.memory_space<vmem>>) target_semaphore(%arg19 : memref<!tpu.dma_semaphore, #tpu.memory_space<semaphore_mem>>)
    %add3A_8 = arith.constant 0 : i32
    %add3A_9 = arith.addi %mul3A_4, %add3A_8 : i32
    %dma_start3A_10 = tpu.memref_slice %arg3[%add3A_9] : memref<12800000xf32, #tpu.memory_space<hbm>> -> memref<10000xf32, #tpu.memory_space<hbm>>
    %dma_start3A_11 = tpu.memref_slice %arg3[%add3A_9] : memref<12800000xf32, #tpu.memory_space<hbm>> -> memref<10000xf32, #tpu.memory_space<hbm>>
    tpu.enqueue_dma source(%dma_start3A_11 : memref<10000xf32, #tpu.memory_space<hbm>>) target(%arg8 : memref<10000xf32, #tpu.memory_space<vmem>>) target_semaphore(%arg21 : memref<!tpu.dma_semaphore, #tpu.memory_space<semaphore_mem>>)
    %add3A_12 = arith.constant 10000 : i32
    %add3A_13 = arith.addi %mul3A_4, %add3A_12 : i32
    %dma_start3A_14 = tpu.memref_slice %arg2[%add3A_13] : memref<12800000xf32, #tpu.memory_space<hbm>> -> memref<10000xf32, #tpu.memory_space<hbm>>
    %dma_start3A_15 = tpu.memref_slice %arg2[%add3A_13] : memref<12800000xf32, #tpu.memory_space<hbm>> -> memref<10000xf32, #tpu.memory_space<hbm>>
    tpu.enqueue_dma source(%dma_start3A_15 : memref<10000xf32, #tpu.memory_space<hbm>>) target(%arg7 : memref<10000xf32, #tpu.memory_space<vmem>>) target_semaphore(%arg20 : memref<!tpu.dma_semaphore, #tpu.memory_space<semaphore_mem>>)
    %add3A_16 = arith.constant 10000 : i32
    %add3A_17 = arith.addi %mul3A_4, %add3A_16 : i32
    %dma_start3A_18 = tpu.memref_slice %arg3[%add3A_17] : memref<12800000xf32, #tpu.memory_space<hbm>> -> memref<10000xf32, #tpu.memory_space<hbm>>
    %dma_start3A_19 = tpu.memref_slice %arg3[%add3A_17] : memref<12800000xf32, #tpu.memory_space<hbm>> -> memref<10000xf32, #tpu.memory_space<hbm>>
    tpu.enqueue_dma source(%dma_start3A_19 : memref<10000xf32, #tpu.memory_space<hbm>>) target(%arg9 : memref<10000xf32, #tpu.memory_space<vmem>>) target_semaphore(%arg22 : memref<!tpu.dma_semaphore, #tpu.memory_space<semaphore_mem>>)
    %broadcast_in_dim3A = arith.constant 0 : i32
    %broadcast_in_dim3A_20 = vector.broadcast %broadcast_in_dim3A : i32 to vector<16xi32>
    %broadcast_in_dim3A_21 = arith.constant 0.000000e+00 : f32
    %broadcast_in_dim3A_22 = vector.broadcast %broadcast_in_dim3A_21 : f32 to vector<16xf32>
    %scan3A = arith.constant 0 : i32
    %scan3A_23 = arith.constant 4 : i32
    %scan3A_24 = arith.addi %scan3A, %scan3A_23 : i32
    %scan3A_25 = arith.constant 1 : i32
    %scan3A_26:2 = scf.for %scan3A_39 = %scan3A to %scan3A_24 step %scan3A_25 iter_args(%scan3A_40 = %broadcast_in_dim3A_20, %scan3A_41 = %broadcast_in_dim3A_22) -> (vector<16xi32>, vector<16xf32>)  : i32 {
      %mul3A_42 = arith.constant 4 : i32
      %mul3A_43 = arith.muli %add3A, %mul3A_42 : i32
      %add3A_44 = arith.addi %mul3A_43, %scan3A_39 : i32
      %mul3A_45 = arith.constant 100000 : i32
      %mul3A_46 = arith.muli %add3A_44, %mul3A_45 : i32
      %broadcast_in_dim3A_47 = arith.constant 0.000000e+00 : f32
      %broadcast_in_dim3A_48 = vector.broadcast %broadcast_in_dim3A_47 : f32 to vector<16xf32>
      %scan3A_49 = arith.constant 0 : i32
      %scan3A_50 = arith.constant 5 : i32
      %scan3A_51 = arith.addi %scan3A_49, %scan3A_50 : i32
      %scan3A_52 = arith.constant 1 : i32
      %scan3A_53 = scf.for %scan3A_437 = %scan3A_49 to %scan3A_51 step %scan3A_52 iter_args(%scan3A_438 = %broadcast_in_dim3A_48) -> (vector<16xf32>)  : i32 {
        %mul3A_439 = arith.constant 2 : i32
        %mul3A_440 = arith.muli %mul3A_439, %scan3A_437 : i32
        %mul3A_441 = arith.constant 10000 : i32
        %mul3A_442 = arith.muli %mul3A_440, %mul3A_441 : i32
        %add3A_443 = arith.addi %mul3A_46, %mul3A_442 : i32
        %dma_wait3A_444 = tpu.memref_slice %arg2[%add3A_443] : memref<12800000xf32, #tpu.memory_space<hbm>> -> memref<10000xf32, #tpu.memory_space<hbm>>
        %dma_wait3A_445 = tpu.memref_slice %arg2[%add3A_443] : memref<12800000xf32, #tpu.memory_space<hbm>> -> memref<10000xf32, #tpu.memory_space<hbm>>
        tpu.wait_dma2 semaphore(%arg19 : memref<!tpu.dma_semaphore, #tpu.memory_space<semaphore_mem>>) src(%dma_wait3A_445 : memref<10000xf32, #tpu.memory_space<hbm>>) dst(%arg6 : memref<10000xf32, #tpu.memory_space<vmem>>)
        %mul3A_446 = arith.constant 10000 : i32
        %mul3A_447 = arith.muli %mul3A_440, %mul3A_446 : i32
        %add3A_448 = arith.addi %mul3A_46, %mul3A_447 : i32
        %dma_wait3A_449 = tpu.memref_slice %arg3[%add3A_448] : memref<12800000xf32, #tpu.memory_space<hbm>> -> memref<10000xf32, #tpu.memory_space<hbm>>
        %dma_wait3A_450 = tpu.memref_slice %arg3[%add3A_448] : memref<12800000xf32, #tpu.memory_space<hbm>> -> memref<10000xf32, #tpu.memory_space<hbm>>
        tpu.wait_dma2 semaphore(%arg21 : memref<!tpu.dma_semaphore, #tpu.memory_space<semaphore_mem>>) src(%dma_wait3A_450 : memref<10000xf32, #tpu.memory_space<hbm>>) dst(%arg8 : memref<10000xf32, #tpu.memory_space<vmem>>)
        %scan3A_451 = arith.constant 0 : i32
        %scan3A_452 = arith.constant 25 : i32
        %scan3A_453 = arith.addi %scan3A_451, %scan3A_452 : i32
        %scan3A_454 = arith.constant 1 : i32
        %scan3A_455 = scf.for %scan3A_493 = %scan3A_451 to %scan3A_453 step %scan3A_454 iter_args(%scan3A_494 = %scan3A_438) -> (vector<16xf32>)  : i32 {
          %mul3A_495 = arith.constant 400 : i32
          %mul3A_496 = arith.muli %scan3A_493, %mul3A_495 : i32
          %get3A_497 = arith.index_cast %mul3A_496 : i32 to index
          %get3A_498 = tpu.vector_load %arg8[%get3A_497] {strides = array<i32>} : memref<10000xf32, #tpu.memory_space<vmem>>, vector<16xf32>,
          %get3A_499 = vector.shape_cast %get3A_498 : vector<16xf32> to vector<16xf32>
          %get3A_500 = arith.index_cast %mul3A_496 : i32 to index
          %get3A_501 = tpu.vector_load %arg6[%get3A_500] {strides = array<i32>} : memref<10000xf32, #tpu.memory_space<vmem>>, vector<16xf32>,
          %get3A_502 = vector.shape_cast %get3A_501 : vector<16xf32> to vector<16xf32>
          %add3A_503 = arith.addf %scan3A_494, %get3A_502 : vector<16xf32>
          %add3A_504 = arith.constant 16 : i32
          %add3A_505 = arith.addi %mul3A_496, %add3A_504 : i32
          %get3A_506 = arith.index_cast %add3A_505 : i32 to index
          %get3A_507 = tpu.vector_load %arg6[%get3A_506] {strides = array<i32>} : memref<10000xf32, #tpu.memory_space<vmem>>, vector<16xf32>,
          %get3A_508 = vector.shape_cast %get3A_507 : vector<16xf32> to vector<16xf32>
          %add3A_509 = arith.addf %add3A_503, %get3A_508 : vector<16xf32>
          %get3A_510 = arith.index_cast %add3A_505 : i32 to index
          %get3A_511 = tpu.vector_load %arg8[%get3A_510] {strides = array<i32>} : memref<10000xf32, #tpu.memory_space<vmem>>, vector<16xf32>,
          %get3A_512 = vector.shape_cast %get3A_511 : vector<16xf32> to vector<16xf32>
          %max3A_513 = arith.maximumf %get3A_499, %get3A_512 : vector<16xf32>
          %add3A_514 = arith.constant 32 : i32
          %add3A_515 = arith.addi %mul3A_496, %add3A_514 : i32
          %get3A_516 = arith.index_cast %add3A_515 : i32 to index
          %get3A_517 = tpu.vector_load %arg6[%get3A_516] {strides = array<i32>} : memref<10000xf32, #tpu.memory_space<vmem>>, vector<16xf32>,
          %get3A_518 = vector.shape_cast %get3A_517 : vector<16xf32> to vector<16xf32>
          %add3A_519 = arith.addf %add3A_509, %get3A_518 : vector<16xf32>
          %get3A_520 = arith.index_cast %add3A_515 : i32 to index
          %get3A_521 = tpu.vector_load %arg8[%get3A_520] {strides = array<i32>} : memref<10000xf32, #tpu.memory_space<vmem>>, vector<16xf32>,
          %get3A_522 = vector.shape_cast %get3A_521 : vector<16xf32> to vector<16xf32>
          %max3A_523 = arith.maximumf %max3A_513, %get3A_522 : vector<16xf32>
          %add3A_524 = arith.constant 48 : i32
          %add3A_525 = arith.addi %mul3A_496, %add3A_524 : i32
          %get3A_526 = arith.index_cast %add3A_525 : i32 to index
          %get3A_527 = tpu.vector_load %arg6[%get3A_526] {strides = array<i32>} : memref<10000xf32, #tpu.memory_space<vmem>>, vector<16xf32>,
          %get3A_528 = vector.shape_cast %get3A_527 : vector<16xf32> to vector<16xf32>
          %add3A_529 = arith.addf %add3A_519, %get3A_528 : vector<16xf32>
          %get3A_530 = arith.index_cast %add3A_525 : i32 to index
          %get3A_531 = tpu.vector_load %arg8[%get3A_530] {strides = array<i32>} : memref<10000xf32, #tpu.memory_space<vmem>>, vector<16xf32>,
          %get3A_532 = vector.shape_cast %get3A_531 : vector<16xf32> to vector<16xf32>
          %max3A_533 = arith.maximumf %max3A_523, %get3A_532 : vector<16xf32>
          %add3A_534 = arith.constant 64 : i32
          %add3A_535 = arith.addi %mul3A_496, %add3A_534 : i32
          %get3A_536 = arith.index_cast %add3A_535 : i32 to index
          %get3A_537 = tpu.vector_load %arg6[%get3A_536] {strides = array<i32>} : memref<10000xf32, #tpu.memory_space<vmem>>, vector<16xf32>,
          %get3A_538 = vector.shape_cast %get3A_537 : vector<16xf32> to vector<16xf32>
          %add3A_539 = arith.addf %add3A_529, %get3A_538 : vector<16xf32>
          %get3A_540 = arith.index_cast %add3A_535 : i32 to index
          %get3A_541 = tpu.vector_load %arg8[%get3A_540] {strides = array<i32>} : memref<10000xf32, #tpu.memory_space<vmem>>, vector<16xf32>,
          %get3A_542 = vector.shape_cast %get3A_541 : vector<16xf32> to vector<16xf32>
          %max3A_543 = arith.maximumf %max3A_533, %get3A_542 : vector<16xf32>
          %add3A_544 = arith.constant 80 : i32
          %add3A_545 = arith.addi %mul3A_496, %add3A_544 : i32
          %get3A_546 = arith.index_cast %add3A_545 : i32 to index
          %get3A_547 = tpu.vector_load %arg6[%get3A_546] {strides = array<i32>} : memref<10000xf32, #tpu.memory_space<vmem>>, vector<16xf32>,
          %get3A_548 = vector.shape_cast %get3A_547 : vector<16xf32> to vector<16xf32>
          %add3A_549 = arith.addf %add3A_539, %get3A_548 : vector<16xf32>
          %get3A_550 = arith.index_cast %add3A_545 : i32 to index
          %get3A_551 = tpu.vector_load %arg8[%get3A_550] {strides = array<i32>} : memref<10000xf32, #tpu.memory_space<vmem>>, vector<16xf32>,
          %get3A_552 = vector.shape_cast %get3A_551 : vector<16xf32> to vector<16xf32>
          %max3A_553 = arith.maximumf %max3A_543, %get3A_552 : vector<16xf32>
          %add3A_554 = arith.constant 96 : i32
          %add3A_555 = arith.addi %mul3A_496, %add3A_554 : i32
          %get3A_556 = arith.index_cast %add3A_555 : i32 to index
          %get3A_557 = tpu.vector_load %arg6[%get3A_556] {strides = array<i32>} : memref<10000xf32, #tpu.memory_space<vmem>>, vector<16xf32>,
          %get3A_558 = vector.shape_cast %get3A_557 : vector<16xf32> to vector<16xf32>
          %add3A_559 = arith.addf %add3A_549, %get3A_558 : vector<16xf32>
          %get3A_560 = arith.index_cast %add3A_555 : i32 to index
          %get3A_561 = tpu.vector_load %arg8[%get3A_560] {strides = array<i32>} : memref<10000xf32, #tpu.memory_space<vmem>>, vector<16xf32>,
          %get3A_562 = vector.shape_cast %get3A_561 : vector<16xf32> to vector<16xf32>
          %max3A_563 = arith.maximumf %max3A_553, %get3A_562 : vector<16xf32>
          %add3A_564 = arith.constant 112 : i32
          %add3A_565 = arith.addi %mul3A_496, %add3A_564 : i32
          %get3A_566 = arith.index_cast %add3A_565 : i32 to index
          %get3A_567 = tpu.vector_load %arg6[%get3A_566] {strides = array<i32>} : memref<10000xf32, #tpu.memory_space<vmem>>, vector<16xf32>,
          %get3A_568 = vector.shape_cast %get3A_567 : vector<16xf32> to vector<16xf32>
          %add3A_569 = arith.addf %add3A_559, %get3A_568 : vector<16xf32>
          %get3A_570 = arith.index_cast %add3A_565 : i32 to index
          %get3A_571 = tpu.vector_load %arg8[%get3A_570] {strides = array<i32>} : memref<10000xf32, #tpu.memory_space<vmem>>, vector<16xf32>,
          %get3A_572 = vector.shape_cast %get3A_571 : vector<16xf32> to vector<16xf32>
          %max3A_573 = arith.maximumf %max3A_563, %get3A_572 : vector<16xf32>
          %add3A_574 = arith.constant 128 : i32
          %add3A_575 = arith.addi %mul3A_496, %add3A_574 : i32
          %get3A_576 = arith.index_cast %add3A_575 : i32 to index
          %get3A_577 = tpu.vector_load %arg6[%get3A_576] {strides = array<i32>} : memref<10000xf32, #tpu.memory_space<vmem>>, vector<16xf32>,
          %get3A_578 = vector.shape_cast %get3A_577 : vector<16xf32> to vector<16xf32>
          %add3A_579 = arith.addf %add3A_569, %get3A_578 : vector<16xf32>
          %get3A_580 = arith.index_cast %add3A_575 : i32 to index
          %get3A_581 = tpu.vector_load %arg8[%get3A_580] {strides = array<i32>} : memref<10000xf32, #tpu.memory_space<vmem>>, vector<16xf32>,
          %get3A_582 = vector.shape_cast %get3A_581 : vector<16xf32> to vector<16xf32>
          %max3A_583 = arith.maximumf %max3A_573, %get3A_582 : vector<16xf32>
          %add3A_584 = arith.constant 144 : i32
          %add3A_585 = arith.addi %mul3A_496, %add3A_584 : i32
          %get3A_586 = arith.index_cast %add3A_585 : i32 to index
          %get3A_587 = tpu.vector_load %arg6[%get3A_586] {strides = array<i32>} : memref<10000xf32, #tpu.memory_space<vmem>>, vector<16xf32>,
          %get3A_588 = vector.shape_cast %get3A_587 : vector<16xf32> to vector<16xf32>
          %add3A_589 = arith.addf %add3A_579, %get3A_588 : vector<16xf32>
          %get3A_590 = arith.index_cast %add3A_585 : i32 to index
          %get3A_591 = tpu.vector_load %arg8[%get3A_590] {strides = array<i32>} : memref<10000xf32, #tpu.memory_space<vmem>>, vector<16xf32>,
          %get3A_592 = vector.shape_cast %get3A_591 : vector<16xf32> to vector<16xf32>
          %max3A_593 = arith.maximumf %max3A_583, %get3A_592 : vector<16xf32>
          %add3A_594 = arith.constant 160 : i32
          %add3A_595 = arith.addi %mul3A_496, %add3A_594 : i32
          %get3A_596 = arith.index_cast %add3A_595 : i32 to index
          %get3A_597 = tpu.vector_load %arg6[%get3A_596] {strides = array<i32>} : memref<10000xf32, #tpu.memory_space<vmem>>, vector<16xf32>,
          %get3A_598 = vector.shape_cast %get3A_597 : vector<16xf32> to vector<16xf32>
          %add3A_599 = arith.addf %add3A_589, %get3A_598 : vector<16xf32>
          %get3A_600 = arith.index_cast %add3A_595 : i32 to index
          %get3A_601 = tpu.vector_load %arg8[%get3A_600] {strides = array<i32>} : memref<10000xf32, #tpu.memory_space<vmem>>, vector<16xf32>,
          %get3A_602 = vector.shape_cast %get3A_601 : vector<16xf32> to vector<16xf32>
          %max3A_603 = arith.maximumf %max3A_593, %get3A_602 : vector<16xf32>
          %add3A_604 = arith.constant 176 : i32
          %add3A_605 = arith.addi %mul3A_496, %add3A_604 : i32
          %get3A_606 = arith.index_cast %add3A_605 : i32 to index
          %get3A_607 = tpu.vector_load %arg6[%get3A_606] {strides = array<i32>} : memref<10000xf32, #tpu.memory_space<vmem>>, vector<16xf32>,
          %get3A_608 = vector.shape_cast %get3A_607 : vector<16xf32> to vector<16xf32>
          %add3A_609 = arith.addf %add3A_599, %get3A_608 : vector<16xf32>
          %get3A_610 = arith.index_cast %add3A_605 : i32 to index
          %get3A_611 = tpu.vector_load %arg8[%get3A_610] {strides = array<i32>} : memref<10000xf32, #tpu.memory_space<vmem>>, vector<16xf32>,
          %get3A_612 = vector.shape_cast %get3A_611 : vector<16xf32> to vector<16xf32>
          %max3A_613 = arith.maximumf %max3A_603, %get3A_612 : vector<16xf32>
          %add3A_614 = arith.constant 192 : i32
          %add3A_615 = arith.addi %mul3A_496, %add3A_614 : i32
          %get3A_616 = arith.index_cast %add3A_615 : i32 to index
          %get3A_617 = tpu.vector_load %arg6[%get3A_616] {strides = array<i32>} : memref<10000xf32, #tpu.memory_space<vmem>>, vector<16xf32>,
          %get3A_618 = vector.shape_cast %get3A_617 : vector<16xf32> to vector<16xf32>
          %add3A_619 = arith.addf %add3A_609, %get3A_618 : vector<16xf32>
          %get3A_620 = arith.index_cast %add3A_615 : i32 to index
          %get3A_621 = tpu.vector_load %arg8[%get3A_620] {strides = array<i32>} : memref<10000xf32, #tpu.memory_space<vmem>>, vector<16xf32>,
          %get3A_622 = vector.shape_cast %get3A_621 : vector<16xf32> to vector<16xf32>
          %max3A_623 = arith.maximumf %max3A_613, %get3A_622 : vector<16xf32>
          %add3A_624 = arith.constant 208 : i32
          %add3A_625 = arith.addi %mul3A_496, %add3A_624 : i32
          %get3A_626 = arith.index_cast %add3A_625 : i32 to index
          %get3A_627 = tpu.vector_load %arg6[%get3A_626] {strides = array<i32>} : memref<10000xf32, #tpu.memory_space<vmem>>, vector<16xf32>,
          %get3A_628 = vector.shape_cast %get3A_627 : vector<16xf32> to vector<16xf32>
          %add3A_629 = arith.addf %add3A_619, %get3A_628 : vector<16xf32>
          %get3A_630 = arith.index_cast %add3A_625 : i32 to index
          %get3A_631 = tpu.vector_load %arg8[%get3A_630] {strides = array<i32>} : memref<10000xf32, #tpu.memory_space<vmem>>, vector<16xf32>,
          %get3A_632 = vector.shape_cast %get3A_631 : vector<16xf32> to vector<16xf32>
          %max3A_633 = arith.maximumf %max3A_623, %get3A_632 : vector<16xf32>
          %add3A_634 = arith.constant 224 : i32
          %add3A_635 = arith.addi %mul3A_496, %add3A_634 : i32
          %get3A_636 = arith.index_cast %add3A_635 : i32 to index
          %get3A_637 = tpu.vector_load %arg6[%get3A_636] {strides = array<i32>} : memref<10000xf32, #tpu.memory_space<vmem>>, vector<16xf32>,
          %get3A_638 = vector.shape_cast %get3A_637 : vector<16xf32> to vector<16xf32>
          %add3A_639 = arith.addf %add3A_629, %get3A_638 : vector<16xf32>
          %get3A_640 = arith.index_cast %add3A_635 : i32 to index
          %get3A_641 = tpu.vector_load %arg8[%get3A_640] {strides = array<i32>} : memref<10000xf32, #tpu.memory_space<vmem>>, vector<16xf32>,
          %get3A_642 = vector.shape_cast %get3A_641 : vector<16xf32> to vector<16xf32>
          %max3A_643 = arith.maximumf %max3A_633, %get3A_642 : vector<16xf32>
          %add3A_644 = arith.constant 240 : i32
          %add3A_645 = arith.addi %mul3A_496, %add3A_644 : i32
          %get3A_646 = arith.index_cast %add3A_645 : i32 to index
          %get3A_647 = tpu.vector_load %arg6[%get3A_646] {strides = array<i32>} : memref<10000xf32, #tpu.memory_space<vmem>>, vector<16xf32>,
          %get3A_648 = vector.shape_cast %get3A_647 : vector<16xf32> to vector<16xf32>
          %add3A_649 = arith.addf %add3A_639, %get3A_648 : vector<16xf32>
          %get3A_650 = arith.index_cast %add3A_645 : i32 to index
          %get3A_651 = tpu.vector_load %arg8[%get3A_650] {strides = array<i32>} : memref<10000xf32, #tpu.memory_space<vmem>>, vector<16xf32>,
          %get3A_652 = vector.shape_cast %get3A_651 : vector<16xf32> to vector<16xf32>
          %max3A_653 = arith.maximumf %max3A_643, %get3A_652 : vector<16xf32>
          %add3A_654 = arith.constant 256 : i32
          %add3A_655 = arith.addi %mul3A_496, %add3A_654 : i32
          %get3A_656 = arith.index_cast %add3A_655 : i32 to index
          %get3A_657 = tpu.vector_load %arg6[%get3A_656] {strides = array<i32>} : memref<10000xf32, #tpu.memory_space<vmem>>, vector<16xf32>,
          %get3A_658 = vector.shape_cast %get3A_657 : vector<16xf32> to vector<16xf32>
          %add3A_659 = arith.addf %add3A_649, %get3A_658 : vector<16xf32>
          %get3A_660 = arith.index_cast %add3A_655 : i32 to index
          %get3A_661 = tpu.vector_load %arg8[%get3A_660] {strides = array<i32>} : memref<10000xf32, #tpu.memory_space<vmem>>, vector<16xf32>,
          %get3A_662 = vector.shape_cast %get3A_661 : vector<16xf32> to vector<16xf32>
          %max3A_663 = arith.maximumf %max3A_653, %get3A_662 : vector<16xf32>
          %add3A_664 = arith.constant 272 : i32
          %add3A_665 = arith.addi %mul3A_496, %add3A_664 : i32
          %get3A_666 = arith.index_cast %add3A_665 : i32 to index
          %get3A_667 = tpu.vector_load %arg6[%get3A_666] {strides = array<i32>} : memref<10000xf32, #tpu.memory_space<vmem>>, vector<16xf32>,
          %get3A_668 = vector.shape_cast %get3A_667 : vector<16xf32> to vector<16xf32>
          %add3A_669 = arith.addf %add3A_659, %get3A_668 : vector<16xf32>
          %get3A_670 = arith.index_cast %add3A_665 : i32 to index
          %get3A_671 = tpu.vector_load %arg8[%get3A_670] {strides = array<i32>} : memref<10000xf32, #tpu.memory_space<vmem>>, vector<16xf32>,
          %get3A_672 = vector.shape_cast %get3A_671 : vector<16xf32> to vector<16xf32>
          %max3A_673 = arith.maximumf %max3A_663, %get3A_672 : vector<16xf32>
          %add3A_674 = arith.constant 288 : i32
          %add3A_675 = arith.addi %mul3A_496, %add3A_674 : i32
          %get3A_676 = arith.index_cast %add3A_675 : i32 to index
          %get3A_677 = tpu.vector_load %arg6[%get3A_676] {strides = array<i32>} : memref<10000xf32, #tpu.memory_space<vmem>>, vector<16xf32>,
          %get3A_678 = vector.shape_cast %get3A_677 : vector<16xf32> to vector<16xf32>
          %add3A_679 = arith.addf %add3A_669, %get3A_678 : vector<16xf32>
          %get3A_680 = arith.index_cast %add3A_675 : i32 to index
          %get3A_681 = tpu.vector_load %arg8[%get3A_680] {strides = array<i32>} : memref<10000xf32, #tpu.memory_space<vmem>>, vector<16xf32>,
          %get3A_682 = vector.shape_cast %get3A_681 : vector<16xf32> to vector<16xf32>
          %max3A_683 = arith.maximumf %max3A_673, %get3A_682 : vector<16xf32>
          %add3A_684 = arith.constant 304 : i32
          %add3A_685 = arith.addi %mul3A_496, %add3A_684 : i32
          %get3A_686 = arith.index_cast %add3A_685 : i32 to index
          %get3A_687 = tpu.vector_load %arg6[%get3A_686] {strides = array<i32>} : memref<10000xf32, #tpu.memory_space<vmem>>, vector<16xf32>,
          %get3A_688 = vector.shape_cast %get3A_687 : vector<16xf32> to vector<16xf32>
          %add3A_689 = arith.addf %add3A_679, %get3A_688 : vector<16xf32>
          %get3A_690 = arith.index_cast %add3A_685 : i32 to index
          %get3A_691 = tpu.vector_load %arg8[%get3A_690] {strides = array<i32>} : memref<10000xf32, #tpu.memory_space<vmem>>, vector<16xf32>,
          %get3A_692 = vector.shape_cast %get3A_691 : vector<16xf32> to vector<16xf32>
          %max3A_693 = arith.maximumf %max3A_683, %get3A_692 : vector<16xf32>
          %add3A_694 = arith.constant 320 : i32
          %add3A_695 = arith.addi %mul3A_496, %add3A_694 : i32
          %get3A_696 = arith.index_cast %add3A_695 : i32 to index
          %get3A_697 = tpu.vector_load %arg6[%get3A_696] {strides = array<i32>} : memref<10000xf32, #tpu.memory_space<vmem>>, vector<16xf32>,
          %get3A_698 = vector.shape_cast %get3A_697 : vector<16xf32> to vector<16xf32>
          %add3A_699 = arith.addf %add3A_689, %get3A_698 : vector<16xf32>
          %get3A_700 = arith.index_cast %add3A_695 : i32 to index
          %get3A_701 = tpu.vector_load %arg8[%get3A_700] {strides = array<i32>} : memref<10000xf32, #tpu.memory_space<vmem>>, vector<16xf32>,
          %get3A_702 = vector.shape_cast %get3A_701 : vector<16xf32> to vector<16xf32>
          %max3A_703 = arith.maximumf %max3A_693, %get3A_702 : vector<16xf32>
          %add3A_704 = arith.constant 336 : i32
          %add3A_705 = arith.addi %mul3A_496, %add3A_704 : i32
          %get3A_706 = arith.index_cast %add3A_705 : i32 to index
          %get3A_707 = tpu.vector_load %arg6[%get3A_706] {strides = array<i32>} : memref<10000xf32, #tpu.memory_space<vmem>>, vector<16xf32>,
          %get3A_708 = vector.shape_cast %get3A_707 : vector<16xf32> to vector<16xf32>
          %add3A_709 = arith.addf %add3A_699, %get3A_708 : vector<16xf32>
          %get3A_710 = arith.index_cast %add3A_705 : i32 to index
          %get3A_711 = tpu.vector_load %arg8[%get3A_710] {strides = array<i32>} : memref<10000xf32, #tpu.memory_space<vmem>>, vector<16xf32>,
          %get3A_712 = vector.shape_cast %get3A_711 : vector<16xf32> to vector<16xf32>
          %max3A_713 = arith.maximumf %max3A_703, %get3A_712 : vector<16xf32>
          %add3A_714 = arith.constant 352 : i32
          %add3A_715 = arith.addi %mul3A_496, %add3A_714 : i32
          %get3A_716 = arith.index_cast %add3A_715 : i32 to index
          %get3A_717 = tpu.vector_load %arg6[%get3A_716] {strides = array<i32>} : memref<10000xf32, #tpu.memory_space<vmem>>, vector<16xf32>,
          %get3A_718 = vector.shape_cast %get3A_717 : vector<16xf32> to vector<16xf32>
          %add3A_719 = arith.addf %add3A_709, %get3A_718 : vector<16xf32>
          %get3A_720 = arith.index_cast %add3A_715 : i32 to index
          %get3A_721 = tpu.vector_load %arg8[%get3A_720] {strides = array<i32>} : memref<10000xf32, #tpu.memory_space<vmem>>, vector<16xf32>,
          %get3A_722 = vector.shape_cast %get3A_721 : vector<16xf32> to vector<16xf32>
          %max3A_723 = arith.maximumf %max3A_713, %get3A_722 : vector<16xf32>
          %add3A_724 = arith.constant 368 : i32
          %add3A_725 = arith.addi %mul3A_496, %add3A_724 : i32
          %get3A_726 = arith.index_cast %add3A_725 : i32 to index
          %get3A_727 = tpu.vector_load %arg6[%get3A_726] {strides = array<i32>} : memref<10000xf32, #tpu.memory_space<vmem>>, vector<16xf32>,
          %get3A_728 = vector.shape_cast %get3A_727 : vector<16xf32> to vector<16xf32>
          %add3A_729 = arith.addf %add3A_719, %get3A_728 : vector<16xf32>
          %get3A_730 = arith.index_cast %add3A_725 : i32 to index
          %get3A_731 = tpu.vector_load %arg8[%get3A_730] {strides = array<i32>} : memref<10000xf32, #tpu.memory_space<vmem>>, vector<16xf32>,
          %get3A_732 = vector.shape_cast %get3A_731 : vector<16xf32> to vector<16xf32>
          %max3A_733 = arith.maximumf %max3A_723, %get3A_732 : vector<16xf32>
          %add3A_734 = arith.constant 384 : i32
          %add3A_735 = arith.addi %mul3A_496, %add3A_734 : i32
          %get3A_736 = arith.index_cast %add3A_735 : i32 to index
          %get3A_737 = tpu.vector_load %arg6[%get3A_736] {strides = array<i32>} : memref<10000xf32, #tpu.memory_space<vmem>>, vector<16xf32>,
          %get3A_738 = vector.shape_cast %get3A_737 : vector<16xf32> to vector<16xf32>
          %add3A_739 = arith.addf %add3A_729, %get3A_738 : vector<16xf32>
          %get3A_740 = arith.index_cast %add3A_735 : i32 to index
          %get3A_741 = tpu.vector_load %arg8[%get3A_740] {strides = array<i32>} : memref<10000xf32, #tpu.memory_space<vmem>>, vector<16xf32>,
          %get3A_742 = vector.shape_cast %get3A_741 : vector<16xf32> to vector<16xf32>
          %max3A_743 = arith.maximumf %max3A_733, %get3A_742 : vector<16xf32>
          %mul3A_744 = arith.constant 25 : i32
          %mul3A_745 = arith.muli %mul3A_440, %mul3A_744 : i32
          %add3A_746 = arith.addi %mul3A_745, %scan3A_493 : i32
          %mul3A_747 = arith.constant 16 : i32
          %mul3A_748 = arith.muli %add3A_746, %mul3A_747 : i32
          %swap3A_749 = arith.index_cast %mul3A_748 : i32 to index
          %swap3A_750 = tpu.vector_load %arg10[%swap3A_749] {strides = array<i32>} : memref<4000xf32, #tpu.memory_space<vmem>>, vector<16xf32>,
          %swap3A_751 = vector.shape_cast %swap3A_750 : vector<16xf32> to vector<16xf32>
          %swap3A_752 = vector.shape_cast %max3A_743 : vector<16xf32> to vector<16xf32>
          tpu.vector_store %arg10[%swap3A_749], %swap3A_752 {strides = array<i32>} : memref<4000xf32, #tpu.memory_space<vmem>>, vector<16xf32>,
          scf.yield %add3A_739 : vector<16xf32>
        }
        %scan3A_456 = arith.constant 25 : i32
        %add3A_457 = arith.constant 1 : i32
        %add3A_458 = arith.addi %scan3A_437, %add3A_457 : i32
        %lt3A_459 = arith.constant 5 : i32
        %lt3A_460 = arith.cmpi slt, %add3A_458, %lt3A_459 : i32
        %convert_element_type3A_461 = arith.extui %lt3A_460 : i1 to i32
        %cond3A_462 = arith.constant 0 : i32
        %cond3A_463 = arith.cmpi ne, %convert_element_type3A_461, %cond3A_462 : i32
        scf.if %cond3A_463 {
          %add3A_493 = arith.constant 2 : i32
          %add3A_494 = arith.addi %mul3A_440, %add3A_493 : i32
          %mul3A_495 = arith.constant 10000 : i32
          %mul3A_496 = arith.muli %add3A_494, %mul3A_495 : i32
          %add3A_497 = arith.addi %mul3A_46, %mul3A_496 : i32
          %dma_start3A_498 = tpu.memref_slice %arg2[%add3A_497] : memref<12800000xf32, #tpu.memory_space<hbm>> -> memref<10000xf32, #tpu.memory_space<hbm>>
          %dma_start3A_499 = tpu.memref_slice %arg2[%add3A_497] : memref<12800000xf32, #tpu.memory_space<hbm>> -> memref<10000xf32, #tpu.memory_space<hbm>>
          tpu.enqueue_dma source(%dma_start3A_499 : memref<10000xf32, #tpu.memory_space<hbm>>) target(%arg6 : memref<10000xf32, #tpu.memory_space<vmem>>) target_semaphore(%arg19 : memref<!tpu.dma_semaphore, #tpu.memory_space<semaphore_mem>>)
          %add3A_500 = arith.constant 2 : i32
          %add3A_501 = arith.addi %mul3A_440, %add3A_500 : i32
          %mul3A_502 = arith.constant 10000 : i32
          %mul3A_503 = arith.muli %add3A_501, %mul3A_502 : i32
          %add3A_504 = arith.addi %mul3A_46, %mul3A_503 : i32
          %dma_start3A_505 = tpu.memref_slice %arg3[%add3A_504] : memref<12800000xf32, #tpu.memory_space<hbm>> -> memref<10000xf32, #tpu.memory_space<hbm>>
          %dma_start3A_506 = tpu.memref_slice %arg3[%add3A_504] : memref<12800000xf32, #tpu.memory_space<hbm>> -> memref<10000xf32, #tpu.memory_space<hbm>>
          tpu.enqueue_dma source(%dma_start3A_506 : memref<10000xf32, #tpu.memory_space<hbm>>) target(%arg8 : memref<10000xf32, #tpu.memory_space<vmem>>) target_semaphore(%arg21 : memref<!tpu.dma_semaphore, #tpu.memory_space<semaphore_mem>>)
        } else {
        }
        %add3A_464 = arith.constant 1 : i32
        %add3A_465 = arith.addi %mul3A_440, %add3A_464 : i32
        %mul3A_466 = arith.constant 10000 : i32
        %mul3A_467 = arith.muli %add3A_465, %mul3A_466 : i32
        %add3A_468 = arith.addi %mul3A_46, %mul3A_467 : i32
        %dma_wait3A_469 = tpu.memref_slice %arg2[%add3A_468] : memref<12800000xf32, #tpu.memory_space<hbm>> -> memref<10000xf32, #tpu.memory_space<hbm>>
        %dma_wait3A_470 = tpu.memref_slice %arg2[%add3A_468] : memref<12800000xf32, #tpu.memory_space<hbm>> -> memref<10000xf32, #tpu.memory_space<hbm>>
        tpu.wait_dma2 semaphore(%arg20 : memref<!tpu.dma_semaphore, #tpu.memory_space<semaphore_mem>>) src(%dma_wait3A_470 : memref<10000xf32, #tpu.memory_space<hbm>>) dst(%arg7 : memref<10000xf32, #tpu.memory_space<vmem>>)
        %add3A_471 = arith.constant 1 : i32
        %add3A_472 = arith.addi %mul3A_440, %add3A_471 : i32
        %mul3A_473 = arith.constant 10000 : i32
        %mul3A_474 = arith.muli %add3A_472, %mul3A_473 : i32
        %add3A_475 = arith.addi %mul3A_46, %mul3A_474 : i32
        %dma_wait3A_476 = tpu.memref_slice %arg3[%add3A_475] : memref<12800000xf32, #tpu.memory_space<hbm>> -> memref<10000xf32, #tpu.memory_space<hbm>>
        %dma_wait3A_477 = tpu.memref_slice %arg3[%add3A_475] : memref<12800000xf32, #tpu.memory_space<hbm>> -> memref<10000xf32, #tpu.memory_space<hbm>>
        tpu.wait_dma2 semaphore(%arg22 : memref<!tpu.dma_semaphore, #tpu.memory_space<semaphore_mem>>) src(%dma_wait3A_477 : memref<10000xf32, #tpu.memory_space<hbm>>) dst(%arg9 : memref<10000xf32, #tpu.memory_space<vmem>>)
        %add3A_478 = arith.constant 1 : i32
        %add3A_479 = arith.addi %mul3A_440, %add3A_478 : i32
        %scan3A_480 = arith.constant 0 : i32
        %scan3A_481 = arith.constant 25 : i32
        %scan3A_482 = arith.addi %scan3A_480, %scan3A_481 : i32
        %scan3A_483 = arith.constant 1 : i32
        %scan3A_484 = scf.for %scan3A_493 = %scan3A_480 to %scan3A_482 step %scan3A_483 iter_args(%scan3A_494 = %scan3A_455) -> (vector<16xf32>)  : i32 {
          %mul3A_495 = arith.constant 400 : i32
          %mul3A_496 = arith.muli %scan3A_493, %mul3A_495 : i32
          %get3A_497 = arith.index_cast %mul3A_496 : i32 to index
          %get3A_498 = tpu.vector_load %arg9[%get3A_497] {strides = array<i32>} : memref<10000xf32, #tpu.memory_space<vmem>>, vector<16xf32>,
          %get3A_499 = vector.shape_cast %get3A_498 : vector<16xf32> to vector<16xf32>
          %get3A_500 = arith.index_cast %mul3A_496 : i32 to index
          %get3A_501 = tpu.vector_load %arg7[%get3A_500] {strides = array<i32>} : memref<10000xf32, #tpu.memory_space<vmem>>, vector<16xf32>,
          %get3A_502 = vector.shape_cast %get3A_501 : vector<16xf32> to vector<16xf32>
          %add3A_503 = arith.addf %scan3A_494, %get3A_502 : vector<16xf32>
          %add3A_504 = arith.constant 16 : i32
          %add3A_505 = arith.addi %mul3A_496, %add3A_504 : i32
          %get3A_506 = arith.index_cast %add3A_505 : i32 to index
          %get3A_507 = tpu.vector_load %arg7[%get3A_506] {strides = array<i32>} : memref<10000xf32, #tpu.memory_space<vmem>>, vector<16xf32>,
          %get3A_508 = vector.shape_cast %get3A_507 : vector<16xf32> to vector<16xf32>
          %add3A_509 = arith.addf %add3A_503, %get3A_508 : vector<16xf32>
          %get3A_510 = arith.index_cast %add3A_505 : i32 to index
          %get3A_511 = tpu.vector_load %arg9[%get3A_510] {strides = array<i32>} : memref<10000xf32, #tpu.memory_space<vmem>>, vector<16xf32>,
          %get3A_512 = vector.shape_cast %get3A_511 : vector<16xf32> to vector<16xf32>
          %max3A_513 = arith.maximumf %get3A_499, %get3A_512 : vector<16xf32>
          %add3A_514 = arith.constant 32 : i32
          %add3A_515 = arith.addi %mul3A_496, %add3A_514 : i32
          %get3A_516 = arith.index_cast %add3A_515 : i32 to index
          %get3A_517 = tpu.vector_load %arg7[%get3A_516] {strides = array<i32>} : memref<10000xf32, #tpu.memory_space<vmem>>, vector<16xf32>,
          %get3A_518 = vector.shape_cast %get3A_517 : vector<16xf32> to vector<16xf32>
          %add3A_519 = arith.addf %add3A_509, %get3A_518 : vector<16xf32>
          %get3A_520 = arith.index_cast %add3A_515 : i32 to index
          %get3A_521 = tpu.vector_load %arg9[%get3A_520] {strides = array<i32>} : memref<10000xf32, #tpu.memory_space<vmem>>, vector<16xf32>,
          %get3A_522 = vector.shape_cast %get3A_521 : vector<16xf32> to vector<16xf32>
          %max3A_523 = arith.maximumf %max3A_513, %get3A_522 : vector<16xf32>
          %add3A_524 = arith.constant 48 : i32
          %add3A_525 = arith.addi %mul3A_496, %add3A_524 : i32
          %get3A_526 = arith.index_cast %add3A_525 : i32 to index
          %get3A_527 = tpu.vector_load %arg7[%get3A_526] {strides = array<i32>} : memref<10000xf32, #tpu.memory_space<vmem>>, vector<16xf32>,
          %get3A_528 = vector.shape_cast %get3A_527 : vector<16xf32> to vector<16xf32>
          %add3A_529 = arith.addf %add3A_519, %get3A_528 : vector<16xf32>
          %get3A_530 = arith.index_cast %add3A_525 : i32 to index
          %get3A_531 = tpu.vector_load %arg9[%get3A_530] {strides = array<i32>} : memref<10000xf32, #tpu.memory_space<vmem>>, vector<16xf32>,
          %get3A_532 = vector.shape_cast %get3A_531 : vector<16xf32> to vector<16xf32>
          %max3A_533 = arith.maximumf %max3A_523, %get3A_532 : vector<16xf32>
          %add3A_534 = arith.constant 64 : i32
          %add3A_535 = arith.addi %mul3A_496, %add3A_534 : i32
          %get3A_536 = arith.index_cast %add3A_535 : i32 to index
          %get3A_537 = tpu.vector_load %arg7[%get3A_536] {strides = array<i32>} : memref<10000xf32, #tpu.memory_space<vmem>>, vector<16xf32>,
          %get3A_538 = vector.shape_cast %get3A_537 : vector<16xf32> to vector<16xf32>
          %add3A_539 = arith.addf %add3A_529, %get3A_538 : vector<16xf32>
          %get3A_540 = arith.index_cast %add3A_535 : i32 to index
          %get3A_541 = tpu.vector_load %arg9[%get3A_540] {strides = array<i32>} : memref<10000xf32, #tpu.memory_space<vmem>>, vector<16xf32>,
          %get3A_542 = vector.shape_cast %get3A_541 : vector<16xf32> to vector<16xf32>
          %max3A_543 = arith.maximumf %max3A_533, %get3A_542 : vector<16xf32>
          %add3A_544 = arith.constant 80 : i32
          %add3A_545 = arith.addi %mul3A_496, %add3A_544 : i32
          %get3A_546 = arith.index_cast %add3A_545 : i32 to index
          %get3A_547 = tpu.vector_load %arg7[%get3A_546] {strides = array<i32>} : memref<10000xf32, #tpu.memory_space<vmem>>, vector<16xf32>,
          %get3A_548 = vector.shape_cast %get3A_547 : vector<16xf32> to vector<16xf32>
          %add3A_549 = arith.addf %add3A_539, %get3A_548 : vector<16xf32>
          %get3A_550 = arith.index_cast %add3A_545 : i32 to index
          %get3A_551 = tpu.vector_load %arg9[%get3A_550] {strides = array<i32>} : memref<10000xf32, #tpu.memory_space<vmem>>, vector<16xf32>,
          %get3A_552 = vector.shape_cast %get3A_551 : vector<16xf32> to vector<16xf32>
          %max3A_553 = arith.maximumf %max3A_543, %get3A_552 : vector<16xf32>
          %add3A_554 = arith.constant 96 : i32
          %add3A_555 = arith.addi %mul3A_496, %add3A_554 : i32
          %get3A_556 = arith.index_cast %add3A_555 : i32 to index
          %get3A_557 = tpu.vector_load %arg7[%get3A_556] {strides = array<i32>} : memref<10000xf32, #tpu.memory_space<vmem>>, vector<16xf32>,
          %get3A_558 = vector.shape_cast %get3A_557 : vector<16xf32> to vector<16xf32>
          %add3A_559 = arith.addf %add3A_549, %get3A_558 : vector<16xf32>
          %get3A_560 = arith.index_cast %add3A_555 : i32 to index
          %get3A_561 = tpu.vector_load %arg9[%get3A_560] {strides = array<i32>} : memref<10000xf32, #tpu.memory_space<vmem>>, vector<16xf32>,
          %get3A_562 = vector.shape_cast %get3A_561 : vector<16xf32> to vector<16xf32>
          %max3A_563 = arith.maximumf %max3A_553, %get3A_562 : vector<16xf32>
          %add3A_564 = arith.constant 112 : i32
          %add3A_565 = arith.addi %mul3A_496, %add3A_564 : i32
          %get3A_566 = arith.index_cast %add3A_565 : i32 to index
          %get3A_567 = tpu.vector_load %arg7[%get3A_566] {strides = array<i32>} : memref<10000xf32, #tpu.memory_space<vmem>>, vector<16xf32>,
          %get3A_568 = vector.shape_cast %get3A_567 : vector<16xf32> to vector<16xf32>
          %add3A_569 = arith.addf %add3A_559, %get3A_568 : vector<16xf32>
          %get3A_570 = arith.index_cast %add3A_565 : i32 to index
          %get3A_571 = tpu.vector_load %arg9[%get3A_570] {strides = array<i32>} : memref<10000xf32, #tpu.memory_space<vmem>>, vector<16xf32>,
          %get3A_572 = vector.shape_cast %get3A_571 : vector<16xf32> to vector<16xf32>
          %max3A_573 = arith.maximumf %max3A_563, %get3A_572 : vector<16xf32>
          %add3A_574 = arith.constant 128 : i32
          %add3A_575 = arith.addi %mul3A_496, %add3A_574 : i32
          %get3A_576 = arith.index_cast %add3A_575 : i32 to index
          %get3A_577 = tpu.vector_load %arg7[%get3A_576] {strides = array<i32>} : memref<10000xf32, #tpu.memory_space<vmem>>, vector<16xf32>,
          %get3A_578 = vector.shape_cast %get3A_577 : vector<16xf32> to vector<16xf32>
          %add3A_579 = arith.addf %add3A_569, %get3A_578 : vector<16xf32>
          %get3A_580 = arith.index_cast %add3A_575 : i32 to index
          %get3A_581 = tpu.vector_load %arg9[%get3A_580] {strides = array<i32>} : memref<10000xf32, #tpu.memory_space<vmem>>, vector<16xf32>,
          %get3A_582 = vector.shape_cast %get3A_581 : vector<16xf32> to vector<16xf32>
          %max3A_583 = arith.maximumf %max3A_573, %get3A_582 : vector<16xf32>
          %add3A_584 = arith.constant 144 : i32
          %add3A_585 = arith.addi %mul3A_496, %add3A_584 : i32
          %get3A_586 = arith.index_cast %add3A_585 : i32 to index
          %get3A_587 = tpu.vector_load %arg7[%get3A_586] {strides = array<i32>} : memref<10000xf32, #tpu.memory_space<vmem>>, vector<16xf32>,
          %get3A_588 = vector.shape_cast %get3A_587 : vector<16xf32> to vector<16xf32>
          %add3A_589 = arith.addf %add3A_579, %get3A_588 : vector<16xf32>
          %get3A_590 = arith.index_cast %add3A_585 : i32 to index
          %get3A_591 = tpu.vector_load %arg9[%get3A_590] {strides = array<i32>} : memref<10000xf32, #tpu.memory_space<vmem>>, vector<16xf32>,
          %get3A_592 = vector.shape_cast %get3A_591 : vector<16xf32> to vector<16xf32>
          %max3A_593 = arith.maximumf %max3A_583, %get3A_592 : vector<16xf32>
          %add3A_594 = arith.constant 160 : i32
          %add3A_595 = arith.addi %mul3A_496, %add3A_594 : i32
          %get3A_596 = arith.index_cast %add3A_595 : i32 to index
          %get3A_597 = tpu.vector_load %arg7[%get3A_596] {strides = array<i32>} : memref<10000xf32, #tpu.memory_space<vmem>>, vector<16xf32>,
          %get3A_598 = vector.shape_cast %get3A_597 : vector<16xf32> to vector<16xf32>
          %add3A_599 = arith.addf %add3A_589, %get3A_598 : vector<16xf32>
          %get3A_600 = arith.index_cast %add3A_595 : i32 to index
          %get3A_601 = tpu.vector_load %arg9[%get3A_600] {strides = array<i32>} : memref<10000xf32, #tpu.memory_space<vmem>>, vector<16xf32>,
          %get3A_602 = vector.shape_cast %get3A_601 : vector<16xf32> to vector<16xf32>
          %max3A_603 = arith.maximumf %max3A_593, %get3A_602 : vector<16xf32>
          %add3A_604 = arith.constant 176 : i32
          %add3A_605 = arith.addi %mul3A_496, %add3A_604 : i32
          %get3A_606 = arith.index_cast %add3A_605 : i32 to index
          %get3A_607 = tpu.vector_load %arg7[%get3A_606] {strides = array<i32>} : memref<10000xf32, #tpu.memory_space<vmem>>, vector<16xf32>,
          %get3A_608 = vector.shape_cast %get3A_607 : vector<16xf32> to vector<16xf32>
          %add3A_609 = arith.addf %add3A_599, %get3A_608 : vector<16xf32>
          %get3A_610 = arith.index_cast %add3A_605 : i32 to index
          %get3A_611 = tpu.vector_load %arg9[%get3A_610] {strides = array<i32>} : memref<10000xf32, #tpu.memory_space<vmem>>, vector<16xf32>,
          %get3A_612 = vector.shape_cast %get3A_611 : vector<16xf32> to vector<16xf32>
          %max3A_613 = arith.maximumf %max3A_603, %get3A_612 : vector<16xf32>
          %add3A_614 = arith.constant 192 : i32
          %add3A_615 = arith.addi %mul3A_496, %add3A_614 : i32
          %get3A_616 = arith.index_cast %add3A_615 : i32 to index
          %get3A_617 = tpu.vector_load %arg7[%get3A_616] {strides = array<i32>} : memref<10000xf32, #tpu.memory_space<vmem>>, vector<16xf32>,
          %get3A_618 = vector.shape_cast %get3A_617 : vector<16xf32> to vector<16xf32>
          %add3A_619 = arith.addf %add3A_609, %get3A_618 : vector<16xf32>
          %get3A_620 = arith.index_cast %add3A_615 : i32 to index
          %get3A_621 = tpu.vector_load %arg9[%get3A_620] {strides = array<i32>} : memref<10000xf32, #tpu.memory_space<vmem>>, vector<16xf32>,
          %get3A_622 = vector.shape_cast %get3A_621 : vector<16xf32> to vector<16xf32>
          %max3A_623 = arith.maximumf %max3A_613, %get3A_622 : vector<16xf32>
          %add3A_624 = arith.constant 208 : i32
          %add3A_625 = arith.addi %mul3A_496, %add3A_624 : i32
          %get3A_626 = arith.index_cast %add3A_625 : i32 to index
          %get3A_627 = tpu.vector_load %arg7[%get3A_626] {strides = array<i32>} : memref<10000xf32, #tpu.memory_space<vmem>>, vector<16xf32>,
          %get3A_628 = vector.shape_cast %get3A_627 : vector<16xf32> to vector<16xf32>
          %add3A_629 = arith.addf %add3A_619, %get3A_628 : vector<16xf32>
          %get3A_630 = arith.index_cast %add3A_625 : i32 to index
          %get3A_631 = tpu.vector_load %arg9[%get3A_630] {strides = array<i32>} : memref<10000xf32, #tpu.memory_space<vmem>>, vector<16xf32>,
          %get3A_632 = vector.shape_cast %get3A_631 : vector<16xf32> to vector<16xf32>
          %max3A_633 = arith.maximumf %max3A_623, %get3A_632 : vector<16xf32>
          %add3A_634 = arith.constant 224 : i32
          %add3A_635 = arith.addi %mul3A_496, %add3A_634 : i32
          %get3A_636 = arith.index_cast %add3A_635 : i32 to index
          %get3A_637 = tpu.vector_load %arg7[%get3A_636] {strides = array<i32>} : memref<10000xf32, #tpu.memory_space<vmem>>, vector<16xf32>,
          %get3A_638 = vector.shape_cast %get3A_637 : vector<16xf32> to vector<16xf32>
          %add3A_639 = arith.addf %add3A_629, %get3A_638 : vector<16xf32>
          %get3A_640 = arith.index_cast %add3A_635 : i32 to index
          %get3A_641 = tpu.vector_load %arg9[%get3A_640] {strides = array<i32>} : memref<10000xf32, #tpu.memory_space<vmem>>, vector<16xf32>,
          %get3A_642 = vector.shape_cast %get3A_641 : vector<16xf32> to vector<16xf32>
          %max3A_643 = arith.maximumf %max3A_633, %get3A_642 : vector<16xf32>
          %add3A_644 = arith.constant 240 : i32
          %add3A_645 = arith.addi %mul3A_496, %add3A_644 : i32
          %get3A_646 = arith.index_cast %add3A_645 : i32 to index
          %get3A_647 = tpu.vector_load %arg7[%get3A_646] {strides = array<i32>} : memref<10000xf32, #tpu.memory_space<vmem>>, vector<16xf32>,
          %get3A_648 = vector.shape_cast %get3A_647 : vector<16xf32> to vector<16xf32>
          %add3A_649 = arith.addf %add3A_639, %get3A_648 : vector<16xf32>
          %get3A_650 = arith.index_cast %add3A_645 : i32 to index
          %get3A_651 = tpu.vector_load %arg9[%get3A_650] {strides = array<i32>} : memref<10000xf32, #tpu.memory_space<vmem>>, vector<16xf32>,
          %get3A_652 = vector.shape_cast %get3A_651 : vector<16xf32> to vector<16xf32>
          %max3A_653 = arith.maximumf %max3A_643, %get3A_652 : vector<16xf32>
          %add3A_654 = arith.constant 256 : i32
          %add3A_655 = arith.addi %mul3A_496, %add3A_654 : i32
          %get3A_656 = arith.index_cast %add3A_655 : i32 to index
          %get3A_657 = tpu.vector_load %arg7[%get3A_656] {strides = array<i32>} : memref<10000xf32, #tpu.memory_space<vmem>>, vector<16xf32>,
          %get3A_658 = vector.shape_cast %get3A_657 : vector<16xf32> to vector<16xf32>
          %add3A_659 = arith.addf %add3A_649, %get3A_658 : vector<16xf32>
          %get3A_660 = arith.index_cast %add3A_655 : i32 to index
          %get3A_661 = tpu.vector_load %arg9[%get3A_660] {strides = array<i32>} : memref<10000xf32, #tpu.memory_space<vmem>>, vector<16xf32>,
          %get3A_662 = vector.shape_cast %get3A_661 : vector<16xf32> to vector<16xf32>
          %max3A_663 = arith.maximumf %max3A_653, %get3A_662 : vector<16xf32>
          %add3A_664 = arith.constant 272 : i32
          %add3A_665 = arith.addi %mul3A_496, %add3A_664 : i32
          %get3A_666 = arith.index_cast %add3A_665 : i32 to index
          %get3A_667 = tpu.vector_load %arg7[%get3A_666] {strides = array<i32>} : memref<10000xf32, #tpu.memory_space<vmem>>, vector<16xf32>,
          %get3A_668 = vector.shape_cast %get3A_667 : vector<16xf32> to vector<16xf32>
          %add3A_669 = arith.addf %add3A_659, %get3A_668 : vector<16xf32>
          %get3A_670 = arith.index_cast %add3A_665 : i32 to index
          %get3A_671 = tpu.vector_load %arg9[%get3A_670] {strides = array<i32>} : memref<10000xf32, #tpu.memory_space<vmem>>, vector<16xf32>,
          %get3A_672 = vector.shape_cast %get3A_671 : vector<16xf32> to vector<16xf32>
          %max3A_673 = arith.maximumf %max3A_663, %get3A_672 : vector<16xf32>
          %add3A_674 = arith.constant 288 : i32
          %add3A_675 = arith.addi %mul3A_496, %add3A_674 : i32
          %get3A_676 = arith.index_cast %add3A_675 : i32 to index
          %get3A_677 = tpu.vector_load %arg7[%get3A_676] {strides = array<i32>} : memref<10000xf32, #tpu.memory_space<vmem>>, vector<16xf32>,
          %get3A_678 = vector.shape_cast %get3A_677 : vector<16xf32> to vector<16xf32>
          %add3A_679 = arith.addf %add3A_669, %get3A_678 : vector<16xf32>
          %get3A_680 = arith.index_cast %add3A_675 : i32 to index
          %get3A_681 = tpu.vector_load %arg9[%get3A_680] {strides = array<i32>} : memref<10000xf32, #tpu.memory_space<vmem>>, vector<16xf32>,
          %get3A_682 = vector.shape_cast %get3A_681 : vector<16xf32> to vector<16xf32>
          %max3A_683 = arith.maximumf %max3A_673, %get3A_682 : vector<16xf32>
          %add3A_684 = arith.constant 304 : i32
          %add3A_685 = arith.addi %mul3A_496, %add3A_684 : i32
          %get3A_686 = arith.index_cast %add3A_685 : i32 to index
          %get3A_687 = tpu.vector_load %arg7[%get3A_686] {strides = array<i32>} : memref<10000xf32, #tpu.memory_space<vmem>>, vector<16xf32>,
          %get3A_688 = vector.shape_cast %get3A_687 : vector<16xf32> to vector<16xf32>
          %add3A_689 = arith.addf %add3A_679, %get3A_688 : vector<16xf32>
          %get3A_690 = arith.index_cast %add3A_685 : i32 to index
          %get3A_691 = tpu.vector_load %arg9[%get3A_690] {strides = array<i32>} : memref<10000xf32, #tpu.memory_space<vmem>>, vector<16xf32>,
          %get3A_692 = vector.shape_cast %get3A_691 : vector<16xf32> to vector<16xf32>
          %max3A_693 = arith.maximumf %max3A_683, %get3A_692 : vector<16xf32>
          %add3A_694 = arith.constant 320 : i32
          %add3A_695 = arith.addi %mul3A_496, %add3A_694 : i32
          %get3A_696 = arith.index_cast %add3A_695 : i32 to index
          %get3A_697 = tpu.vector_load %arg7[%get3A_696] {strides = array<i32>} : memref<10000xf32, #tpu.memory_space<vmem>>, vector<16xf32>,
          %get3A_698 = vector.shape_cast %get3A_697 : vector<16xf32> to vector<16xf32>
          %add3A_699 = arith.addf %add3A_689, %get3A_698 : vector<16xf32>
          %get3A_700 = arith.index_cast %add3A_695 : i32 to index
          %get3A_701 = tpu.vector_load %arg9[%get3A_700] {strides = array<i32>} : memref<10000xf32, #tpu.memory_space<vmem>>, vector<16xf32>,
          %get3A_702 = vector.shape_cast %get3A_701 : vector<16xf32> to vector<16xf32>
          %max3A_703 = arith.maximumf %max3A_693, %get3A_702 : vector<16xf32>
          %add3A_704 = arith.constant 336 : i32
          %add3A_705 = arith.addi %mul3A_496, %add3A_704 : i32
          %get3A_706 = arith.index_cast %add3A_705 : i32 to index
          %get3A_707 = tpu.vector_load %arg7[%get3A_706] {strides = array<i32>} : memref<10000xf32, #tpu.memory_space<vmem>>, vector<16xf32>,
          %get3A_708 = vector.shape_cast %get3A_707 : vector<16xf32> to vector<16xf32>
          %add3A_709 = arith.addf %add3A_699, %get3A_708 : vector<16xf32>
          %get3A_710 = arith.index_cast %add3A_705 : i32 to index
          %get3A_711 = tpu.vector_load %arg9[%get3A_710] {strides = array<i32>} : memref<10000xf32, #tpu.memory_space<vmem>>, vector<16xf32>,
          %get3A_712 = vector.shape_cast %get3A_711 : vector<16xf32> to vector<16xf32>
          %max3A_713 = arith.maximumf %max3A_703, %get3A_712 : vector<16xf32>
          %add3A_714 = arith.constant 352 : i32
          %add3A_715 = arith.addi %mul3A_496, %add3A_714 : i32
          %get3A_716 = arith.index_cast %add3A_715 : i32 to index
          %get3A_717 = tpu.vector_load %arg7[%get3A_716] {strides = array<i32>} : memref<10000xf32, #tpu.memory_space<vmem>>, vector<16xf32>,
          %get3A_718 = vector.shape_cast %get3A_717 : vector<16xf32> to vector<16xf32>
          %add3A_719 = arith.addf %add3A_709, %get3A_718 : vector<16xf32>
          %get3A_720 = arith.index_cast %add3A_715 : i32 to index
          %get3A_721 = tpu.vector_load %arg9[%get3A_720] {strides = array<i32>} : memref<10000xf32, #tpu.memory_space<vmem>>, vector<16xf32>,
          %get3A_722 = vector.shape_cast %get3A_721 : vector<16xf32> to vector<16xf32>
          %max3A_723 = arith.maximumf %max3A_713, %get3A_722 : vector<16xf32>
          %add3A_724 = arith.constant 368 : i32
          %add3A_725 = arith.addi %mul3A_496, %add3A_724 : i32
          %get3A_726 = arith.index_cast %add3A_725 : i32 to index
          %get3A_727 = tpu.vector_load %arg7[%get3A_726] {strides = array<i32>} : memref<10000xf32, #tpu.memory_space<vmem>>, vector<16xf32>,
          %get3A_728 = vector.shape_cast %get3A_727 : vector<16xf32> to vector<16xf32>
          %add3A_729 = arith.addf %add3A_719, %get3A_728 : vector<16xf32>
          %get3A_730 = arith.index_cast %add3A_725 : i32 to index
          %get3A_731 = tpu.vector_load %arg9[%get3A_730] {strides = array<i32>} : memref<10000xf32, #tpu.memory_space<vmem>>, vector<16xf32>,
          %get3A_732 = vector.shape_cast %get3A_731 : vector<16xf32> to vector<16xf32>
          %max3A_733 = arith.maximumf %max3A_723, %get3A_732 : vector<16xf32>
          %add3A_734 = arith.constant 384 : i32
          %add3A_735 = arith.addi %mul3A_496, %add3A_734 : i32
          %get3A_736 = arith.index_cast %add3A_735 : i32 to index
          %get3A_737 = tpu.vector_load %arg7[%get3A_736] {strides = array<i32>} : memref<10000xf32, #tpu.memory_space<vmem>>, vector<16xf32>,
          %get3A_738 = vector.shape_cast %get3A_737 : vector<16xf32> to vector<16xf32>
          %add3A_739 = arith.addf %add3A_729, %get3A_738 : vector<16xf32>
          %get3A_740 = arith.index_cast %add3A_735 : i32 to index
          %get3A_741 = tpu.vector_load %arg9[%get3A_740] {strides = array<i32>} : memref<10000xf32, #tpu.memory_space<vmem>>, vector<16xf32>,
          %get3A_742 = vector.shape_cast %get3A_741 : vector<16xf32> to vector<16xf32>
          %max3A_743 = arith.maximumf %max3A_733, %get3A_742 : vector<16xf32>
          %mul3A_744 = arith.constant 25 : i32
          %mul3A_745 = arith.muli %add3A_479, %mul3A_744 : i32
          %add3A_746 = arith.addi %mul3A_745, %scan3A_493 : i32
          %mul3A_747 = arith.constant 16 : i32
          %mul3A_748 = arith.muli %add3A_746, %mul3A_747 : i32
          %swap3A_749 = arith.index_cast %mul3A_748 : i32 to index
          %swap3A_750 = tpu.vector_load %arg10[%swap3A_749] {strides = array<i32>} : memref<4000xf32, #tpu.memory_space<vmem>>, vector<16xf32>,
          %swap3A_751 = vector.shape_cast %swap3A_750 : vector<16xf32> to vector<16xf32>
          %swap3A_752 = vector.shape_cast %max3A_743 : vector<16xf32> to vector<16xf32>
          tpu.vector_store %arg10[%swap3A_749], %swap3A_752 {strides = array<i32>} : memref<4000xf32, #tpu.memory_space<vmem>>, vector<16xf32>,
          scf.yield %add3A_739 : vector<16xf32>
        }
        %scan3A_485 = arith.constant 25 : i32
        %add3A_486 = arith.constant 1 : i32
        %add3A_487 = arith.addi %scan3A_437, %add3A_486 : i32
        %lt3A_488 = arith.constant 5 : i32
        %lt3A_489 = arith.cmpi slt, %add3A_487, %lt3A_488 : i32
        %convert_element_type3A_490 = arith.extui %lt3A_489 : i1 to i32
        %cond3A_491 = arith.constant 0 : i32
        %cond3A_492 = arith.cmpi ne, %convert_element_type3A_490, %cond3A_491 : i32
        scf.if %cond3A_492 {
          %add3A_493 = arith.constant 3 : i32
          %add3A_494 = arith.addi %mul3A_440, %add3A_493 : i32
          %mul3A_495 = arith.constant 10000 : i32
          %mul3A_496 = arith.muli %add3A_494, %mul3A_495 : i32
          %add3A_497 = arith.addi %mul3A_46, %mul3A_496 : i32
          %dma_start3A_498 = tpu.memref_slice %arg2[%add3A_497] : memref<12800000xf32, #tpu.memory_space<hbm>> -> memref<10000xf32, #tpu.memory_space<hbm>>
          %dma_start3A_499 = tpu.memref_slice %arg2[%add3A_497] : memref<12800000xf32, #tpu.memory_space<hbm>> -> memref<10000xf32, #tpu.memory_space<hbm>>
          tpu.enqueue_dma source(%dma_start3A_499 : memref<10000xf32, #tpu.memory_space<hbm>>) target(%arg7 : memref<10000xf32, #tpu.memory_space<vmem>>) target_semaphore(%arg20 : memref<!tpu.dma_semaphore, #tpu.memory_space<semaphore_mem>>)
          %add3A_500 = arith.constant 3 : i32
          %add3A_501 = arith.addi %mul3A_440, %add3A_500 : i32
          %mul3A_502 = arith.constant 10000 : i32
          %mul3A_503 = arith.muli %add3A_501, %mul3A_502 : i32
          %add3A_504 = arith.addi %mul3A_46, %mul3A_503 : i32
          %dma_start3A_505 = tpu.memref_slice %arg3[%add3A_504] : memref<12800000xf32, #tpu.memory_space<hbm>> -> memref<10000xf32, #tpu.memory_space<hbm>>
          %dma_start3A_506 = tpu.memref_slice %arg3[%add3A_504] : memref<12800000xf32, #tpu.memory_space<hbm>> -> memref<10000xf32, #tpu.memory_space<hbm>>
          tpu.enqueue_dma source(%dma_start3A_506 : memref<10000xf32, #tpu.memory_space<hbm>>) target(%arg9 : memref<10000xf32, #tpu.memory_space<vmem>>) target_semaphore(%arg22 : memref<!tpu.dma_semaphore, #tpu.memory_space<semaphore_mem>>)
        } else {
        }
        scf.yield %scan3A_484 : vector<16xf32>
      }
      %scan3A_54 = arith.constant 5 : i32
      %add3A_55 = arith.constant 1 : i32
      %add3A_56 = arith.addi %scan3A_39, %add3A_55 : i32
      %lt3A = arith.constant 4 : i32
      %lt3A_57 = arith.cmpi slt, %add3A_56, %lt3A : i32
      %convert_element_type3A = arith.extui %lt3A_57 : i1 to i32
      %cond3A = arith.constant 0 : i32
      %cond3A_58 = arith.cmpi ne, %convert_element_type3A, %cond3A : i32
      scf.if %cond3A_58 {
        %add3A_437 = arith.constant 100000 : i32
        %add3A_438 = arith.addi %mul3A_46, %add3A_437 : i32
        %add3A_439 = arith.constant 0 : i32
        %add3A_440 = arith.addi %add3A_438, %add3A_439 : i32
        %dma_start3A_441 = tpu.memref_slice %arg2[%add3A_440] : memref<12800000xf32, #tpu.memory_space<hbm>> -> memref<10000xf32, #tpu.memory_space<hbm>>
        %dma_start3A_442 = tpu.memref_slice %arg2[%add3A_440] : memref<12800000xf32, #tpu.memory_space<hbm>> -> memref<10000xf32, #tpu.memory_space<hbm>>
        tpu.enqueue_dma source(%dma_start3A_442 : memref<10000xf32, #tpu.memory_space<hbm>>) target(%arg6 : memref<10000xf32, #tpu.memory_space<vmem>>) target_semaphore(%arg19 : memref<!tpu.dma_semaphore, #tpu.memory_space<semaphore_mem>>)
        %add3A_443 = arith.constant 0 : i32
        %add3A_444 = arith.addi %add3A_438, %add3A_443 : i32
        %dma_start3A_445 = tpu.memref_slice %arg3[%add3A_444] : memref<12800000xf32, #tpu.memory_space<hbm>> -> memref<10000xf32, #tpu.memory_space<hbm>>
        %dma_start3A_446 = tpu.memref_slice %arg3[%add3A_444] : memref<12800000xf32, #tpu.memory_space<hbm>> -> memref<10000xf32, #tpu.memory_space<hbm>>
        tpu.enqueue_dma source(%dma_start3A_446 : memref<10000xf32, #tpu.memory_space<hbm>>) target(%arg8 : memref<10000xf32, #tpu.memory_space<vmem>>) target_semaphore(%arg21 : memref<!tpu.dma_semaphore, #tpu.memory_space<semaphore_mem>>)
        %add3A_447 = arith.constant 10000 : i32
        %add3A_448 = arith.addi %add3A_438, %add3A_447 : i32
        %dma_start3A_449 = tpu.memref_slice %arg2[%add3A_448] : memref<12800000xf32, #tpu.memory_space<hbm>> -> memref<10000xf32, #tpu.memory_space<hbm>>
        %dma_start3A_450 = tpu.memref_slice %arg2[%add3A_448] : memref<12800000xf32, #tpu.memory_space<hbm>> -> memref<10000xf32, #tpu.memory_space<hbm>>
        tpu.enqueue_dma source(%dma_start3A_450 : memref<10000xf32, #tpu.memory_space<hbm>>) target(%arg7 : memref<10000xf32, #tpu.memory_space<vmem>>) target_semaphore(%arg20 : memref<!tpu.dma_semaphore, #tpu.memory_space<semaphore_mem>>)
        %add3A_451 = arith.constant 10000 : i32
        %add3A_452 = arith.addi %add3A_438, %add3A_451 : i32
        %dma_start3A_453 = tpu.memref_slice %arg3[%add3A_452] : memref<12800000xf32, #tpu.memory_space<hbm>> -> memref<10000xf32, #tpu.memory_space<hbm>>
        %dma_start3A_454 = tpu.memref_slice %arg3[%add3A_452] : memref<12800000xf32, #tpu.memory_space<hbm>> -> memref<10000xf32, #tpu.memory_space<hbm>>
        tpu.enqueue_dma source(%dma_start3A_454 : memref<10000xf32, #tpu.memory_space<hbm>>) target(%arg9 : memref<10000xf32, #tpu.memory_space<vmem>>) target_semaphore(%arg22 : memref<!tpu.dma_semaphore, #tpu.memory_space<semaphore_mem>>)
      } else {
      }
      %iota3A_59 = tpu.iota {dimensions = array<i32: 0>} : vector<16xi32>
      %xor3A = arith.constant 1 : i32
      %xor3A_60 = vector.broadcast %xor3A : i32 to vector<16xi32>
      %xor3A_61 = arith.xori %iota3A_59, %xor3A_60 : vector<16xi32>
      %broadcast_in_dim3A_62 = vector.shape_cast %xor3A_61 : vector<16xi32> to vector<16x1xi32>
      %gather3A = vector.shape_cast %broadcast_in_dim3A_62 : vector<16x1xi32> to vector<16xi32>
      %gather3A_63 = tpu.dynamic_gather %scan3A_53[%gather3A] in [0] : vector<16xf32>, vector<16xi32> -> vector<16xf32>
      %add3A_64 = arith.addf %scan3A_53, %gather3A_63 : vector<16xf32>
      %xor3A_65 = arith.constant 2 : i32
      %xor3A_66 = vector.broadcast %xor3A_65 : i32 to vector<16xi32>
      %xor3A_67 = arith.xori %iota3A_59, %xor3A_66 : vector<16xi32>
      %broadcast_in_dim3A_68 = vector.shape_cast %xor3A_67 : vector<16xi32> to vector<16x1xi32>
      %gather3A_69 = vector.shape_cast %broadcast_in_dim3A_68 : vector<16x1xi32> to vector<16xi32>
      %gather3A_70 = tpu.dynamic_gather %add3A_64[%gather3A_69] in [0] : vector<16xf32>, vector<16xi32> -> vector<16xf32>
      %add3A_71 = arith.addf %add3A_64, %gather3A_70 : vector<16xf32>
      %xor3A_72 = arith.constant 4 : i32
      %xor3A_73 = vector.broadcast %xor3A_72 : i32 to vector<16xi32>
      %xor3A_74 = arith.xori %iota3A_59, %xor3A_73 : vector<16xi32>
      %broadcast_in_dim3A_75 = vector.shape_cast %xor3A_74 : vector<16xi32> to vector<16x1xi32>
      %gather3A_76 = vector.shape_cast %broadcast_in_dim3A_75 : vector<16x1xi32> to vector<16xi32>
      %gather3A_77 = tpu.dynamic_gather %add3A_71[%gather3A_76] in [0] : vector<16xf32>, vector<16xi32> -> vector<16xf32>
      %add3A_78 = arith.addf %add3A_71, %gather3A_77 : vector<16xf32>
      %xor3A_79 = arith.constant 8 : i32
      %xor3A_80 = vector.broadcast %xor3A_79 : i32 to vector<16xi32>
      %xor3A_81 = arith.xori %iota3A_59, %xor3A_80 : vector<16xi32>
      %broadcast_in_dim3A_82 = vector.shape_cast %xor3A_81 : vector<16xi32> to vector<16x1xi32>
      %gather3A_83 = vector.shape_cast %broadcast_in_dim3A_82 : vector<16x1xi32> to vector<16xi32>
      %gather3A_84 = tpu.dynamic_gather %add3A_78[%gather3A_83] in [0] : vector<16xf32>, vector<16xi32> -> vector<16xf32>
      %add3A_85 = arith.addf %add3A_78, %gather3A_84 : vector<16xf32>
      %mul3A_86 = arith.constant 9.99999996E-13 : f32
      %mul3A_87 = vector.broadcast %mul3A_86 : f32 to vector<16xf32>
      %mul3A_88 = arith.mulf %add3A_85, %mul3A_87 : vector<16xf32>
      %add3A_89 = arith.constant 1.000000e+00 : f32
      %add3A_90 = vector.broadcast %add3A_89 : f32 to vector<16xf32>
      %add3A_91 = arith.addf %add3A_90, %mul3A_88 : vector<16xf32>
      %mul3A_92 = arith.constant 1.000010e+00 : f32
      %mul3A_93 = vector.broadcast %mul3A_92 : f32 to vector<16xf32>
      %mul3A_94 = arith.mulf %add3A_91, %mul3A_93 : vector<16xf32>
      %broadcast_in_dim3A_95 = arith.constant 0.000000e+00 : f32
      %broadcast_in_dim3A_96 = vector.broadcast %broadcast_in_dim3A_95 : f32 to vector<16xf32>
      %swap3A_97 = arith.constant 0 : index
      %swap3A_98 = tpu.vector_load %arg15[%swap3A_97] {strides = array<i32>} : memref<16xf32, #tpu.memory_space<vmem>>, vector<16xf32>,
      %swap3A_99 = vector.shape_cast %swap3A_98 : vector<16xf32> to vector<16xf32>
      %swap3A_100 = vector.shape_cast %broadcast_in_dim3A_96 : vector<16xf32> to vector<16xf32>
      tpu.vector_store %arg15[%swap3A_97], %swap3A_100 {strides = array<i32>} : memref<16xf32, #tpu.memory_space<vmem>>, vector<16xf32>,
      %broadcast_in_dim3A_101 = arith.constant 1.000000e+00 : f32
      %broadcast_in_dim3A_102 = vector.broadcast %broadcast_in_dim3A_101 : f32 to vector<16xf32>
      %swap3A_103 = arith.constant 0 : index
      %swap3A_104 = tpu.vector_load %arg16[%swap3A_103] {strides = array<i32>} : memref<16xf32, #tpu.memory_space<vmem>>, vector<16xf32>,
      %swap3A_105 = vector.shape_cast %swap3A_104 : vector<16xf32> to vector<16xf32>
      %swap3A_106 = vector.shape_cast %broadcast_in_dim3A_102 : vector<16xf32> to vector<16xf32>
      tpu.vector_store %arg16[%swap3A_103], %swap3A_106 {strides = array<i32>} : memref<16xf32, #tpu.memory_space<vmem>>, vector<16xf32>,
      %broadcast_in_dim3A_107 = arith.constant 0 : i32
      %broadcast_in_dim3A_108 = vector.broadcast %broadcast_in_dim3A_107 : i32 to vector<16xi32>
      %swap3A_109 = arith.constant 0 : index
      %swap3A_110 = tpu.vector_load %arg17[%swap3A_109] {strides = array<i32>} : memref<16xi32, #tpu.memory_space<vmem>>, vector<16xi32>,
      %swap3A_111 = vector.shape_cast %swap3A_110 : vector<16xi32> to vector<16xi32>
      %swap3A_112 = vector.shape_cast %broadcast_in_dim3A_108 : vector<16xi32> to vector<16xi32>
      tpu.vector_store %arg17[%swap3A_109], %swap3A_112 {strides = array<i32>} : memref<16xi32, #tpu.memory_space<vmem>>, vector<16xi32>,
      %broadcast_in_dim3A_113 = arith.constant -1.000000e+00 : f32
      %broadcast_in_dim3A_114 = vector.broadcast %broadcast_in_dim3A_113 : f32 to vector<16xf32>
      %broadcast_in_dim3A_115 = arith.constant 0 : i32
      %broadcast_in_dim3A_116 = vector.broadcast %broadcast_in_dim3A_115 : i32 to vector<16xi32>
      %scan3A_117 = arith.constant 0 : i32
      %scan3A_118 = arith.constant 250 : i32
      %scan3A_119 = arith.addi %scan3A_117, %scan3A_118 : i32
      %scan3A_120 = arith.constant 1 : i32
      %scan3A_121:2 = scf.for %scan3A_437 = %scan3A_117 to %scan3A_119 step %scan3A_120 iter_args(%scan3A_438 = %broadcast_in_dim3A_114, %scan3A_439 = %broadcast_in_dim3A_116) -> (vector<16xf32>, vector<16xi32>)  : i32 {
        %mul3A_440 = arith.constant 16 : i32
        %mul3A_441 = arith.muli %scan3A_437, %mul3A_440 : i32
        %get3A_442 = arith.index_cast %mul3A_441 : i32 to index
        %get3A_443 = tpu.vector_load %arg10[%get3A_442] {strides = array<i32>} : memref<4000xf32, #tpu.memory_space<vmem>>, vector<16xf32>,
        %get3A_444 = vector.shape_cast %get3A_443 : vector<16xf32> to vector<16xf32>
        %gt3A = arith.cmpf ogt, %get3A_444, %scan3A_438 : vector<16xf32>
        %select_n3A_445 = arith.select %gt3A, %get3A_444, %scan3A_438 : vector<16xi1>, vector<16xf32>
        %broadcast_in_dim3A_446 = vector.broadcast %scan3A_437 : i32 to vector<16xi32>
        %select_n3A_447 = arith.select %gt3A, %broadcast_in_dim3A_446, %scan3A_439 : vector<16xi1>, vector<16xi32>
        scf.yield %select_n3A_445, %select_n3A_447 : vector<16xf32>, vector<16xi32>
      }
      %scan3A_122 = arith.constant 250 : i32
      %iota3A_123 = tpu.iota {dimensions = array<i32: 0>} : vector<16xi32>
      %xor3A_124 = arith.constant 1 : i32
      %xor3A_125 = vector.broadcast %xor3A_124 : i32 to vector<16xi32>
      %xor3A_126 = arith.xori %iota3A_123, %xor3A_125 : vector<16xi32>
      %broadcast_in_dim3A_127 = vector.shape_cast %xor3A_126 : vector<16xi32> to vector<16x1xi32>
      %gather3A_128 = vector.shape_cast %broadcast_in_dim3A_127 : vector<16x1xi32> to vector<16xi32>
      %gather3A_129 = tpu.dynamic_gather %scan3A_121#0[%gather3A_128] in [0] : vector<16xf32>, vector<16xi32> -> vector<16xf32>
      %max3A = arith.maximumf %scan3A_121#0, %gather3A_129 : vector<16xf32>
      %xor3A_130 = arith.constant 2 : i32
      %xor3A_131 = vector.broadcast %xor3A_130 : i32 to vector<16xi32>
      %xor3A_132 = arith.xori %iota3A_123, %xor3A_131 : vector<16xi32>
      %broadcast_in_dim3A_133 = vector.shape_cast %xor3A_132 : vector<16xi32> to vector<16x1xi32>
      %gather3A_134 = vector.shape_cast %broadcast_in_dim3A_133 : vector<16x1xi32> to vector<16xi32>
      %gather3A_135 = tpu.dynamic_gather %max3A[%gather3A_134] in [0] : vector<16xf32>, vector<16xi32> -> vector<16xf32>
      %max3A_136 = arith.maximumf %max3A, %gather3A_135 : vector<16xf32>
      %xor3A_137 = arith.constant 4 : i32
      %xor3A_138 = vector.broadcast %xor3A_137 : i32 to vector<16xi32>
      %xor3A_139 = arith.xori %iota3A_123, %xor3A_138 : vector<16xi32>
      %broadcast_in_dim3A_140 = vector.shape_cast %xor3A_139 : vector<16xi32> to vector<16x1xi32>
      %gather3A_141 = vector.shape_cast %broadcast_in_dim3A_140 : vector<16x1xi32> to vector<16xi32>
      %gather3A_142 = tpu.dynamic_gather %max3A_136[%gather3A_141] in [0] : vector<16xf32>, vector<16xi32> -> vector<16xf32>
      %max3A_143 = arith.maximumf %max3A_136, %gather3A_142 : vector<16xf32>
      %xor3A_144 = arith.constant 8 : i32
      %xor3A_145 = vector.broadcast %xor3A_144 : i32 to vector<16xi32>
      %xor3A_146 = arith.xori %iota3A_123, %xor3A_145 : vector<16xi32>
      %broadcast_in_dim3A_147 = vector.shape_cast %xor3A_146 : vector<16xi32> to vector<16x1xi32>
      %gather3A_148 = vector.shape_cast %broadcast_in_dim3A_147 : vector<16x1xi32> to vector<16xi32>
      %gather3A_149 = tpu.dynamic_gather %max3A_143[%gather3A_148] in [0] : vector<16xf32>, vector<16xi32> -> vector<16xf32>
      %max3A_150 = arith.maximumf %max3A_143, %gather3A_149 : vector<16xf32>
      %eq3A = arith.cmpf oeq, %scan3A_121#0, %max3A_150 : vector<16xf32>
      %jit3A = arith.constant -1 : i32
      %broadcast_in_dim3A_151 = vector.broadcast %jit3A : i32 to vector<16xi32>
      %select_n3A = arith.select %eq3A, %scan3A_121#1, %broadcast_in_dim3A_151 : vector<16xi1>, vector<16xi32>
      %iota3A_152 = tpu.iota {dimensions = array<i32: 0>} : vector<16xi32>
      %xor3A_153 = arith.constant 1 : i32
      %xor3A_154 = vector.broadcast %xor3A_153 : i32 to vector<16xi32>
      %xor3A_155 = arith.xori %iota3A_152, %xor3A_154 : vector<16xi32>
      %broadcast_in_dim3A_156 = vector.shape_cast %xor3A_155 : vector<16xi32> to vector<16x1xi32>
      %gather3A_157 = vector.shape_cast %broadcast_in_dim3A_156 : vector<16x1xi32> to vector<16xi32>
      %gather3A_158 = tpu.dynamic_gather %select_n3A[%gather3A_157] in [0] : vector<16xi32>, vector<16xi32> -> vector<16xi32>
      %max3A_159 = arith.maxsi %select_n3A, %gather3A_158 : vector<16xi32>
      %xor3A_160 = arith.constant 2 : i32
      %xor3A_161 = vector.broadcast %xor3A_160 : i32 to vector<16xi32>
      %xor3A_162 = arith.xori %iota3A_152, %xor3A_161 : vector<16xi32>
      %broadcast_in_dim3A_163 = vector.shape_cast %xor3A_162 : vector<16xi32> to vector<16x1xi32>
      %gather3A_164 = vector.shape_cast %broadcast_in_dim3A_163 : vector<16x1xi32> to vector<16xi32>
      %gather3A_165 = tpu.dynamic_gather %max3A_159[%gather3A_164] in [0] : vector<16xi32>, vector<16xi32> -> vector<16xi32>
      %max3A_166 = arith.maxsi %max3A_159, %gather3A_165 : vector<16xi32>
      %xor3A_167 = arith.constant 4 : i32
      %xor3A_168 = vector.broadcast %xor3A_167 : i32 to vector<16xi32>
      %xor3A_169 = arith.xori %iota3A_152, %xor3A_168 : vector<16xi32>
      %broadcast_in_dim3A_170 = vector.shape_cast %xor3A_169 : vector<16xi32> to vector<16x1xi32>
      %gather3A_171 = vector.shape_cast %broadcast_in_dim3A_170 : vector<16x1xi32> to vector<16xi32>
      %gather3A_172 = tpu.dynamic_gather %max3A_166[%gather3A_171] in [0] : vector<16xi32>, vector<16xi32> -> vector<16xi32>
      %max3A_173 = arith.maxsi %max3A_166, %gather3A_172 : vector<16xi32>
      %xor3A_174 = arith.constant 8 : i32
      %xor3A_175 = vector.broadcast %xor3A_174 : i32 to vector<16xi32>
      %xor3A_176 = arith.xori %iota3A_152, %xor3A_175 : vector<16xi32>
      %broadcast_in_dim3A_177 = vector.shape_cast %xor3A_176 : vector<16xi32> to vector<16x1xi32>
      %gather3A_178 = vector.shape_cast %broadcast_in_dim3A_177 : vector<16x1xi32> to vector<16xi32>
      %gather3A_179 = tpu.dynamic_gather %max3A_173[%gather3A_178] in [0] : vector<16xi32>, vector<16xi32> -> vector<16xi32>
      %max3A_180 = arith.maxsi %max3A_173, %gather3A_179 : vector<16xi32>
      %slice3A = vector.extract_strided_slice %max3A_180 {offsets = [0], sizes = [1], strides = [1]} : vector<16xi32> to vector<1xi32>
      %squeeze3A = vector.extract %slice3A[0] : i32 from vector<1xi32>
      %mul3A_181 = arith.constant 400 : i32
      %mul3A_182 = arith.muli %squeeze3A, %mul3A_181 : i32
      %add3A_183 = arith.addi %mul3A_46, %mul3A_182 : i32
      %dma_start3A_184 = tpu.memref_slice %arg2[%add3A_183] : memref<12800000xf32, #tpu.memory_space<hbm>> -> memref<400xf32, #tpu.memory_space<hbm>>
      %dma_start3A_185 = tpu.memref_slice %arg2[%add3A_183] : memref<12800000xf32, #tpu.memory_space<hbm>> -> memref<400xf32, #tpu.memory_space<hbm>>
      tpu.enqueue_dma source(%dma_start3A_185 : memref<400xf32, #tpu.memory_space<hbm>>) target(%arg11 : memref<400xf32, #tpu.memory_space<vmem>>) target_semaphore(%arg23 : memref<!tpu.dma_semaphore, #tpu.memory_space<semaphore_mem>>)
      %add3A_186 = arith.addi %mul3A_46, %mul3A_182 : i32
      %dma_start3A_187 = tpu.memref_slice %arg3[%add3A_186] : memref<12800000xf32, #tpu.memory_space<hbm>> -> memref<400xf32, #tpu.memory_space<hbm>>
      %dma_start3A_188 = tpu.memref_slice %arg3[%add3A_186] : memref<12800000xf32, #tpu.memory_space<hbm>> -> memref<400xf32, #tpu.memory_space<hbm>>
      tpu.enqueue_dma source(%dma_start3A_188 : memref<400xf32, #tpu.memory_space<hbm>>) target(%arg12 : memref<400xf32, #tpu.memory_space<vmem>>) target_semaphore(%arg24 : memref<!tpu.dma_semaphore, #tpu.memory_space<semaphore_mem>>)
      %dma_wait3A = tpu.memref_slice %arg2[%add3A_183] : memref<12800000xf32, #tpu.memory_space<hbm>> -> memref<400xf32, #tpu.memory_space<hbm>>
      %dma_wait3A_189 = tpu.memref_slice %arg2[%add3A_183] : memref<12800000xf32, #tpu.memory_space<hbm>> -> memref<400xf32, #tpu.memory_space<hbm>>
      tpu.wait_dma2 semaphore(%arg23 : memref<!tpu.dma_semaphore, #tpu.memory_space<semaphore_mem>>) src(%dma_wait3A_189 : memref<400xf32, #tpu.memory_space<hbm>>) dst(%arg11 : memref<400xf32, #tpu.memory_space<vmem>>)
      %dma_wait3A_190 = tpu.memref_slice %arg3[%add3A_186] : memref<12800000xf32, #tpu.memory_space<hbm>> -> memref<400xf32, #tpu.memory_space<hbm>>
      %dma_wait3A_191 = tpu.memref_slice %arg3[%add3A_186] : memref<12800000xf32, #tpu.memory_space<hbm>> -> memref<400xf32, #tpu.memory_space<hbm>>
      tpu.wait_dma2 semaphore(%arg24 : memref<!tpu.dma_semaphore, #tpu.memory_space<semaphore_mem>>) src(%dma_wait3A_191 : memref<400xf32, #tpu.memory_space<hbm>>) dst(%arg12 : memref<400xf32, #tpu.memory_space<vmem>>)
      %scan3A_192 = arith.constant 0 : i32
      %scan3A_193 = arith.constant 0 : i32
      %scan3A_194 = arith.constant 25 : i32
      %scan3A_195 = arith.addi %scan3A_193, %scan3A_194 : i32
      %scan3A_196 = arith.constant 1 : i32
      scf.for %scan3A_437 = %scan3A_193 to %scan3A_195 step %scan3A_196  : i32 {
        %mul3A_438 = arith.constant 16 : i32
        %mul3A_439 = arith.muli %scan3A_437, %mul3A_438 : i32
        %get3A_440 = arith.index_cast %mul3A_439 : i32 to index
        %get3A_441 = tpu.vector_load %arg12[%get3A_440] {strides = array<i32>} : memref<400xf32, #tpu.memory_space<vmem>>, vector<16xf32>,
        %get3A_442 = vector.shape_cast %get3A_441 : vector<16xf32> to vector<16xf32>
        %get3A_443 = arith.index_cast %mul3A_439 : i32 to index
        %get3A_444 = tpu.vector_load %arg11[%get3A_443] {strides = array<i32>} : memref<400xf32, #tpu.memory_space<vmem>>, vector<16xf32>,
        %get3A_445 = vector.shape_cast %get3A_444 : vector<16xf32> to vector<16xf32>
        %get3A_446 = arith.constant 0 : index
        %get3A_447 = tpu.vector_load %arg15[%get3A_446] {strides = array<i32>} : memref<16xf32, #tpu.memory_space<vmem>>, vector<16xf32>,
        %get3A_448 = vector.shape_cast %get3A_447 : vector<16xf32> to vector<16xf32>
        %get3A_449 = arith.constant 0 : index
        %get3A_450 = tpu.vector_load %arg16[%get3A_449] {strides = array<i32>} : memref<16xf32, #tpu.memory_space<vmem>>, vector<16xf32>,
        %get3A_451 = vector.shape_cast %get3A_450 : vector<16xf32> to vector<16xf32>
        %get3A_452 = arith.constant 0 : index
        %get3A_453 = tpu.vector_load %arg17[%get3A_452] {strides = array<i32>} : memref<16xi32, #tpu.memory_space<vmem>>, vector<16xi32>,
        %get3A_454 = vector.shape_cast %get3A_453 : vector<16xi32> to vector<16xi32>
        %max3A_455 = arith.constant 9.99999971E-10 : f32
        %max3A_456 = vector.broadcast %max3A_455 : f32 to vector<16xf32>
        %max3A_457 = arith.maximumf %get3A_442, %max3A_456 : vector<16xf32>
        %min3A = arith.constant 1.000000e+00 : f32
        %min3A_458 = vector.broadcast %min3A : f32 to vector<16xf32>
        %min3A_459 = arith.minimumf %max3A_457, %min3A_458 : vector<16xf32>
        %bitcast_convert_type3A_460 = tpu.bitcast %min3A_459 : vector<16xf32> -> vector<16xi32>
        %shift_right_arithmetic3A_461 = arith.constant 23 : i32
        %shift_right_arithmetic3A_462 = vector.broadcast %shift_right_arithmetic3A_461 : i32 to vector<16xi32>
        %shift_right_arithmetic3A_463 = arith.shrsi %bitcast_convert_type3A_460, %shift_right_arithmetic3A_462 : vector<16xi32>
        %sub3A_464 = arith.constant 126 : i32
        %sub3A_465 = vector.broadcast %sub3A_464 : i32 to vector<16xi32>
        %sub3A_466 = arith.subi %shift_right_arithmetic3A_463, %sub3A_465 : vector<16xi32>
        %and3A_467 = arith.constant 8388607 : i32
        %and3A_468 = vector.broadcast %and3A_467 : i32 to vector<16xi32>
        %and3A_469 = arith.andi %bitcast_convert_type3A_460, %and3A_468 : vector<16xi32>
        %or3A_470 = arith.constant 1056964608 : i32
        %or3A_471 = vector.broadcast %or3A_470 : i32 to vector<16xi32>
        %or3A_472 = arith.ori %and3A_469, %or3A_471 : vector<16xi32>
        %bitcast_convert_type3A_473 = tpu.bitcast %or3A_472 : vector<16xi32> -> vector<16xf32>
        %convert_element_type3A_474 = arith.sitofp %sub3A_466 : vector<16xi32> to vector<16xf32>
        %lt3A_475 = arith.constant 0.707106769 : f32
        %lt3A_476 = vector.broadcast %lt3A_475 : f32 to vector<16xf32>
        %lt3A_477 = arith.cmpf olt, %bitcast_convert_type3A_473, %lt3A_476 : vector<16xf32>
        %sub3A_478 = arith.constant 1.000000e+00 : f32
        %sub3A_479 = vector.broadcast %sub3A_478 : f32 to vector<16xf32>
        %sub3A_480 = arith.subf %convert_element_type3A_474, %sub3A_479 : vector<16xf32>
        %select_n3A_481 = arith.select %lt3A_477, %sub3A_480, %convert_element_type3A_474 : vector<16xi1>, vector<16xf32>
        %add3A_482 = arith.addf %bitcast_convert_type3A_473, %bitcast_convert_type3A_473 : vector<16xf32>
        %select_n3A_483 = arith.select %lt3A_477, %add3A_482, %bitcast_convert_type3A_473 : vector<16xi1>, vector<16xf32>
        %sub3A_484 = arith.constant 1.000000e+00 : f32
        %sub3A_485 = vector.broadcast %sub3A_484 : f32 to vector<16xf32>
        %sub3A_486 = arith.subf %select_n3A_483, %sub3A_485 : vector<16xf32>
        %mul3A_487 = arith.mulf %sub3A_486, %sub3A_486 : vector<16xf32>
        %broadcast_in_dim3A_488 = arith.constant 0.0703768358 : f32
        %broadcast_in_dim3A_489 = vector.broadcast %broadcast_in_dim3A_488 : f32 to vector<16xf32>
        %mul3A_490 = arith.mulf %broadcast_in_dim3A_489, %sub3A_486 : vector<16xf32>
        %add3A_491 = arith.constant -0.115146101 : f32
        %add3A_492 = vector.broadcast %add3A_491 : f32 to vector<16xf32>
        %add3A_493 = arith.addf %mul3A_490, %add3A_492 : vector<16xf32>
        %mul3A_494 = arith.mulf %add3A_493, %sub3A_486 : vector<16xf32>
        %add3A_495 = arith.constant 0.116769984 : f32
        %add3A_496 = vector.broadcast %add3A_495 : f32 to vector<16xf32>
        %add3A_497 = arith.addf %mul3A_494, %add3A_496 : vector<16xf32>
        %mul3A_498 = arith.mulf %add3A_497, %sub3A_486 : vector<16xf32>
        %add3A_499 = arith.constant -0.12420141 : f32
        %add3A_500 = vector.broadcast %add3A_499 : f32 to vector<16xf32>
        %add3A_501 = arith.addf %mul3A_498, %add3A_500 : vector<16xf32>
        %mul3A_502 = arith.mulf %add3A_501, %sub3A_486 : vector<16xf32>
        %add3A_503 = arith.constant 0.142493233 : f32
        %add3A_504 = vector.broadcast %add3A_503 : f32 to vector<16xf32>
        %add3A_505 = arith.addf %mul3A_502, %add3A_504 : vector<16xf32>
        %mul3A_506 = arith.mulf %add3A_505, %sub3A_486 : vector<16xf32>
        %add3A_507 = arith.constant -0.166680574 : f32
        %add3A_508 = vector.broadcast %add3A_507 : f32 to vector<16xf32>
        %add3A_509 = arith.addf %mul3A_506, %add3A_508 : vector<16xf32>
        %mul3A_510 = arith.mulf %add3A_509, %sub3A_486 : vector<16xf32>
        %add3A_511 = arith.constant 0.200007141 : f32
        %add3A_512 = vector.broadcast %add3A_511 : f32 to vector<16xf32>
        %add3A_513 = arith.addf %mul3A_510, %add3A_512 : vector<16xf32>
        %mul3A_514 = arith.mulf %add3A_513, %sub3A_486 : vector<16xf32>
        %add3A_515 = arith.constant -0.24999994 : f32
        %add3A_516 = vector.broadcast %add3A_515 : f32 to vector<16xf32>
        %add3A_517 = arith.addf %mul3A_514, %add3A_516 : vector<16xf32>
        %mul3A_518 = arith.mulf %add3A_517, %sub3A_486 : vector<16xf32>
        %add3A_519 = arith.constant 0.333333313 : f32
        %add3A_520 = vector.broadcast %add3A_519 : f32 to vector<16xf32>
        %add3A_521 = arith.addf %mul3A_518, %add3A_520 : vector<16xf32>
        %mul3A_522 = arith.mulf %add3A_521, %sub3A_486 : vector<16xf32>
        %mul3A_523 = arith.mulf %mul3A_522, %mul3A_487 : vector<16xf32>
        %mul3A_524 = arith.constant -2.12194442E-4 : f32
        %mul3A_525 = vector.broadcast %mul3A_524 : f32 to vector<16xf32>
        %mul3A_526 = arith.mulf %select_n3A_481, %mul3A_525 : vector<16xf32>
        %add3A_527 = arith.addf %mul3A_523, %mul3A_526 : vector<16xf32>
        %mul3A_528 = arith.constant 5.000000e-01 : f32
        %mul3A_529 = vector.broadcast %mul3A_528 : f32 to vector<16xf32>
        %mul3A_530 = arith.mulf %mul3A_529, %mul3A_487 : vector<16xf32>
        %sub3A_531 = arith.subf %add3A_527, %mul3A_530 : vector<16xf32>
        %add3A_532 = arith.addf %sub3A_486, %sub3A_531 : vector<16xf32>
        %mul3A_533 = arith.constant 0.693359375 : f32
        %mul3A_534 = vector.broadcast %mul3A_533 : f32 to vector<16xf32>
        %mul3A_535 = arith.mulf %select_n3A_481, %mul3A_534 : vector<16xf32>
        %add3A_536 = arith.addf %add3A_532, %mul3A_535 : vector<16xf32>
        %neg3A = arith.constant 0.000000e+00 : f32
        %neg3A_537 = vector.broadcast %neg3A : f32 to vector<16xf32>
        %neg3A_538 = arith.subf %neg3A_537, %add3A_536 : vector<16xf32>
        %add3A_539 = arith.addf %get3A_445, %mul3A_88 : vector<16xf32>
        %mul3A_540 = arith.mulf %add3A_539, %get3A_451 : vector<16xf32>
        %mul3A_541 = arith.mulf %get3A_448, %neg3A_538 : vector<16xf32>
        %gt3A = arith.cmpf ogt, %mul3A_540, %mul3A_541 : vector<16xf32>
        %select_n3A_542 = arith.select %gt3A, %add3A_539, %get3A_448 : vector<16xi1>, vector<16xf32>
        %swap3A_543 = arith.constant 0 : index
        %swap3A_544 = tpu.vector_load %arg15[%swap3A_543] {strides = array<i32>} : memref<16xf32, #tpu.memory_space<vmem>>, vector<16xf32>,
        %swap3A_545 = vector.shape_cast %swap3A_544 : vector<16xf32> to vector<16xf32>
        %swap3A_546 = vector.shape_cast %select_n3A_542 : vector<16xf32> to vector<16xf32>
        tpu.vector_store %arg15[%swap3A_543], %swap3A_546 {strides = array<i32>} : memref<16xf32, #tpu.memory_space<vmem>>, vector<16xf32>,
        %select_n3A_547 = arith.select %gt3A, %neg3A_538, %get3A_451 : vector<16xi1>, vector<16xf32>
        %swap3A_548 = arith.constant 0 : index
        %swap3A_549 = tpu.vector_load %arg16[%swap3A_548] {strides = array<i32>} : memref<16xf32, #tpu.memory_space<vmem>>, vector<16xf32>,
        %swap3A_550 = vector.shape_cast %swap3A_549 : vector<16xf32> to vector<16xf32>
        %swap3A_551 = vector.shape_cast %select_n3A_547 : vector<16xf32> to vector<16xf32>
        tpu.vector_store %arg16[%swap3A_548], %swap3A_551 {strides = array<i32>} : memref<16xf32, #tpu.memory_space<vmem>>, vector<16xf32>,
        %add3A_552 = arith.addi %mul3A_182, %mul3A_439 : i32
        %add3A_553 = vector.broadcast %add3A_552 : i32 to vector<16xi32>
        %add3A_554 = arith.addi %add3A_553, %iota3A : vector<16xi32>
        %select_n3A_555 = arith.select %gt3A, %add3A_554, %get3A_454 : vector<16xi1>, vector<16xi32>
        %swap3A_556 = arith.constant 0 : index
        %swap3A_557 = tpu.vector_load %arg17[%swap3A_556] {strides = array<i32>} : memref<16xi32, #tpu.memory_space<vmem>>, vector<16xi32>,
        %swap3A_558 = vector.shape_cast %swap3A_557 : vector<16xi32> to vector<16xi32>
        %swap3A_559 = vector.shape_cast %select_n3A_555 : vector<16xi32> to vector<16xi32>
        tpu.vector_store %arg17[%swap3A_556], %swap3A_559 {strides = array<i32>} : memref<16xi32, #tpu.memory_space<vmem>>, vector<16xi32>,
      }
      %scan3A_197 = arith.constant 25 : i32
      %get3A = arith.constant 0 : index
      %get3A_198 = tpu.vector_load %arg15[%get3A] {strides = array<i32>} : memref<16xf32, #tpu.memory_space<vmem>>, vector<16xf32>,
      %get3A_199 = vector.shape_cast %get3A_198 : vector<16xf32> to vector<16xf32>
      %get3A_200 = arith.constant 0 : index
      %get3A_201 = tpu.vector_load %arg16[%get3A_200] {strides = array<i32>} : memref<16xf32, #tpu.memory_space<vmem>>, vector<16xf32>,
      %get3A_202 = vector.shape_cast %get3A_201 : vector<16xf32> to vector<16xf32>
      %div3A = arith.divf %get3A_199, %get3A_202 : vector<16xf32>
      %iota3A_203 = tpu.iota {dimensions = array<i32: 0>} : vector<16xi32>
      %xor3A_204 = arith.constant 1 : i32
      %xor3A_205 = vector.broadcast %xor3A_204 : i32 to vector<16xi32>
      %xor3A_206 = arith.xori %iota3A_203, %xor3A_205 : vector<16xi32>
      %broadcast_in_dim3A_207 = vector.shape_cast %xor3A_206 : vector<16xi32> to vector<16x1xi32>
      %gather3A_208 = vector.shape_cast %broadcast_in_dim3A_207 : vector<16x1xi32> to vector<16xi32>
      %gather3A_209 = tpu.dynamic_gather %div3A[%gather3A_208] in [0] : vector<16xf32>, vector<16xi32> -> vector<16xf32>
      %max3A_210 = arith.maximumf %div3A, %gather3A_209 : vector<16xf32>
      %xor3A_211 = arith.constant 2 : i32
      %xor3A_212 = vector.broadcast %xor3A_211 : i32 to vector<16xi32>
      %xor3A_213 = arith.xori %iota3A_203, %xor3A_212 : vector<16xi32>
      %broadcast_in_dim3A_214 = vector.shape_cast %xor3A_213 : vector<16xi32> to vector<16x1xi32>
      %gather3A_215 = vector.shape_cast %broadcast_in_dim3A_214 : vector<16x1xi32> to vector<16xi32>
      %gather3A_216 = tpu.dynamic_gather %max3A_210[%gather3A_215] in [0] : vector<16xf32>, vector<16xi32> -> vector<16xf32>
      %max3A_217 = arith.maximumf %max3A_210, %gather3A_216 : vector<16xf32>
      %xor3A_218 = arith.constant 4 : i32
      %xor3A_219 = vector.broadcast %xor3A_218 : i32 to vector<16xi32>
      %xor3A_220 = arith.xori %iota3A_203, %xor3A_219 : vector<16xi32>
      %broadcast_in_dim3A_221 = vector.shape_cast %xor3A_220 : vector<16xi32> to vector<16x1xi32>
      %gather3A_222 = vector.shape_cast %broadcast_in_dim3A_221 : vector<16x1xi32> to vector<16xi32>
      %gather3A_223 = tpu.dynamic_gather %max3A_217[%gather3A_222] in [0] : vector<16xf32>, vector<16xi32> -> vector<16xf32>
      %max3A_224 = arith.maximumf %max3A_217, %gather3A_223 : vector<16xf32>
      %xor3A_225 = arith.constant 8 : i32
      %xor3A_226 = vector.broadcast %xor3A_225 : i32 to vector<16xi32>
      %xor3A_227 = arith.xori %iota3A_203, %xor3A_226 : vector<16xi32>
      %broadcast_in_dim3A_228 = vector.shape_cast %xor3A_227 : vector<16xi32> to vector<16x1xi32>
      %gather3A_229 = vector.shape_cast %broadcast_in_dim3A_228 : vector<16x1xi32> to vector<16xi32>
      %gather3A_230 = tpu.dynamic_gather %max3A_224[%gather3A_229] in [0] : vector<16xf32>, vector<16xi32> -> vector<16xf32>
      %max3A_231 = arith.maximumf %max3A_224, %gather3A_230 : vector<16xf32>
      %div3A_232 = arith.divf %mul3A_94, %max3A_231 : vector<16xf32>
      %sub3A = arith.constant 1.000000e+00 : f32
      %sub3A_233 = vector.broadcast %sub3A : f32 to vector<16xf32>
      %sub3A_234 = arith.subf %sub3A_233, %div3A_232 : vector<16xf32>
      %sub3A_235 = arith.constant 9.99999997E-7 : f32
      %sub3A_236 = vector.broadcast %sub3A_235 : f32 to vector<16xf32>
      %sub3A_237 = arith.subf %sub3A_234, %sub3A_236 : vector<16xf32>
      %swap3A_238 = arith.constant 0 : index
      %swap3A_239 = tpu.vector_load %arg18[%swap3A_238] {strides = array<i32>} : memref<16xf32, #tpu.memory_space<vmem>>, vector<16xf32>,
      %swap3A_240 = vector.shape_cast %swap3A_239 : vector<16xf32> to vector<16xf32>
      %swap3A_241 = vector.shape_cast %sub3A_237 : vector<16xf32> to vector<16xf32>
      tpu.vector_store %arg18[%swap3A_238], %swap3A_241 {strides = array<i32>} : memref<16xf32, #tpu.memory_space<vmem>>, vector<16xf32>,
      %get3A_242 = arith.constant 0 : index
      %get3A_243 = tpu.vector_load %arg18[%get3A_242] {strides = array<i32>} : memref<16xf32, #tpu.memory_space<vmem>>, vector<16xf32>,
      %get3A_244 = vector.shape_cast %get3A_243 : vector<16xf32> to vector<16xf32>
      %slice3A_245 = vector.extract_strided_slice %get3A_244 {offsets = [0], sizes = [1], strides = [1]} : vector<16xf32> to vector<1xf32>
      %squeeze3A_246 = vector.extract %slice3A_245[0] : f32 from vector<1xf32>
      %scan3A_247 = arith.constant 0 : i32
      %scan3A_248 = arith.constant 250 : i32
      %scan3A_249 = arith.addi %scan3A_247, %scan3A_248 : i32
      %scan3A_250 = arith.constant 1 : i32
      %scan3A_251 = scf.for %scan3A_437 = %scan3A_247 to %scan3A_249 step %scan3A_250 iter_args(%scan3A_438 = %squeeze3A_246) -> (f32)  : i32 {
        %mul3A_439 = arith.constant 16 : i32
        %mul3A_440 = arith.muli %scan3A_437, %mul3A_439 : i32
        %get3A_441 = arith.index_cast %mul3A_440 : i32 to index
        %get3A_442 = tpu.vector_load %arg10[%get3A_441] {strides = array<i32>} : memref<4000xf32, #tpu.memory_space<vmem>>, vector<16xf32>,
        %get3A_443 = vector.shape_cast %get3A_442 : vector<16xf32> to vector<16xf32>
        %iota3A_444 = tpu.iota {dimensions = array<i32: 0>} : vector<16xi32>
        %xor3A_445 = arith.constant 1 : i32
        %xor3A_446 = vector.broadcast %xor3A_445 : i32 to vector<16xi32>
        %xor3A_447 = arith.xori %iota3A_444, %xor3A_446 : vector<16xi32>
        %broadcast_in_dim3A_448 = vector.shape_cast %xor3A_447 : vector<16xi32> to vector<16x1xi32>
        %gather3A_449 = vector.shape_cast %broadcast_in_dim3A_448 : vector<16x1xi32> to vector<16xi32>
        %gather3A_450 = tpu.dynamic_gather %get3A_443[%gather3A_449] in [0] : vector<16xf32>, vector<16xi32> -> vector<16xf32>
        %max3A_451 = arith.maximumf %get3A_443, %gather3A_450 : vector<16xf32>
        %xor3A_452 = arith.constant 2 : i32
        %xor3A_453 = vector.broadcast %xor3A_452 : i32 to vector<16xi32>
        %xor3A_454 = arith.xori %iota3A_444, %xor3A_453 : vector<16xi32>
        %broadcast_in_dim3A_455 = vector.shape_cast %xor3A_454 : vector<16xi32> to vector<16x1xi32>
        %gather3A_456 = vector.shape_cast %broadcast_in_dim3A_455 : vector<16x1xi32> to vector<16xi32>
        %gather3A_457 = tpu.dynamic_gather %max3A_451[%gather3A_456] in [0] : vector<16xf32>, vector<16xi32> -> vector<16xf32>
        %max3A_458 = arith.maximumf %max3A_451, %gather3A_457 : vector<16xf32>
        %xor3A_459 = arith.constant 4 : i32
        %xor3A_460 = vector.broadcast %xor3A_459 : i32 to vector<16xi32>
        %xor3A_461 = arith.xori %iota3A_444, %xor3A_460 : vector<16xi32>
        %broadcast_in_dim3A_462 = vector.shape_cast %xor3A_461 : vector<16xi32> to vector<16x1xi32>
        %gather3A_463 = vector.shape_cast %broadcast_in_dim3A_462 : vector<16x1xi32> to vector<16xi32>
        %gather3A_464 = tpu.dynamic_gather %max3A_458[%gather3A_463] in [0] : vector<16xf32>, vector<16xi32> -> vector<16xf32>
        %max3A_465 = arith.maximumf %max3A_458, %gather3A_464 : vector<16xf32>
        %xor3A_466 = arith.constant 8 : i32
        %xor3A_467 = vector.broadcast %xor3A_466 : i32 to vector<16xi32>
        %xor3A_468 = arith.xori %iota3A_444, %xor3A_467 : vector<16xi32>
        %broadcast_in_dim3A_469 = vector.shape_cast %xor3A_468 : vector<16xi32> to vector<16x1xi32>
        %gather3A_470 = vector.shape_cast %broadcast_in_dim3A_469 : vector<16x1xi32> to vector<16xi32>
        %gather3A_471 = tpu.dynamic_gather %max3A_465[%gather3A_470] in [0] : vector<16xf32>, vector<16xi32> -> vector<16xf32>
        %max3A_472 = arith.maximumf %max3A_465, %gather3A_471 : vector<16xf32>
        %slice3A_473 = vector.extract_strided_slice %max3A_472 {offsets = [0], sizes = [1], strides = [1]} : vector<16xf32> to vector<1xf32>
        %squeeze3A_474 = vector.extract %slice3A_473[0] : f32 from vector<1xf32>
        %gt3A = arith.cmpf ogt, %squeeze3A_474, %scan3A_438 : f32
        %ne3A = arith.cmpi ne, %scan3A_437, %squeeze3A : i32
        %and3A_475 = arith.andi %gt3A, %ne3A : i1
        %convert_element_type3A_476 = arith.extui %and3A_475 : i1 to i32
        %cond3A_477 = arith.constant 0 : i32
        %cond3A_478 = arith.cmpi ne, %convert_element_type3A_476, %cond3A_477 : i32
        scf.if %cond3A_478 {
          %mul3A_484 = arith.constant 400 : i32
          %mul3A_485 = arith.muli %scan3A_437, %mul3A_484 : i32
          %add3A_486 = arith.addi %mul3A_46, %mul3A_485 : i32
          %dma_start3A_487 = tpu.memref_slice %arg2[%add3A_486] : memref<12800000xf32, #tpu.memory_space<hbm>> -> memref<400xf32, #tpu.memory_space<hbm>>
          %dma_start3A_488 = tpu.memref_slice %arg2[%add3A_486] : memref<12800000xf32, #tpu.memory_space<hbm>> -> memref<400xf32, #tpu.memory_space<hbm>>
          tpu.enqueue_dma source(%dma_start3A_488 : memref<400xf32, #tpu.memory_space<hbm>>) target(%arg11 : memref<400xf32, #tpu.memory_space<vmem>>) target_semaphore(%arg23 : memref<!tpu.dma_semaphore, #tpu.memory_space<semaphore_mem>>)
          %add3A_489 = arith.addi %mul3A_46, %mul3A_485 : i32
          %dma_start3A_490 = tpu.memref_slice %arg3[%add3A_489] : memref<12800000xf32, #tpu.memory_space<hbm>> -> memref<400xf32, #tpu.memory_space<hbm>>
          %dma_start3A_491 = tpu.memref_slice %arg3[%add3A_489] : memref<12800000xf32, #tpu.memory_space<hbm>> -> memref<400xf32, #tpu.memory_space<hbm>>
          tpu.enqueue_dma source(%dma_start3A_491 : memref<400xf32, #tpu.memory_space<hbm>>) target(%arg12 : memref<400xf32, #tpu.memory_space<vmem>>) target_semaphore(%arg24 : memref<!tpu.dma_semaphore, #tpu.memory_space<semaphore_mem>>)
          %dma_wait3A_492 = tpu.memref_slice %arg2[%add3A_486] : memref<12800000xf32, #tpu.memory_space<hbm>> -> memref<400xf32, #tpu.memory_space<hbm>>
          %dma_wait3A_493 = tpu.memref_slice %arg2[%add3A_486] : memref<12800000xf32, #tpu.memory_space<hbm>> -> memref<400xf32, #tpu.memory_space<hbm>>
          tpu.wait_dma2 semaphore(%arg23 : memref<!tpu.dma_semaphore, #tpu.memory_space<semaphore_mem>>) src(%dma_wait3A_493 : memref<400xf32, #tpu.memory_space<hbm>>) dst(%arg11 : memref<400xf32, #tpu.memory_space<vmem>>)
          %dma_wait3A_494 = tpu.memref_slice %arg3[%add3A_489] : memref<12800000xf32, #tpu.memory_space<hbm>> -> memref<400xf32, #tpu.memory_space<hbm>>
          %dma_wait3A_495 = tpu.memref_slice %arg3[%add3A_489] : memref<12800000xf32, #tpu.memory_space<hbm>> -> memref<400xf32, #tpu.memory_space<hbm>>
          tpu.wait_dma2 semaphore(%arg24 : memref<!tpu.dma_semaphore, #tpu.memory_space<semaphore_mem>>) src(%dma_wait3A_495 : memref<400xf32, #tpu.memory_space<hbm>>) dst(%arg12 : memref<400xf32, #tpu.memory_space<vmem>>)
          %scan3A_496 = arith.constant 0 : i32
          %scan3A_497 = arith.constant 0 : i32
          %scan3A_498 = arith.constant 25 : i32
          %scan3A_499 = arith.addi %scan3A_497, %scan3A_498 : i32
          %scan3A_500 = arith.constant 1 : i32
          scf.for %scan3A_549 = %scan3A_497 to %scan3A_499 step %scan3A_500  : i32 {
            %mul3A_550 = arith.constant 16 : i32
            %mul3A_551 = arith.muli %scan3A_549, %mul3A_550 : i32
            %get3A_552 = arith.index_cast %mul3A_551 : i32 to index
            %get3A_553 = tpu.vector_load %arg12[%get3A_552] {strides = array<i32>} : memref<400xf32, #tpu.memory_space<vmem>>, vector<16xf32>,
            %get3A_554 = vector.shape_cast %get3A_553 : vector<16xf32> to vector<16xf32>
            %get3A_555 = arith.index_cast %mul3A_551 : i32 to index
            %get3A_556 = tpu.vector_load %arg11[%get3A_555] {strides = array<i32>} : memref<400xf32, #tpu.memory_space<vmem>>, vector<16xf32>,
            %get3A_557 = vector.shape_cast %get3A_556 : vector<16xf32> to vector<16xf32>
            %get3A_558 = arith.constant 0 : index
            %get3A_559 = tpu.vector_load %arg15[%get3A_558] {strides = array<i32>} : memref<16xf32, #tpu.memory_space<vmem>>, vector<16xf32>,
            %get3A_560 = vector.shape_cast %get3A_559 : vector<16xf32> to vector<16xf32>
            %get3A_561 = arith.constant 0 : index
            %get3A_562 = tpu.vector_load %arg16[%get3A_561] {strides = array<i32>} : memref<16xf32, #tpu.memory_space<vmem>>, vector<16xf32>,
            %get3A_563 = vector.shape_cast %get3A_562 : vector<16xf32> to vector<16xf32>
            %get3A_564 = arith.constant 0 : index
            %get3A_565 = tpu.vector_load %arg17[%get3A_564] {strides = array<i32>} : memref<16xi32, #tpu.memory_space<vmem>>, vector<16xi32>,
            %get3A_566 = vector.shape_cast %get3A_565 : vector<16xi32> to vector<16xi32>
            %max3A_567 = arith.constant 9.99999971E-10 : f32
            %max3A_568 = vector.broadcast %max3A_567 : f32 to vector<16xf32>
            %max3A_569 = arith.maximumf %get3A_554, %max3A_568 : vector<16xf32>
            %min3A = arith.constant 1.000000e+00 : f32
            %min3A_570 = vector.broadcast %min3A : f32 to vector<16xf32>
            %min3A_571 = arith.minimumf %max3A_569, %min3A_570 : vector<16xf32>
            %bitcast_convert_type3A_572 = tpu.bitcast %min3A_571 : vector<16xf32> -> vector<16xi32>
            %shift_right_arithmetic3A_573 = arith.constant 23 : i32
            %shift_right_arithmetic3A_574 = vector.broadcast %shift_right_arithmetic3A_573 : i32 to vector<16xi32>
            %shift_right_arithmetic3A_575 = arith.shrsi %bitcast_convert_type3A_572, %shift_right_arithmetic3A_574 : vector<16xi32>
            %sub3A_576 = arith.constant 126 : i32
            %sub3A_577 = vector.broadcast %sub3A_576 : i32 to vector<16xi32>
            %sub3A_578 = arith.subi %shift_right_arithmetic3A_575, %sub3A_577 : vector<16xi32>
            %and3A_579 = arith.constant 8388607 : i32
            %and3A_580 = vector.broadcast %and3A_579 : i32 to vector<16xi32>
            %and3A_581 = arith.andi %bitcast_convert_type3A_572, %and3A_580 : vector<16xi32>
            %or3A_582 = arith.constant 1056964608 : i32
            %or3A_583 = vector.broadcast %or3A_582 : i32 to vector<16xi32>
            %or3A_584 = arith.ori %and3A_581, %or3A_583 : vector<16xi32>
            %bitcast_convert_type3A_585 = tpu.bitcast %or3A_584 : vector<16xi32> -> vector<16xf32>
            %convert_element_type3A_586 = arith.sitofp %sub3A_578 : vector<16xi32> to vector<16xf32>
            %lt3A_587 = arith.constant 0.707106769 : f32
            %lt3A_588 = vector.broadcast %lt3A_587 : f32 to vector<16xf32>
            %lt3A_589 = arith.cmpf olt, %bitcast_convert_type3A_585, %lt3A_588 : vector<16xf32>
            %sub3A_590 = arith.constant 1.000000e+00 : f32
            %sub3A_591 = vector.broadcast %sub3A_590 : f32 to vector<16xf32>
            %sub3A_592 = arith.subf %convert_element_type3A_586, %sub3A_591 : vector<16xf32>
            %select_n3A_593 = arith.select %lt3A_589, %sub3A_592, %convert_element_type3A_586 : vector<16xi1>, vector<16xf32>
            %add3A_594 = arith.addf %bitcast_convert_type3A_585, %bitcast_convert_type3A_585 : vector<16xf32>
            %select_n3A_595 = arith.select %lt3A_589, %add3A_594, %bitcast_convert_type3A_585 : vector<16xi1>, vector<16xf32>
            %sub3A_596 = arith.constant 1.000000e+00 : f32
            %sub3A_597 = vector.broadcast %sub3A_596 : f32 to vector<16xf32>
            %sub3A_598 = arith.subf %select_n3A_595, %sub3A_597 : vector<16xf32>
            %mul3A_599 = arith.mulf %sub3A_598, %sub3A_598 : vector<16xf32>
            %broadcast_in_dim3A_600 = arith.constant 0.0703768358 : f32
            %broadcast_in_dim3A_601 = vector.broadcast %broadcast_in_dim3A_600 : f32 to vector<16xf32>
            %mul3A_602 = arith.mulf %broadcast_in_dim3A_601, %sub3A_598 : vector<16xf32>
            %add3A_603 = arith.constant -0.115146101 : f32
            %add3A_604 = vector.broadcast %add3A_603 : f32 to vector<16xf32>
            %add3A_605 = arith.addf %mul3A_602, %add3A_604 : vector<16xf32>
            %mul3A_606 = arith.mulf %add3A_605, %sub3A_598 : vector<16xf32>
            %add3A_607 = arith.constant 0.116769984 : f32
            %add3A_608 = vector.broadcast %add3A_607 : f32 to vector<16xf32>
            %add3A_609 = arith.addf %mul3A_606, %add3A_608 : vector<16xf32>
            %mul3A_610 = arith.mulf %add3A_609, %sub3A_598 : vector<16xf32>
            %add3A_611 = arith.constant -0.12420141 : f32
            %add3A_612 = vector.broadcast %add3A_611 : f32 to vector<16xf32>
            %add3A_613 = arith.addf %mul3A_610, %add3A_612 : vector<16xf32>
            %mul3A_614 = arith.mulf %add3A_613, %sub3A_598 : vector<16xf32>
            %add3A_615 = arith.constant 0.142493233 : f32
            %add3A_616 = vector.broadcast %add3A_615 : f32 to vector<16xf32>
            %add3A_617 = arith.addf %mul3A_614, %add3A_616 : vector<16xf32>
            %mul3A_618 = arith.mulf %add3A_617, %sub3A_598 : vector<16xf32>
            %add3A_619 = arith.constant -0.166680574 : f32
            %add3A_620 = vector.broadcast %add3A_619 : f32 to vector<16xf32>
            %add3A_621 = arith.addf %mul3A_618, %add3A_620 : vector<16xf32>
            %mul3A_622 = arith.mulf %add3A_621, %sub3A_598 : vector<16xf32>
            %add3A_623 = arith.constant 0.200007141 : f32
            %add3A_624 = vector.broadcast %add3A_623 : f32 to vector<16xf32>
            %add3A_625 = arith.addf %mul3A_622, %add3A_624 : vector<16xf32>
            %mul3A_626 = arith.mulf %add3A_625, %sub3A_598 : vector<16xf32>
            %add3A_627 = arith.constant -0.24999994 : f32
            %add3A_628 = vector.broadcast %add3A_627 : f32 to vector<16xf32>
            %add3A_629 = arith.addf %mul3A_626, %add3A_628 : vector<16xf32>
            %mul3A_630 = arith.mulf %add3A_629, %sub3A_598 : vector<16xf32>
            %add3A_631 = arith.constant 0.333333313 : f32
            %add3A_632 = vector.broadcast %add3A_631 : f32 to vector<16xf32>
            %add3A_633 = arith.addf %mul3A_630, %add3A_632 : vector<16xf32>
            %mul3A_634 = arith.mulf %add3A_633, %sub3A_598 : vector<16xf32>
            %mul3A_635 = arith.mulf %mul3A_634, %mul3A_599 : vector<16xf32>
            %mul3A_636 = arith.constant -2.12194442E-4 : f32
            %mul3A_637 = vector.broadcast %mul3A_636 : f32 to vector<16xf32>
            %mul3A_638 = arith.mulf %select_n3A_593, %mul3A_637 : vector<16xf32>
            %add3A_639 = arith.addf %mul3A_635, %mul3A_638 : vector<16xf32>
            %mul3A_640 = arith.constant 5.000000e-01 : f32
            %mul3A_641 = vector.broadcast %mul3A_640 : f32 to vector<16xf32>
            %mul3A_642 = arith.mulf %mul3A_641, %mul3A_599 : vector<16xf32>
            %sub3A_643 = arith.subf %add3A_639, %mul3A_642 : vector<16xf32>
            %add3A_644 = arith.addf %sub3A_598, %sub3A_643 : vector<16xf32>
            %mul3A_645 = arith.constant 0.693359375 : f32
            %mul3A_646 = vector.broadcast %mul3A_645 : f32 to vector<16xf32>
            %mul3A_647 = arith.mulf %select_n3A_593, %mul3A_646 : vector<16xf32>
            %add3A_648 = arith.addf %add3A_644, %mul3A_647 : vector<16xf32>
            %neg3A = arith.constant 0.000000e+00 : f32
            %neg3A_649 = vector.broadcast %neg3A : f32 to vector<16xf32>
            %neg3A_650 = arith.subf %neg3A_649, %add3A_648 : vector<16xf32>
            %add3A_651 = arith.addf %get3A_557, %mul3A_88 : vector<16xf32>
            %mul3A_652 = arith.mulf %add3A_651, %get3A_563 : vector<16xf32>
            %mul3A_653 = arith.mulf %get3A_560, %neg3A_650 : vector<16xf32>
            %gt3A_654 = arith.cmpf ogt, %mul3A_652, %mul3A_653 : vector<16xf32>
            %select_n3A_655 = arith.select %gt3A_654, %add3A_651, %get3A_560 : vector<16xi1>, vector<16xf32>
            %swap3A_656 = arith.constant 0 : index
            %swap3A_657 = tpu.vector_load %arg15[%swap3A_656] {strides = array<i32>} : memref<16xf32, #tpu.memory_space<vmem>>, vector<16xf32>,
            %swap3A_658 = vector.shape_cast %swap3A_657 : vector<16xf32> to vector<16xf32>
            %swap3A_659 = vector.shape_cast %select_n3A_655 : vector<16xf32> to vector<16xf32>
            tpu.vector_store %arg15[%swap3A_656], %swap3A_659 {strides = array<i32>} : memref<16xf32, #tpu.memory_space<vmem>>, vector<16xf32>,
            %select_n3A_660 = arith.select %gt3A_654, %neg3A_650, %get3A_563 : vector<16xi1>, vector<16xf32>
            %swap3A_661 = arith.constant 0 : index
            %swap3A_662 = tpu.vector_load %arg16[%swap3A_661] {strides = array<i32>} : memref<16xf32, #tpu.memory_space<vmem>>, vector<16xf32>,
            %swap3A_663 = vector.shape_cast %swap3A_662 : vector<16xf32> to vector<16xf32>
            %swap3A_664 = vector.shape_cast %select_n3A_660 : vector<16xf32> to vector<16xf32>
            tpu.vector_store %arg16[%swap3A_661], %swap3A_664 {strides = array<i32>} : memref<16xf32, #tpu.memory_space<vmem>>, vector<16xf32>,
            %add3A_665 = arith.addi %mul3A_485, %mul3A_551 : i32
            %add3A_666 = vector.broadcast %add3A_665 : i32 to vector<16xi32>
            %add3A_667 = arith.addi %add3A_666, %iota3A : vector<16xi32>
            %select_n3A_668 = arith.select %gt3A_654, %add3A_667, %get3A_566 : vector<16xi1>, vector<16xi32>
            %swap3A_669 = arith.constant 0 : index
            %swap3A_670 = tpu.vector_load %arg17[%swap3A_669] {strides = array<i32>} : memref<16xi32, #tpu.memory_space<vmem>>, vector<16xi32>,
            %swap3A_671 = vector.shape_cast %swap3A_670 : vector<16xi32> to vector<16xi32>
            %swap3A_672 = vector.shape_cast %select_n3A_668 : vector<16xi32> to vector<16xi32>
            tpu.vector_store %arg17[%swap3A_669], %swap3A_672 {strides = array<i32>} : memref<16xi32, #tpu.memory_space<vmem>>, vector<16xi32>,
          }
          %scan3A_501 = arith.constant 25 : i32
          %get3A_502 = arith.constant 0 : index
          %get3A_503 = tpu.vector_load %arg15[%get3A_502] {strides = array<i32>} : memref<16xf32, #tpu.memory_space<vmem>>, vector<16xf32>,
          %get3A_504 = vector.shape_cast %get3A_503 : vector<16xf32> to vector<16xf32>
          %get3A_505 = arith.constant 0 : index
          %get3A_506 = tpu.vector_load %arg16[%get3A_505] {strides = array<i32>} : memref<16xf32, #tpu.memory_space<vmem>>, vector<16xf32>,
          %get3A_507 = vector.shape_cast %get3A_506 : vector<16xf32> to vector<16xf32>
          %div3A_508 = arith.divf %get3A_504, %get3A_507 : vector<16xf32>
          %iota3A_509 = tpu.iota {dimensions = array<i32: 0>} : vector<16xi32>
          %xor3A_510 = arith.constant 1 : i32
          %xor3A_511 = vector.broadcast %xor3A_510 : i32 to vector<16xi32>
          %xor3A_512 = arith.xori %iota3A_509, %xor3A_511 : vector<16xi32>
          %broadcast_in_dim3A_513 = vector.shape_cast %xor3A_512 : vector<16xi32> to vector<16x1xi32>
          %gather3A_514 = vector.shape_cast %broadcast_in_dim3A_513 : vector<16x1xi32> to vector<16xi32>
          %gather3A_515 = tpu.dynamic_gather %div3A_508[%gather3A_514] in [0] : vector<16xf32>, vector<16xi32> -> vector<16xf32>
          %max3A_516 = arith.maximumf %div3A_508, %gather3A_515 : vector<16xf32>
          %xor3A_517 = arith.constant 2 : i32
          %xor3A_518 = vector.broadcast %xor3A_517 : i32 to vector<16xi32>
          %xor3A_519 = arith.xori %iota3A_509, %xor3A_518 : vector<16xi32>
          %broadcast_in_dim3A_520 = vector.shape_cast %xor3A_519 : vector<16xi32> to vector<16x1xi32>
          %gather3A_521 = vector.shape_cast %broadcast_in_dim3A_520 : vector<16x1xi32> to vector<16xi32>
          %gather3A_522 = tpu.dynamic_gather %max3A_516[%gather3A_521] in [0] : vector<16xf32>, vector<16xi32> -> vector<16xf32>
          %max3A_523 = arith.maximumf %max3A_516, %gather3A_522 : vector<16xf32>
          %xor3A_524 = arith.constant 4 : i32
          %xor3A_525 = vector.broadcast %xor3A_524 : i32 to vector<16xi32>
          %xor3A_526 = arith.xori %iota3A_509, %xor3A_525 : vector<16xi32>
          %broadcast_in_dim3A_527 = vector.shape_cast %xor3A_526 : vector<16xi32> to vector<16x1xi32>
          %gather3A_528 = vector.shape_cast %broadcast_in_dim3A_527 : vector<16x1xi32> to vector<16xi32>
          %gather3A_529 = tpu.dynamic_gather %max3A_523[%gather3A_528] in [0] : vector<16xf32>, vector<16xi32> -> vector<16xf32>
          %max3A_530 = arith.maximumf %max3A_523, %gather3A_529 : vector<16xf32>
          %xor3A_531 = arith.constant 8 : i32
          %xor3A_532 = vector.broadcast %xor3A_531 : i32 to vector<16xi32>
          %xor3A_533 = arith.xori %iota3A_509, %xor3A_532 : vector<16xi32>
          %broadcast_in_dim3A_534 = vector.shape_cast %xor3A_533 : vector<16xi32> to vector<16x1xi32>
          %gather3A_535 = vector.shape_cast %broadcast_in_dim3A_534 : vector<16x1xi32> to vector<16xi32>
          %gather3A_536 = tpu.dynamic_gather %max3A_530[%gather3A_535] in [0] : vector<16xf32>, vector<16xi32> -> vector<16xf32>
          %max3A_537 = arith.maximumf %max3A_530, %gather3A_536 : vector<16xf32>
          %div3A_538 = arith.divf %mul3A_94, %max3A_537 : vector<16xf32>
          %sub3A_539 = arith.constant 1.000000e+00 : f32
          %sub3A_540 = vector.broadcast %sub3A_539 : f32 to vector<16xf32>
          %sub3A_541 = arith.subf %sub3A_540, %div3A_538 : vector<16xf32>
          %sub3A_542 = arith.constant 9.99999997E-7 : f32
          %sub3A_543 = vector.broadcast %sub3A_542 : f32 to vector<16xf32>
          %sub3A_544 = arith.subf %sub3A_541, %sub3A_543 : vector<16xf32>
          %swap3A_545 = arith.constant 0 : index
          %swap3A_546 = tpu.vector_load %arg18[%swap3A_545] {strides = array<i32>} : memref<16xf32, #tpu.memory_space<vmem>>, vector<16xf32>,
          %swap3A_547 = vector.shape_cast %swap3A_546 : vector<16xf32> to vector<16xf32>
          %swap3A_548 = vector.shape_cast %sub3A_544 : vector<16xf32> to vector<16xf32>
          tpu.vector_store %arg18[%swap3A_545], %swap3A_548 {strides = array<i32>} : memref<16xf32, #tpu.memory_space<vmem>>, vector<16xf32>,
        } else {
        }
        %get3A_479 = arith.constant 0 : index
        %get3A_480 = tpu.vector_load %arg18[%get3A_479] {strides = array<i32>} : memref<16xf32, #tpu.memory_space<vmem>>, vector<16xf32>,
        %get3A_481 = vector.shape_cast %get3A_480 : vector<16xf32> to vector<16xf32>
        %slice3A_482 = vector.extract_strided_slice %get3A_481 {offsets = [0], sizes = [1], strides = [1]} : vector<16xf32> to vector<1xf32>
        %squeeze3A_483 = vector.extract %slice3A_482[0] : f32 from vector<1xf32>
        scf.yield %squeeze3A_483 : f32
      }
      %scan3A_252 = arith.constant 250 : i32
      %get3A_253 = arith.constant 0 : index
      %get3A_254 = tpu.vector_load %arg15[%get3A_253] {strides = array<i32>} : memref<16xf32, #tpu.memory_space<vmem>>, vector<16xf32>,
      %get3A_255 = vector.shape_cast %get3A_254 : vector<16xf32> to vector<16xf32>
      %get3A_256 = arith.constant 0 : index
      %get3A_257 = tpu.vector_load %arg16[%get3A_256] {strides = array<i32>} : memref<16xf32, #tpu.memory_space<vmem>>, vector<16xf32>,
      %get3A_258 = vector.shape_cast %get3A_257 : vector<16xf32> to vector<16xf32>
      %get3A_259 = arith.constant 0 : index
      %get3A_260 = tpu.vector_load %arg17[%get3A_259] {strides = array<i32>} : memref<16xi32, #tpu.memory_space<vmem>>, vector<16xi32>,
      %get3A_261 = vector.shape_cast %get3A_260 : vector<16xi32> to vector<16xi32>
      %div3A_262 = arith.divf %get3A_255, %get3A_258 : vector<16xf32>
      %iota3A_263 = tpu.iota {dimensions = array<i32: 0>} : vector<16xi32>
      %xor3A_264 = arith.constant 1 : i32
      %xor3A_265 = vector.broadcast %xor3A_264 : i32 to vector<16xi32>
      %xor3A_266 = arith.xori %iota3A_263, %xor3A_265 : vector<16xi32>
      %broadcast_in_dim3A_267 = vector.shape_cast %xor3A_266 : vector<16xi32> to vector<16x1xi32>
      %gather3A_268 = vector.shape_cast %broadcast_in_dim3A_267 : vector<16x1xi32> to vector<16xi32>
      %gather3A_269 = tpu.dynamic_gather %div3A_262[%gather3A_268] in [0] : vector<16xf32>, vector<16xi32> -> vector<16xf32>
      %max3A_270 = arith.maximumf %div3A_262, %gather3A_269 : vector<16xf32>
      %xor3A_271 = arith.constant 2 : i32
      %xor3A_272 = vector.broadcast %xor3A_271 : i32 to vector<16xi32>
      %xor3A_273 = arith.xori %iota3A_263, %xor3A_272 : vector<16xi32>
      %broadcast_in_dim3A_274 = vector.shape_cast %xor3A_273 : vector<16xi32> to vector<16x1xi32>
      %gather3A_275 = vector.shape_cast %broadcast_in_dim3A_274 : vector<16x1xi32> to vector<16xi32>
      %gather3A_276 = tpu.dynamic_gather %max3A_270[%gather3A_275] in [0] : vector<16xf32>, vector<16xi32> -> vector<16xf32>
      %max3A_277 = arith.maximumf %max3A_270, %gather3A_276 : vector<16xf32>
      %xor3A_278 = arith.constant 4 : i32
      %xor3A_279 = vector.broadcast %xor3A_278 : i32 to vector<16xi32>
      %xor3A_280 = arith.xori %iota3A_263, %xor3A_279 : vector<16xi32>
      %broadcast_in_dim3A_281 = vector.shape_cast %xor3A_280 : vector<16xi32> to vector<16x1xi32>
      %gather3A_282 = vector.shape_cast %broadcast_in_dim3A_281 : vector<16x1xi32> to vector<16xi32>
      %gather3A_283 = tpu.dynamic_gather %max3A_277[%gather3A_282] in [0] : vector<16xf32>, vector<16xi32> -> vector<16xf32>
      %max3A_284 = arith.maximumf %max3A_277, %gather3A_283 : vector<16xf32>
      %xor3A_285 = arith.constant 8 : i32
      %xor3A_286 = vector.broadcast %xor3A_285 : i32 to vector<16xi32>
      %xor3A_287 = arith.xori %iota3A_263, %xor3A_286 : vector<16xi32>
      %broadcast_in_dim3A_288 = vector.shape_cast %xor3A_287 : vector<16xi32> to vector<16x1xi32>
      %gather3A_289 = vector.shape_cast %broadcast_in_dim3A_288 : vector<16x1xi32> to vector<16xi32>
      %gather3A_290 = tpu.dynamic_gather %max3A_284[%gather3A_289] in [0] : vector<16xf32>, vector<16xi32> -> vector<16xf32>
      %max3A_291 = arith.maximumf %max3A_284, %gather3A_290 : vector<16xf32>
      %eq3A_292 = arith.cmpf oeq, %div3A_262, %max3A_291 : vector<16xf32>
      %jit3A_293 = arith.constant -1 : i32
      %broadcast_in_dim3A_294 = vector.broadcast %jit3A_293 : i32 to vector<16xi32>
      %select_n3A_295 = arith.select %eq3A_292, %get3A_261, %broadcast_in_dim3A_294 : vector<16xi1>, vector<16xi32>
      %iota3A_296 = tpu.iota {dimensions = array<i32: 0>} : vector<16xi32>
      %xor3A_297 = arith.constant 1 : i32
      %xor3A_298 = vector.broadcast %xor3A_297 : i32 to vector<16xi32>
      %xor3A_299 = arith.xori %iota3A_296, %xor3A_298 : vector<16xi32>
      %broadcast_in_dim3A_300 = vector.shape_cast %xor3A_299 : vector<16xi32> to vector<16x1xi32>
      %gather3A_301 = vector.shape_cast %broadcast_in_dim3A_300 : vector<16x1xi32> to vector<16xi32>
      %gather3A_302 = tpu.dynamic_gather %select_n3A_295[%gather3A_301] in [0] : vector<16xi32>, vector<16xi32> -> vector<16xi32>
      %max3A_303 = arith.maxsi %select_n3A_295, %gather3A_302 : vector<16xi32>
      %xor3A_304 = arith.constant 2 : i32
      %xor3A_305 = vector.broadcast %xor3A_304 : i32 to vector<16xi32>
      %xor3A_306 = arith.xori %iota3A_296, %xor3A_305 : vector<16xi32>
      %broadcast_in_dim3A_307 = vector.shape_cast %xor3A_306 : vector<16xi32> to vector<16x1xi32>
      %gather3A_308 = vector.shape_cast %broadcast_in_dim3A_307 : vector<16x1xi32> to vector<16xi32>
      %gather3A_309 = tpu.dynamic_gather %max3A_303[%gather3A_308] in [0] : vector<16xi32>, vector<16xi32> -> vector<16xi32>
      %max3A_310 = arith.maxsi %max3A_303, %gather3A_309 : vector<16xi32>
      %xor3A_311 = arith.constant 4 : i32
      %xor3A_312 = vector.broadcast %xor3A_311 : i32 to vector<16xi32>
      %xor3A_313 = arith.xori %iota3A_296, %xor3A_312 : vector<16xi32>
      %broadcast_in_dim3A_314 = vector.shape_cast %xor3A_313 : vector<16xi32> to vector<16x1xi32>
      %gather3A_315 = vector.shape_cast %broadcast_in_dim3A_314 : vector<16x1xi32> to vector<16xi32>
      %gather3A_316 = tpu.dynamic_gather %max3A_310[%gather3A_315] in [0] : vector<16xi32>, vector<16xi32> -> vector<16xi32>
      %max3A_317 = arith.maxsi %max3A_310, %gather3A_316 : vector<16xi32>
      %xor3A_318 = arith.constant 8 : i32
      %xor3A_319 = vector.broadcast %xor3A_318 : i32 to vector<16xi32>
      %xor3A_320 = arith.xori %iota3A_296, %xor3A_319 : vector<16xi32>
      %broadcast_in_dim3A_321 = vector.shape_cast %xor3A_320 : vector<16xi32> to vector<16x1xi32>
      %gather3A_322 = vector.shape_cast %broadcast_in_dim3A_321 : vector<16x1xi32> to vector<16xi32>
      %gather3A_323 = tpu.dynamic_gather %max3A_317[%gather3A_322] in [0] : vector<16xi32>, vector<16xi32> -> vector<16xi32>
      %max3A_324 = arith.maxsi %max3A_317, %gather3A_323 : vector<16xi32>
      %jit3A_325 = arith.constant 0.000000e+00 : f32
      %broadcast_in_dim3A_326 = vector.broadcast %jit3A_325 : f32 to vector<16xf32>
      %select_n3A_327 = arith.select %eq3A_292, %get3A_255, %broadcast_in_dim3A_326 : vector<16xi1>, vector<16xf32>
      %iota3A_328 = tpu.iota {dimensions = array<i32: 0>} : vector<16xi32>
      %xor3A_329 = arith.constant 1 : i32
      %xor3A_330 = vector.broadcast %xor3A_329 : i32 to vector<16xi32>
      %xor3A_331 = arith.xori %iota3A_328, %xor3A_330 : vector<16xi32>
      %broadcast_in_dim3A_332 = vector.shape_cast %xor3A_331 : vector<16xi32> to vector<16x1xi32>
      %gather3A_333 = vector.shape_cast %broadcast_in_dim3A_332 : vector<16x1xi32> to vector<16xi32>
      %gather3A_334 = tpu.dynamic_gather %select_n3A_327[%gather3A_333] in [0] : vector<16xf32>, vector<16xi32> -> vector<16xf32>
      %max3A_335 = arith.maximumf %select_n3A_327, %gather3A_334 : vector<16xf32>
      %xor3A_336 = arith.constant 2 : i32
      %xor3A_337 = vector.broadcast %xor3A_336 : i32 to vector<16xi32>
      %xor3A_338 = arith.xori %iota3A_328, %xor3A_337 : vector<16xi32>
      %broadcast_in_dim3A_339 = vector.shape_cast %xor3A_338 : vector<16xi32> to vector<16x1xi32>
      %gather3A_340 = vector.shape_cast %broadcast_in_dim3A_339 : vector<16x1xi32> to vector<16xi32>
      %gather3A_341 = tpu.dynamic_gather %max3A_335[%gather3A_340] in [0] : vector<16xf32>, vector<16xi32> -> vector<16xf32>
      %max3A_342 = arith.maximumf %max3A_335, %gather3A_341 : vector<16xf32>
      %xor3A_343 = arith.constant 4 : i32
      %xor3A_344 = vector.broadcast %xor3A_343 : i32 to vector<16xi32>
      %xor3A_345 = arith.xori %iota3A_328, %xor3A_344 : vector<16xi32>
      %broadcast_in_dim3A_346 = vector.shape_cast %xor3A_345 : vector<16xi32> to vector<16x1xi32>
      %gather3A_347 = vector.shape_cast %broadcast_in_dim3A_346 : vector<16x1xi32> to vector<16xi32>
      %gather3A_348 = tpu.dynamic_gather %max3A_342[%gather3A_347] in [0] : vector<16xf32>, vector<16xi32> -> vector<16xf32>
      %max3A_349 = arith.maximumf %max3A_342, %gather3A_348 : vector<16xf32>
      %xor3A_350 = arith.constant 8 : i32
      %xor3A_351 = vector.broadcast %xor3A_350 : i32 to vector<16xi32>
      %xor3A_352 = arith.xori %iota3A_328, %xor3A_351 : vector<16xi32>
      %broadcast_in_dim3A_353 = vector.shape_cast %xor3A_352 : vector<16xi32> to vector<16x1xi32>
      %gather3A_354 = vector.shape_cast %broadcast_in_dim3A_353 : vector<16x1xi32> to vector<16xi32>
      %gather3A_355 = tpu.dynamic_gather %max3A_349[%gather3A_354] in [0] : vector<16xf32>, vector<16xi32> -> vector<16xf32>
      %max3A_356 = arith.maximumf %max3A_349, %gather3A_355 : vector<16xf32>
      %div3A_357 = arith.divf %max3A_356, %add3A_85 : vector<16xf32>
      %bitcast_convert_type3A = tpu.bitcast %div3A_357 : vector<16xf32> -> vector<16xi32>
      %shift_right_arithmetic3A = arith.constant 23 : i32
      %shift_right_arithmetic3A_358 = vector.broadcast %shift_right_arithmetic3A : i32 to vector<16xi32>
      %shift_right_arithmetic3A_359 = arith.shrsi %bitcast_convert_type3A, %shift_right_arithmetic3A_358 : vector<16xi32>
      %sub3A_360 = arith.constant 126 : i32
      %sub3A_361 = vector.broadcast %sub3A_360 : i32 to vector<16xi32>
      %sub3A_362 = arith.subi %shift_right_arithmetic3A_359, %sub3A_361 : vector<16xi32>
      %and3A = arith.constant 8388607 : i32
      %and3A_363 = vector.broadcast %and3A : i32 to vector<16xi32>
      %and3A_364 = arith.andi %bitcast_convert_type3A, %and3A_363 : vector<16xi32>
      %or3A = arith.constant 1056964608 : i32
      %or3A_365 = vector.broadcast %or3A : i32 to vector<16xi32>
      %or3A_366 = arith.ori %and3A_364, %or3A_365 : vector<16xi32>
      %bitcast_convert_type3A_367 = tpu.bitcast %or3A_366 : vector<16xi32> -> vector<16xf32>
      %convert_element_type3A_368 = arith.sitofp %sub3A_362 : vector<16xi32> to vector<16xf32>
      %lt3A_369 = arith.constant 0.707106769 : f32
      %lt3A_370 = vector.broadcast %lt3A_369 : f32 to vector<16xf32>
      %lt3A_371 = arith.cmpf olt, %bitcast_convert_type3A_367, %lt3A_370 : vector<16xf32>
      %sub3A_372 = arith.constant 1.000000e+00 : f32
      %sub3A_373 = vector.broadcast %sub3A_372 : f32 to vector<16xf32>
      %sub3A_374 = arith.subf %convert_element_type3A_368, %sub3A_373 : vector<16xf32>
      %select_n3A_375 = arith.select %lt3A_371, %sub3A_374, %convert_element_type3A_368 : vector<16xi1>, vector<16xf32>
      %add3A_376 = arith.addf %bitcast_convert_type3A_367, %bitcast_convert_type3A_367 : vector<16xf32>
      %select_n3A_377 = arith.select %lt3A_371, %add3A_376, %bitcast_convert_type3A_367 : vector<16xi1>, vector<16xf32>
      %sub3A_378 = arith.constant 1.000000e+00 : f32
      %sub3A_379 = vector.broadcast %sub3A_378 : f32 to vector<16xf32>
      %sub3A_380 = arith.subf %select_n3A_377, %sub3A_379 : vector<16xf32>
      %mul3A_381 = arith.mulf %sub3A_380, %sub3A_380 : vector<16xf32>
      %broadcast_in_dim3A_382 = arith.constant 0.0703768358 : f32
      %broadcast_in_dim3A_383 = vector.broadcast %broadcast_in_dim3A_382 : f32 to vector<16xf32>
      %mul3A_384 = arith.mulf %broadcast_in_dim3A_383, %sub3A_380 : vector<16xf32>
      %add3A_385 = arith.constant -0.115146101 : f32
      %add3A_386 = vector.broadcast %add3A_385 : f32 to vector<16xf32>
      %add3A_387 = arith.addf %mul3A_384, %add3A_386 : vector<16xf32>
      %mul3A_388 = arith.mulf %add3A_387, %sub3A_380 : vector<16xf32>
      %add3A_389 = arith.constant 0.116769984 : f32
      %add3A_390 = vector.broadcast %add3A_389 : f32 to vector<16xf32>
      %add3A_391 = arith.addf %mul3A_388, %add3A_390 : vector<16xf32>
      %mul3A_392 = arith.mulf %add3A_391, %sub3A_380 : vector<16xf32>
      %add3A_393 = arith.constant -0.12420141 : f32
      %add3A_394 = vector.broadcast %add3A_393 : f32 to vector<16xf32>
      %add3A_395 = arith.addf %mul3A_392, %add3A_394 : vector<16xf32>
      %mul3A_396 = arith.mulf %add3A_395, %sub3A_380 : vector<16xf32>
      %add3A_397 = arith.constant 0.142493233 : f32
      %add3A_398 = vector.broadcast %add3A_397 : f32 to vector<16xf32>
      %add3A_399 = arith.addf %mul3A_396, %add3A_398 : vector<16xf32>
      %mul3A_400 = arith.mulf %add3A_399, %sub3A_380 : vector<16xf32>
      %add3A_401 = arith.constant -0.166680574 : f32
      %add3A_402 = vector.broadcast %add3A_401 : f32 to vector<16xf32>
      %add3A_403 = arith.addf %mul3A_400, %add3A_402 : vector<16xf32>
      %mul3A_404 = arith.mulf %add3A_403, %sub3A_380 : vector<16xf32>
      %add3A_405 = arith.constant 0.200007141 : f32
      %add3A_406 = vector.broadcast %add3A_405 : f32 to vector<16xf32>
      %add3A_407 = arith.addf %mul3A_404, %add3A_406 : vector<16xf32>
      %mul3A_408 = arith.mulf %add3A_407, %sub3A_380 : vector<16xf32>
      %add3A_409 = arith.constant -0.24999994 : f32
      %add3A_410 = vector.broadcast %add3A_409 : f32 to vector<16xf32>
      %add3A_411 = arith.addf %mul3A_408, %add3A_410 : vector<16xf32>
      %mul3A_412 = arith.mulf %add3A_411, %sub3A_380 : vector<16xf32>
      %add3A_413 = arith.constant 0.333333313 : f32
      %add3A_414 = vector.broadcast %add3A_413 : f32 to vector<16xf32>
      %add3A_415 = arith.addf %mul3A_412, %add3A_414 : vector<16xf32>
      %mul3A_416 = arith.mulf %add3A_415, %sub3A_380 : vector<16xf32>
      %mul3A_417 = arith.mulf %mul3A_416, %mul3A_381 : vector<16xf32>
      %mul3A_418 = arith.constant -2.12194442E-4 : f32
      %mul3A_419 = vector.broadcast %mul3A_418 : f32 to vector<16xf32>
      %mul3A_420 = arith.mulf %select_n3A_375, %mul3A_419 : vector<16xf32>
      %add3A_421 = arith.addf %mul3A_417, %mul3A_420 : vector<16xf32>
      %mul3A_422 = arith.constant 5.000000e-01 : f32
      %mul3A_423 = vector.broadcast %mul3A_422 : f32 to vector<16xf32>
      %mul3A_424 = arith.mulf %mul3A_423, %mul3A_381 : vector<16xf32>
      %sub3A_425 = arith.subf %add3A_421, %mul3A_424 : vector<16xf32>
      %add3A_426 = arith.addf %sub3A_380, %sub3A_425 : vector<16xf32>
      %mul3A_427 = arith.constant 0.693359375 : f32
      %mul3A_428 = vector.broadcast %mul3A_427 : f32 to vector<16xf32>
      %mul3A_429 = arith.mulf %select_n3A_375, %mul3A_428 : vector<16xf32>
      %add3A_430 = arith.addf %add3A_426, %mul3A_429 : vector<16xf32>
      %eq3A_431 = vector.broadcast %scan3A_39 : i32 to vector<16xi32>
      %eq3A_432 = arith.cmpi eq, %iota3A, %eq3A_431 : vector<16xi32>
      %select_n3A_433 = arith.select %eq3A_432, %max3A_324, %scan3A_40 : vector<16xi1>, vector<16xi32>
      %eq3A_434 = vector.broadcast %scan3A_39 : i32 to vector<16xi32>
      %eq3A_435 = arith.cmpi eq, %iota3A, %eq3A_434 : vector<16xi32>
      %select_n3A_436 = arith.select %eq3A_435, %add3A_430, %scan3A_41 : vector<16xi1>, vector<16xf32>
      scf.yield %select_n3A_433, %select_n3A_436 : vector<16xi32>, vector<16xf32>
    }
    %scan3A_27 = arith.constant 4 : i32
    %swap3A = arith.constant 0 : index
    %swap3A_28 = tpu.vector_load %arg13[%swap3A] {strides = array<i32>} : memref<16xi32, #tpu.memory_space<vmem>>, vector<16xi32>,
    %swap3A_29 = vector.shape_cast %swap3A_28 : vector<16xi32> to vector<16xi32>
    %swap3A_30 = vector.shape_cast %scan3A_26#0 : vector<16xi32> to vector<16xi32>
    tpu.vector_store %arg13[%swap3A], %swap3A_30 {strides = array<i32>} : memref<16xi32, #tpu.memory_space<vmem>>, vector<16xi32>,
    %swap3A_31 = arith.constant 0 : index
    %swap3A_32 = tpu.vector_load %arg14[%swap3A_31] {strides = array<i32>} : memref<16xf32, #tpu.memory_space<vmem>>, vector<16xf32>,
    %swap3A_33 = vector.shape_cast %swap3A_32 : vector<16xf32> to vector<16xf32>
    %swap3A_34 = vector.shape_cast %scan3A_26#1 : vector<16xf32> to vector<16xf32>
    tpu.vector_store %arg14[%swap3A_31], %swap3A_34 {strides = array<i32>} : memref<16xf32, #tpu.memory_space<vmem>>, vector<16xf32>,
    %mul3A_35 = arith.constant 16 : i32
    %mul3A_36 = arith.muli %add3A, %mul3A_35 : i32
    "tpu.region"() ({
      %run_scoped3A = tpu.sem_alloc : memref<!tpu.dma_semaphore, #tpu.memory_space<semaphore_mem>>
      %dma_start3A_39 = tpu.memref_slice %arg4[%mul3A_36] : memref<512xi32, #tpu.memory_space<hbm>> -> memref<16xi32, #tpu.memory_space<hbm>>
      %dma_start3A_40 = tpu.memref_slice %arg4[%mul3A_36] : memref<512xi32, #tpu.memory_space<hbm>> -> memref<16xi32, #tpu.memory_space<hbm>>
      tpu.enqueue_dma source(%arg13 : memref<16xi32, #tpu.memory_space<vmem>>) target(%dma_start3A_40 : memref<16xi32, #tpu.memory_space<hbm>>) target_semaphore(%run_scoped3A : memref<!tpu.dma_semaphore, #tpu.memory_space<semaphore_mem>>)
      %dma_wait3A = tpu.memref_slice %arg4[%mul3A_36] : memref<512xi32, #tpu.memory_space<hbm>> -> memref<16xi32, #tpu.memory_space<hbm>>
      %dma_wait3A_41 = tpu.memref_slice %arg4[%mul3A_36] : memref<512xi32, #tpu.memory_space<hbm>> -> memref<16xi32, #tpu.memory_space<hbm>>
      tpu.wait_dma2 semaphore(%run_scoped3A : memref<!tpu.dma_semaphore, #tpu.memory_space<semaphore_mem>>) src(%arg13 : memref<16xi32, #tpu.memory_space<vmem>>) dst(%dma_wait3A_41 : memref<16xi32, #tpu.memory_space<hbm>>)
      tpu.yield
    }) : () -> ()
    %mul3A_37 = arith.constant 16 : i32
    %mul3A_38 = arith.muli %add3A, %mul3A_37 : i32
    "tpu.region"() ({
      %run_scoped3A = tpu.sem_alloc : memref<!tpu.dma_semaphore, #tpu.memory_space<semaphore_mem>>
      %dma_start3A_39 = tpu.memref_slice %arg5[%mul3A_38] : memref<512xf32, #tpu.memory_space<hbm>> -> memref<16xf32, #tpu.memory_space<hbm>>
      %dma_start3A_40 = tpu.memref_slice %arg5[%mul3A_38] : memref<512xf32, #tpu.memory_space<hbm>> -> memref<16xf32, #tpu.memory_space<hbm>>
      tpu.enqueue_dma source(%arg14 : memref<16xf32, #tpu.memory_space<vmem>>) target(%dma_start3A_40 : memref<16xf32, #tpu.memory_space<hbm>>) target_semaphore(%run_scoped3A : memref<!tpu.dma_semaphore, #tpu.memory_space<semaphore_mem>>)
      %dma_wait3A = tpu.memref_slice %arg5[%mul3A_38] : memref<512xf32, #tpu.memory_space<hbm>> -> memref<16xf32, #tpu.memory_space<hbm>>
      %dma_wait3A_41 = tpu.memref_slice %arg5[%mul3A_38] : memref<512xf32, #tpu.memory_space<hbm>> -> memref<16xf32, #tpu.memory_space<hbm>>
      tpu.wait_dma2 semaphore(%run_scoped3A : memref<!tpu.dma_semaphore, #tpu.memory_space<semaphore_mem>>) src(%arg14 : memref<16xf32, #tpu.memory_space<vmem>>) dst(%dma_wait3A_41 : memref<16xf32, #tpu.memory_space<hbm>>)
      tpu.yield
    }) : () -> ()
    return
  }
}

</mosaic_0001>

<sc_bundles>
// kernel: kernel.3.cloned.1.call-start
scs
__scs_entry_jumppad:
0x0: {  	(pc) =	sbr.rel $0x88, $3  }
0x1: {  	(tag) =	ssettag $0x0;
	lr =	simm.s32 $0x1  }
0x2: {  	[smem:$0x3F9F] =	sst lr;
	_ =	strace $0xD0000000  }
0x3: {  	_ = 	snop  }
0x4: {  	_ = 	snop  }
0x5: {  	_ = 	snop  }
0x6: {  	_ = 	snop  }
0x7: {  	_ = 	snop  }
__scs_overlays_trampoline_lowered:
0x8: {  	[smem:$0x3FAE] =	sst s0  }
0x9: {  	[smem:$0x3FAF] =	sst s1  }
0xa: {  	[smem:$0x3FB0] =	sst s2  }
0xb: {  	[smem:$0x3FB1] =	sst s3  }
0xc: {  	[smem:$0x3FB2] =	sst s4  }
0xd: {  	[smem:$0x3FB3] =	sst s5  }
0xe: {  	[smem:$0x3FB4] =	sst s6  }
0xf: {  	[smem:$0x3FB5] =	sst s7  }
0x10: {  	[smem:$0x3FB6] =	sst s8  }
0x11: {  	[smem:$0x3FB7] =	sst s9;
	s0 =	simm.s32 @!p0 $0x0  }
0x12: {  	s1 =	sld [smem:$0x3F9D];
	s0 =	simm.s32 @p0 $0x1  }
0x13: {  	[smem:$0x3FB8] =	sst s0;
	s0 =	simm.s32 @!p1 $0x0  }
0x14: {  	s2 =	sld [smem:$0x3F9C];
	s0 =	simm.s32 @p1 $0x1  }
0x15: {  	[smem:$0x3FB9] =	sst s0;
	s0 =	simm.s32 @!p2 $0x0  }
0x16: {  	s3 =	sld [smem:$0x3FDB];
	s0 =	simm.s32 @p2 $0x1  }
0x17: {  	s4 =	simm.s32 $0x1BF5;
	[smem:$0x3FBB] =	sst s0  }
0x18: {  	s0 =	sld [smem:$0x3F9E];
	_ =	swait.ge [sflag:s4], $0x0  }
0x19: {  	s7 =	sld [smem:$0x3F9F]  }
0x1a: {  	s8 =	sadd.s32 $0xFFFFE003, lr  }
0x1b: {  	s9 =	sadd.s32 $0xFFFFFEF7, lr;
	s5 =	simm.s32 $0xFFFFFFFF;
	p2 =	slt.u32 s8, $0xFFFFF086  }
0x1c: {  	p1 =	slt.u32 s9, $0xF7A;
	s5 =	simm.s32 @!p2 $0x0  }
0x1d: {  	s5 =	simm.s32 @p1 $0x1;
	p0 =	seq.s32 s7, s2  }
0x1e: {  	s7 =	smul.u32 @!p0 $0xF7A, s2;
	p2 =	seq.s32 @!p0 s5, $0x0  }
0x1f: {  	s9 =	smul.u32 $0xF7A, s1;
	s8 =	simm.s32 @!p0 $0x1BF5;
	p2 =	por !p2, p0  }
0x20: {  	[sflag:s8] =	ssyncset.s32 @!p0 $0xFFFFF086;
	s6 =	sadd.s32 @!p0 s3, s7;
	s7 =	simm.s32 @!p0 $0x108  }
0x21: {  	s3 =	sadd.s32 s3, s9;
	s6 =	sadd.s32 @!p0 $0x88, s6;
	s7 =	simm.s32 @p2 $0x1082  }
0x22: {  	[simem:s7], [sflag:s8] =	dma.local @!p0 [hbm:s6], $0xF7A  }
0x23: {  	s9 =	sor.u32 $0xD0000000, s2;
	s6 =	simm.s32 $0x108;
	_ =	swait.ge @!p0 [sflag:s8], $0x0  }
0x24: {  	s3 =	sadd.s32 $0x88, s3;
	s6 =	simm.s32 @!p1 $0x1082;
	[sflag:s4] =	ssyncset.s32 $0xFFFFF086  }
0x25: {  	[simem:s6], [sflag:s4] =	dma.local [hbm:s3], $0xF7A  }
0x26: {  	[smem:$0x3F9F] =	sst s1;
	(tag) =	ssettag s2;
	_ =	strace s9  }
0x27: {  	s1 =	sld [smem:$0x3FAF]  }
0x28: {  	s2 =	sld [smem:$0x3FB0]  }
0x29: {  	s4 =	sld [smem:$0x3FB2]  }
0x2a: {  	p0 =	seq.s32 s5, $0x0;
	s5 =	sld [smem:$0x3FB3]  }
0x2b: {  	s6 =	sld [smem:$0x3FB4]  }
0x2c: {  	s7 =	sld [smem:$0x3FB5]  }
0x2d: {  	s3 =	simm.s32 $0x108;
	s8 =	sld [smem:$0x3FB6]  }
0x2e: {  	s3 =	simm.s32 @!p0 $0x1082;
	s9 =	sld [smem:$0x3FB7]  }
0x2f: {  	lr =	sadd.s32 s0, s3;
	s0 =	sld [smem:$0x3FAE]  }
0x30: {  	s3 =	sld [smem:$0x3FB1]  }
0x31: {  	[smem:$0x3FBA] =	sst s10  }
0x32: {  	s10 =	sld [smem:$0x3FB8];
	_ =	sdelay $0x3  }
0x33: {  	p0 =	seq.s32 s10, $0x1;
	s10 =	sld [smem:$0x3FBA];
	_ =	sdelay $0x3  }
0x34: {  	[smem:$0x3FBA] =	sst s10  }
0x35: {  	s10 =	sld [smem:$0x3FB9];
	_ =	sdelay $0x3  }
0x36: {  	p1 =	seq.s32 s10, $0x1;
	s10 =	sld [smem:$0x3FBA];
	_ =	sdelay $0x3  }
0x37: {  	[smem:$0x3FBA] =	sst s10  }
0x38: {  	s10 =	sld [smem:$0x3FBB]  }
0x39: {  	_ = 	snop;
	(pc) =	sbr.ind lr, $3  }
0x3a: {  	_ = 	snop  }
0x3b: {  	_ = 	snop  }
0x3c: {  	p2 =	seq.s32 s10, $0x1;
	s10 =	sld [smem:$0x3FBA]  }
0x3d: {  	_ =	shalt  }
0x3e: {  	_ =	shalt  }
0x3f: {  	_ =	shalt  }
0x40: {  	_ =	shalt  }
0x41: {  	_ =	shalt  }
0x42: {  	_ =	shalt  }
0x43: {  	_ =	shalt  }
0x44: {  	_ =	shalt  }
0x45: {  	_ =	shalt  }
0x46: {  	_ =	shalt  }
0x47: {  	_ =	shalt  }
0x48: {  	_ =	shalt  }
0x49: {  	_ =	shalt  }
0x4a: {  	_ =	shalt  }
0x4b: {  	_ =	shalt  }
0x4c: {  	_ =	shalt  }
0x4d: {  	_ =	shalt  }
0x4e: {  	_ =	shalt  }
0x4f: {  	_ =	shalt  }
0x50: {  	_ =	shalt  }
0x51: {  	_ =	shalt  }
0x52: {  	_ =	shalt  }
0x53: {  	_ =	shalt  }
0x54: {  	_ =	shalt  }
0x55: {  	_ =	shalt  }
0x56: {  	_ =	shalt  }
0x57: {  	_ =	shalt  }
0x58: {  	_ =	shalt  }
0x59: {  	_ =	shalt  }
0x5a: {  	_ =	shalt  }
0x5b: {  	_ =	shalt  }
0x5c: {  	_ =	shalt  }
0x5d: {  	_ =	shalt  }
0x5e: {  	_ =	shalt  }
0x5f: {  	_ =	shalt  }
0x60: {  	_ =	shalt  }
0x61: {  	_ =	shalt  }
0x62: {  	_ =	shalt  }
0x63: {  	_ =	shalt  }
0x64: {  	_ =	shalt  }
0x65: {  	_ =	shalt  }
0x66: {  	_ =	shalt  }
0x67: {  	_ =	shalt  }
0x68: {  	_ =	shalt  }
0x69: {  	_ =	shalt  }
0x6a: {  	_ =	shalt  }
0x6b: {  	_ =	shalt  }
0x6c: {  	_ =	shalt  }
0x6d: {  	_ =	shalt  }
0x6e: {  	_ =	shalt  }
0x6f: {  	_ =	shalt  }
0x70: {  	_ =	shalt  }
0x71: {  	_ =	shalt  }
0x72: {  	_ =	shalt  }
0x73: {  	_ =	shalt  }
0x74: {  	_ =	shalt  }
0x75: {  	_ =	shalt  }
0x76: {  	_ =	shalt  }
0x77: {  	_ =	shalt  }
0x78: {  	_ =	shalt  }
0x79: {  	_ =	shalt  }
0x7a: {  	_ =	shalt  }
0x7b: {  	_ =	shalt  }
0x7c: {  	_ =	shalt  }
0x7d: {  	_ =	shalt  }
0x7e: {  	_ =	shalt  }
0x7f: {  	_ =	shalt  }
0x80: {  	_ =	shalt  }
0x81: {  	_ =	shalt  }
0x82: {  	_ =	shalt  }
0x83: {  	_ =	shalt  }
0x84: {  	_ =	shalt  }
0x85: {  	_ =	shalt  }
0x86: {  	_ =	shalt  }
0x87: {  	_ =	shalt  }
.Lfunc_end0:
.L_simem_size_0:
called_computation_lowered:
.L_overlay_start_0:
0x88: {  	s2 =	sld [smem:$0x3FD9]  }
0x89: {  	s3 =	sld [smem:$0x3FFE];
	_ =	sdelay $0x1  }
0x8a: {  	s1 =	srdreg.scid  }
0x8b: {  	s0 =	sand.u32 $0x1, s1  }
0x8c: {  	s16 =	sshll.u32 s0, $0xA;
	s2 =	sadd.s32 s3, s2  }
0x8d: {  	s2 =	sadd.s32 s2, s16  }
0x8e: {  	[smem:$0x3FC6] =	sst s2  }
0x8f: {  	_ = 	snop  }
0x90: {  	(tm) =	ssettm $0x1  }
0x91: {  	s17 =	sld [smem:$0x3FFB];
	_ =	sdelay $0x3  }
0x92: {  	_ =	strace s17  }
0x93: {  	s2 =	sld [smem:$0x3FFC];
	_ =	sdelay $0x3  }
0x94: {  	_ =	strace s2  }
0x95: {  	s2 =	sld [smem:$0x3FFD];
	_ =	sdelay $0x3  }
0x96: {  	_ =	strace s2  }
0x97: {  	_ =	strace $0x8FFFFFFF  }
0x98: {  	s18 =	sld [smem:$0x3FDB];
	_ =	sdelay $0x1  }
0x99: {  	s19 =	simm.s32 $_scs_section_size  }
0x9a: {  	s4 =	simm.s32 $_size__tile_overlayer_lowered;
	s5 =	simm.s32 $_tile_overlayer_lowered  }
0x9b: {  	s22 =	simm.s32 $0x1BFF;
	s21 =	sshll.u32 s5, $0x1;
	s2 =	sadd.s32 s19, s18  }
0x9c: {  	s6 =	simm.s32 $0x0;
	s20 =	sshll.u32 s4, $0x1;
	s4 =	sadd.s32 s21, s2  }
0x9d: {  	[timem:s6], [sflag:s22] =	dma.local [hbm:s4], s20  }
0x9e: {  	_ =	swait.ge [sflag:s22], s20  }
0x9f: {  	s3 =	ssub.s32 $0x0, s20;
	[sflag:s22] =	ssyncset.done $0x0  }
0xa0: {  	[sflag:s22] =	ssyncadd.s32 s3;
	_ =	sdelay $0x1  }
0xa1: {  	s23 =	simm.s32 $0x1B8B  }
0xa2: {  	_ =	swait.ge [sflag:s23], $0x1  }
0xa3: {  	[sflag:s23] =	ssyncset.done $0x0  }
0xa4: {  	s25 =	simm.s32 $0x1B8E;
	s24 =	sld [smem:$0x3FFE];
	[sflag:s23] =	ssyncadd.s32 $0xFFFFFFFF  }
0xa5: {  	s26 =	simm.s32 $execute0_lowered;
	[smem:$0x3FD2] =	sst s25  }
0xa6: {  	s4 =	sshll.u32 s26, $0x1;
	_ =	strace $0x80000046;
	[dreg:$0x1] =	wrdreg $0xFFFFFFFF  }
0xa7: {  	s28 =	simm.s32 $_size_execute0_lowered;
	s2 =	sadd.s32 s2, s4;
	[dreg:$0x0] =	wrdreg $0x0  }
0xa8: {  	s4 =	sshll.u32 s28, $0x1;
	[dreg:$0x2] =	wrdreg s2  }
0xa9: {  	[dreg:$0x3] =	wrdreg s4  }
0xaa: {  	[dreg:$0x4] =	wrdreg $0xC0  }
0xab: {  	_ =	task [dreg:s6], $0x5FFFF  }
0xac: {  	[dreg:$0x1] =	wrdreg $0xFFFFFFFF  }
0xad: {  	[dreg:$0x0] =	wrdreg $0x60  }
0xae: {  	[dreg:$0x2] =	wrdreg s24  }
0xaf: {  	[dreg:$0x3] =	wrdreg $0x9  }
0xb0: {  	_ =	task.clear_ibuf [dreg:s6], $0x4FFFF;
	_ =	strace $0x90000046  }
0xb1: {  	s29 =	simm.s32 $0x9;
	_ =	strace $0x80000048  }
0xb2: {  	_ =	swait.ge [sflag:s29], $0x1  }
0xb3: {  	[sflag:s29] =	ssyncadd.s32 $0xFFFFFFFF  }
0xb4: {  	_ =	strace $0x90000048  }
0xb5: {  	_ =	sfence  }
0xb6: {  	s30 =	sld [smem:$0x0];
	_ =	sdelay $0x2  }
0xb7: {  	s31 =	sshll.u32 s1, $0xD;
	s1 =	sshrl.u32 s1, $0x2  }
0xb8: {  	s3 =	sand.u32 $0x4000, s31;
	s1 =	sadd.s32 s1, s30  }
0xb9: {  	s0 =	sor.u32 s3, s0;
	s1 =	sshll.u32 s1, $0x11  }
0xba: {  	s0 =	sor.u32 s1, s0  }
0xbb: {  	s0 =	sadd.s32 $0x8F2B, s0  }
0xbc: {  	[sflag:s0] =	ssyncadd.remote.s32 $0x1  }
0xbd: {  	_ =	sfence.sel $0xFFFF  }
0xbe: {  	[dreg:$0x0] =	wrdreg $0xFFFFFFFF;
	(pc) =	sbr.abs _section_cstart, $3  }
0xbf: {  	[dreg:$0x1] =	wrdreg $0xFFFFFFFF  }
0xc0: {  	_ =	task.clear_ibuf [dreg:s6], $0x2FFFF;
	_ =	strace $0x9FFFFFFF  }
0xc1: {  	(tm) =	ssettm $0x7FFFFFFF  }
tec
execute0_lowered:
.L_overlay_start_1:
0x0: {  	(tag) =	ssettag $0x1  }
0x1: {  	s0 =	rddreg [dreg:$0x0];
	s2 =	simm.s32 $0x0;
	s1 =	srdreg.scid  }
0x2: {  	s3 =	stileid.u32;
	v0 =	vimm.s32 $0xEFCDAB89;
	s16 =	simm.s32 $0x1;
	s17 =	simm.s32 $0x3  }
0x3: {  	v1 =	vimm.s32 $0x67452301;
	v2 =	vimm.s32 $0xDCFE98BA;
	s18 =	simm.s32 $0x2;
	s19 =	simm.s32 $0x4;
	s20 =	simm.s32 $0xAE00  }
0x4: {  	v3 =	vimm.s32 $0x54761032;
	v4 =	vimm.s32 $0xBA98FEDC;
	s21 =	simm.s32 $0xB000;
	s22 =	simm.s32 $0x5;
	s23 =	simm.s32 $0x6  }
0x5: {  	v5 =	vimm.s32 $0xFEDCBA98;
	v6 =	vimm.s32 $0x32107654;
	v7 =	vimm.s32 $0x76543210;
	s25 =	simm.s32 $0x7;
	s1 =	sand.u32 $0x1, s1;
	s3 =	sshll.u32 s3, $0x1  }
0x6: {  	[smem:$0x7FF] =	sst s2;
	v0 =	vunpack.c.l.s4.s8 v0;
	v1 =	vunpack.c.l.s4.s8 v1;
	s4 =	sadd.s32 $0x30E200, s0;
	v2 =	vunpack.c.l.s4.s8 v2;
	s5 =	sor.u32 s1, s3  }
0x7: {  	s28 =	simm.s32 $0x0;
	v3 =	vunpack.c.l.s4.s8 v3;
	v5 =	vunpack.c.l.s4.s8 v5;
	v4 =	vunpack.c.l.s4.s8 v4;
	_ =	strace $0x80000047;
	s6 =	smul.u32 $0x61A80, s5  }
0x8: {  	v6 =	vunpack.c.l.s4.s8 v6;
	v7 =	vunpack.c.l.s4.s8 v7;
	s3 =	sadd.s32 $0x187800, s0;
	s1 =	ssub.s32 $0x2, s1;
	v0 =	vunpack.c.0.s8.s32 v0;
	s7 =	sshll.u32 s5, $0x1  }
0x9: {  	s8 =	sshrl.u32 s1, $0x1;
	v1 =	vunpack.c.0.s8.s32 v1;
	s9 =	sshll.u32 s5, $0x2;
	v2 =	vunpack.c.0.s8.s32 v2;
	v3 =	vunpack.c.0.s8.s32 v3;
	s6 =	sshrl.u32 s6, $0x3  }
.Ltmp0:
0xa: {  	v5 =	vunpack.c.0.s8.s32 v5;
	v4 =	vunpack.c.0.s8.s32 v4;
	v6 =	vunpack.c.0.s8.s32 v6;
	s0 =	sadd.s32 s7, s0;
	s29 =	sadd.s32 s3, s6;
	(pc) =	sbr.rel .LBB2_1-.Ltmp0, $4  }
0xb: {  	v9 =	vlaneseq.u32;
	v7 =	vunpack.c.0.s8.s32 v7;
	v0 =	vcombine.low v1, v0;
	s30 =	sadd.s32 s4, s6;
	s6 =	sadd.s32 $0x4E2, s6;
	[dreg:$0x2] =	wrdreg s29  }
0xc: {  	s1 =	ssub.s32 s1, s8;
	v1 =	vcombine.low v3, v2;
	v3 =	vand.u32 $0xF, v5;
	v2 =	vcombine.low v6, v4;
	[dreg:$0x3] =	wrdreg s30;
	s31 =	sadd.s32 s3, s6  }
0xd: {  	s10 =	sadd.s32 $0x800, s0;
	v4 =	vimm.f32 $0.0e+00;
	v5 =	vimm.f32 $1.000000000e+00;
	v3 =	vcombine.low v3, v7;
	s6 =	sadd.s32 s4, s6;
	[dreg:$0x4] =	wrdreg s31  }
0xe: {  	s11 =	sadd.s32 $0xA00, s0;
	s12 =	smax.u32 s1, $0x1;
	v6 =	vand.u32 $0xF, v0;
	v7 =	vand.u32 $0xF, v1;
	v8 =	vand.u32 $0xF, v2;
	[dreg:$0x5] =	wrdreg s6  }
.LBB2_20:
0xf: {  	[tilespmem:$0xB200] =	vst v11  }
0x10: {  	[tilespmem:$0xB280] =	vst v10;
	s0 =	simm.s32 $0xB200  }
0x11: {  	[hbm4b:s10+s2] =	stream.linear.scatter [tilespmem:s0], [sflag:$0x7], $0x10, $0x38;
	[tilespmem:$0xB500] =	vst v63  }
0x12: {  	s28 =	sadd.s32 $0x1, s28;
	_ =	swait.ge [sflag:s25], $0x10  }
0x13: {  	p0 =	sne.s32 s28, s12;
	[sflag:s25] =	ssyncset.done $0x0  }
.Ltmp1:
0x14: {  	s31 =	simm.s32 $0xB280;
	[sflag:s25] =	ssyncadd.s32 $0xFFFFFFF0;
	(pc) =	sbr.rel @!p0 .LBB2_21-.Ltmp1, $4  }
0x15: {  	[hbm4b:s11+s2] =	stream.linear.scatter [tilespmem:s31], [sflag:$0x7], $0x10, $0x38;
	[tilespmem:$0xB500] =	vst v63  }
0x16: {  	_ =	swait.ge [sflag:s25], $0x10  }
0x17: {  	[sflag:s25] =	ssyncset.done $0x0  }
0x18: {  	[sflag:s25] =	ssyncadd.s32 $0xFFFFFFF0  }
.LBB2_1:
0x19: {  	s0 =	rddreg [dreg:$0x2]  }
0x1a: {  	[tilespmem:s2], [sflag:$0x1] =	stream.linear.gather [hbm4b:s0+s2], $0x2710, $0x38;
	[tilespmem:$0xB500] =	vst v63  }
0x1b: {  	s15 =	rddreg [dreg:$0x3];
	s1 =	simm.s32 $0x4F00  }
0x1c: {  	[tilespmem:s1], [sflag:$0x3] =	stream.linear.gather [hbm4b:s15+s2], $0x2710, $0x38;
	[tilespmem:$0xB500] =	vst v63  }
.Ltmp2:
0x1d: {  	_ = 	snop;
	(pc) =	sbr.rel .LBB2_2-.Ltmp2, $4  }
0x1e: {  	s24 =	rddreg [dreg:$0x4];
	s26 =	simm.s32 $0x2780  }
0x1f: {  	[tilespmem:s26], [sflag:$0x2] =	stream.linear.gather [hbm4b:s24+s2], $0x2710, $0x38;
	[tilespmem:$0xB500] =	vst v63  }
0x20: {  	s30 =	rddreg [dreg:$0x5];
	s31 =	simm.s32 $0x7680;
	s29 =	simm.s32 $0x0  }
0x21: {  	v11 =	vimm.s32 $0x0;
	v10 =	vimm.f32 $0.0e+00;
	[tilespmem:s31], [sflag:$0x4] =	stream.linear.gather [hbm4b:s30+s2], $0x2710, $0x38;
	[tilespmem:$0xB500] =	vst v63  }
.LBB2_19:
0x22: {  	v13 =	vld [tilespmem:$0xB380];
	_ =	sdelay $0x4  }
0x23: {  	(erf) = vrcp.f32 v13;
	_ =	sdelay $0x4  }
0x24: {  	v53 =	vld [tilespmem:$0xB300];
	_ =	sdelay $0x3  }
0x25: {  	v14 =	vpop (erf)  }
0x26: {  	v14 =	vmul.f32 v14, v53;
	_ =	sdelay $0x1  }
0x27: {  	v15 =	vperm.xlane v14, v6;
	_ =	sdelay $0x1  }
0x28: {  	v15 =	vmax.f32 v14, v15  }
0x29: {  	v16 =	vperm.xlane v15, v7;
	_ =	sdelay $0x1  }
0x2a: {  	v15 =	vmax.f32 v15, v16  }
0x2b: {  	v16 =	vperm.xlane v15, v8;
	_ =	sdelay $0x1  }
0x2c: {  	v15 =	vmax.f32 v15, v16  }
0x2d: {  	v16 =	vperm.xlane v15, v3;
	_ =	sdelay $0x1  }
0x2e: {  	v15 =	vmax.f32 v15, v16  }
0x2f: {  	vm0 =	veq.f32 v14, v15  }
0x30: {  	v13 =	vnsel vm0, $0x0, v53  }
0x31: {  	v54 =	vperm.xlane v13, v6;
	_ =	sdelay $0x1  }
0x32: {  	(erf) = vrcp.f32 v12;
	v13 =	vmax.f32 v13, v54  }
0x33: {  	v55 =	vperm.xlane v13, v7;
	_ =	sdelay $0x1  }
0x34: {  	v12 =	vmax.f32 v13, v55  }
0x35: {  	v13 =	vperm.xlane v12, v8;
	_ =	sdelay $0x1  }
0x36: {  	v12 =	vmax.f32 v12, v13  }
0x37: {  	v13 =	vperm.xlane v12, v3;
	_ =	sdelay $0x1  }
0x38: {  	v56 =	vpop (erf);
	v12 =	vmax.f32 v12, v13  }
0x39: {  	v12 =	vmul.f32 v12, v56;
	_ =	sdelay $0x1  }
0x3a: {  	v13 =	vand.u32 $0x7FFFFF, v12  }
0x3b: {  	v13 =	vor.u32 $0x3F000000, v13  }
0x3c: {  	vm1 =	vlt.f32 v13, $7.071067690e-01  }
0x3d: {  	v57 =	vnsel vm1, $0x80000000, v13  }
0x3e: {  	v13 =	vadd.f32 v13, v57;
	_ =	sdelay $0x1  }
0x3f: {  	v13 =	vadd.f32 $-1.000000000e+00, v13;
	_ =	sdelay $0x1  }
0x40: {  	v58 =	vmul.f32 $7.037683580e-02, v13;
	_ =	sdelay $0x1  }
0x41: {  	v14 =	vadd.f32 $-1.151461010e-01, v58;
	_ =	sdelay $0x1  }
0x42: {  	v14 =	vmul.f32 v14, v13;
	_ =	sdelay $0x1  }
0x43: {  	v14 =	vadd.f32 $1.167699840e-01, v14;
	_ =	sdelay $0x1  }
0x44: {  	v14 =	vmul.f32 v14, v13;
	_ =	sdelay $0x1  }
0x45: {  	v14 =	vadd.f32 $-1.242014100e-01, v14;
	_ =	sdelay $0x1  }
0x46: {  	v14 =	vmul.f32 v14, v13;
	_ =	sdelay $0x1  }
0x47: {  	v14 =	vadd.f32 $1.424932330e-01, v14;
	_ =	sdelay $0x1  }
0x48: {  	v14 =	vmul.f32 v14, v13;
	_ =	sdelay $0x1  }
0x49: {  	v14 =	vadd.f32 $-1.666805740e-01, v14;
	_ =	sdelay $0x1  }
0x4a: {  	v14 =	vmul.f32 v14, v13  }
0x4b: {  	v59 =	vld [tilespmem:$0xB400]  }
0x4c: {  	v14 =	vadd.f32 $2.000071410e-01, v14;
	_ =	sdelay $0x1  }
0x4d: {  	v14 =	vmul.f32 v14, v13;
	_ =	sdelay $0x1  }
0x4e: {  	v15 =	vnsel vm0, $0xFFFFFFFF, v59;
	v14 =	vadd.f32 $-2.499999400e-01, v14  }
0x4f: {  	v60 =	vperm.xlane v15, v6;
	v12 =	vshra.s32 v12, $0x17  }
0x50: {  	v12 =	vadd.s32 $0xFFFFFF82, v12;
	v14 =	vmul.f32 v14, v13  }
0x51: {  	vm0 =	vgt.s32 v15, v60;
	v12 =	vcvt.s32.f32 v12  }
0x52: {  	v15 =	vsel vm0, v15, v60;
	v14 =	vadd.f32 $3.333333130e-01, v14  }
0x53: {  	v16 =	vperm.xlane v15, v7;
	v17 =	vadd.f32 $-1.000000000e+00, v12  }
0x54: {  	v18 =	vmul.f32 v13, v13;
	v14 =	vmul.f32 v14, v13  }
0x55: {  	v12 =	vsel vm1, v17, v12  }
0x56: {  	vm0 =	vgt.s32 v15, v16;
	v17 =	vmul.f32 $-2.121944420e-04, v12;
	v14 =	vmul.f32 v14, v18  }
0x57: {  	v15 =	vsel vm0, v15, v16  }
0x58: {  	v16 =	vperm.xlane v15, v8;
	v61 =	vmul.f32 $-5.000000000e-01, v18;
	v14 =	vadd.f32 v17, v14;
	_ =	sdelay $0x1  }
0x59: {  	vm0 =	vgt.s32 v15, v16;
	v14 =	vadd.f32 v61, v14  }
0x5a: {  	p0 =	sne.s32 s0, $0x4;
	v15 =	vsel vm0, v15, v16  }
.Ltmp3:
0x5b: {  	v16 =	vperm.xlane v15, v3;
	v12 =	vmul.f32 $6.933593750e-01, v12;
	v13 =	vadd.f32 v14, v13;
	(pc) =	sbr.rel @!p0 .LBB2_20-.Ltmp3, $4  }
0x5c: {  	_ = 	snop  }
0x5d: {  	v62 =	vmov s29;
	vm0 =	vgt.s32 v15, v16;
	v12 =	vadd.f32 v13, v12  }
0x5e: {  	vm15 =	veq.s32 v62, v9;
	v63 =	vsel vm0, v15, v16  }
0x5f: {  	s29 =	smov.u32 s0;
	v11 =	vsel vm15, v63, v11;
	v10 =	vsel vm15, v12, v10  }
.LBB2_2:
0x60: {  	s0 =	sadd.s32 s9, s29  }
0x61: {  	s30 =	smul.u32 $0x186A0, s0  }
0x62: {  	s1 =	simm.s32 $0x0;
	s13 =	simm.s32 $0x9E00;
	s6 =	simm.s32 $0x9F90  }
0x63: {  	v13 =	vimm.f32 $0.0e+00;
	s15 =	simm.s32 $0x0;
	s31 =	sadd.s32 $0x4E20, s30;
	s0 =	sadd.s32 $0x7530, s30  }
.LBB2_3:
0x64: {  	_ =	swait.ge [sflag:s16], $0x2710  }
0x65: {  	[sflag:s16] =	ssyncset.done $0x0  }
0x66: {  	[sflag:s16] =	ssyncadd.s32 $0xFFFFD8F0  }
0x67: {  	_ =	swait.ge [sflag:s17], $0x2710  }
0x68: {  	[sflag:s17] =	ssyncset.done $0x0  }
0x69: {  	s5 =	simm.s32 $0xC0;
	[sflag:s17] =	ssyncadd.s32 $0xFFFFD8F0  }
0x6a: {  	v14 =	vld [tilespmem:s5+$0xFFFFFF60]  }
0x6b: {  	v15 =	vld [tilespmem:s5+$0xFFFFFF70]  }
0x6c: {  	v17 =	vld [tilespmem:s5+$0xFFFFFF80]  }
0x6d: {  	v18 =	vld [tilespmem:s5+$0xFFFFFF90]  }
0x6e: {  	v19 =	vld [tilespmem:s5+$0xFFFFFFA0]  }
0x6f: {  	s7 =	sand.u32 $0x3FF0, s1;
	v37 =	vld [tilespmem:s5+$0xFFFFFFB0]  }
0x70: {  	v38 =	vld [tilespmem:s7+$0x80]  }
0x71: {  	v39 =	vld [tilespmem:s5+$0xFFFFFFD0]  }
0x72: {  	v40 =	vld [tilespmem:s5+$0xFFFFFFE0]  }
0x73: {  	v36 =	vld [tilespmem:s7+$0x100]  }
0x74: {  	v12 =	vld [tilespmem:s7+$0x180]  }
0x75: {  	v41 =	vld [tilespmem:s5+$0xFFFFFFF0]  }
0x76: {  	v42 =	vld [tilespmem:s5+$0x0]  }
0x77: {  	v43 =	vld [tilespmem:s5+$0x10]  }
0x78: {  	v44 =	vld [tilespmem:s5+$0x20]  }
0x79: {  	v45 =	vld [tilespmem:s5+$0x30]  }
0x7a: {  	v46 =	vld [tilespmem:s5+$0x50]  }
0x7b: {  	v35 =	vld [tilespmem:s5+$0x60]  }
0x7c: {  	s8 =	simm.s32 $0x4FC0;
	v34 =	vld [tilespmem:s5+$0x70]  }
0x7d: {  	v16 =	vld [tilespmem:s8+$0xFFFFFF40]  }
0x7e: {  	v20 =	vld [tilespmem:s8+$0xFFFFFF50]  }
0x7f: {  	v21 =	vld [tilespmem:s8+$0xFFFFFF60]  }
0x80: {  	v22 =	vld [tilespmem:s8+$0xFFFFFF70]  }
0x81: {  	v23 =	vld [tilespmem:s8+$0xFFFFFF80]  }
0x82: {  	v24 =	vld [tilespmem:s8+$0xFFFFFF90]  }
0x83: {  	v16 =	vmax.f32 v16, v20;
	v20 =	vld [tilespmem:s8+$0xFFFFFFA0]  }
0x84: {  	v16 =	vmax.f32 v16, v21;
	v21 =	vld [tilespmem:s8+$0xFFFFFFB0]  }
0x85: {  	v16 =	vmax.f32 v16, v22;
	v22 =	vld [tilespmem:s7+$0x4F80]  }
0x86: {  	v16 =	vmax.f32 v16, v23;
	v23 =	vld [tilespmem:s8+$0xFFFFFFD0]  }
0x87: {  	v16 =	vmax.f32 v16, v24;
	v24 =	vld [tilespmem:s8+$0xFFFFFFE0]  }
0x88: {  	v16 =	vmax.f32 v16, v20;
	v20 =	vld [tilespmem:s8+$0xFFFFFFF0]  }
0x89: {  	v16 =	vmax.f32 v16, v21;
	v21 =	vld [tilespmem:s8+$0x0]  }
0x8a: {  	v16 =	vmax.f32 v16, v22;
	v22 =	vld [tilespmem:s8+$0x10]  }
0x8b: {  	v16 =	vmax.f32 v16, v23;
	v23 =	vld [tilespmem:s8+$0x20]  }
0x8c: {  	v16 =	vmax.f32 v16, v24;
	v24 =	vld [tilespmem:s8+$0x30]  }
0x8d: {  	v16 =	vmax.f32 v16, v20;
	v20 =	vld [tilespmem:s7+$0x5000]  }
0x8e: {  	v16 =	vmax.f32 v16, v21;
	v21 =	vld [tilespmem:s8+$0x50]  }
0x8f: {  	v16 =	vmax.f32 v16, v22;
	v22 =	vld [tilespmem:s8+$0x60]  }
0x90: {  	v16 =	vmax.f32 v16, v23;
	v23 =	vld [tilespmem:s8+$0x70]  }
0x91: {  	v16 =	vmax.f32 v16, v24;
	v24 =	vld [tilespmem:s8+$0x80]  }
0x92: {  	v16 =	vmax.f32 v16, v20;
	v20 =	vld [tilespmem:s8+$0x90]  }
0x93: {  	v16 =	vmax.f32 v16, v21;
	v21 =	vld [tilespmem:s8+$0xA0]  }
0x94: {  	v16 =	vmax.f32 v16, v22;
	v22 =	vld [tilespmem:s8+$0xB0]  }
0x95: {  	v16 =	vmax.f32 v16, v23;
	v23 =	vld [tilespmem:s7+$0x5080]  }
0x96: {  	v33 =	vld [tilespmem:s5+$0x80];
	v16 =	vmax.f32 v16, v24  }
0x97: {  	v47 =	vld [tilespmem:s5+$0x90];
	v16 =	vmax.f32 v16, v20  }
0x98: {  	v48 =	vld [tilespmem:s5+$0xA0];
	v16 =	vmax.f32 v16, v21  }
0x99: {  	v20 =	vld [tilespmem:s5+$0xFFFFFF40];
	v16 =	vmax.f32 v16, v22  }
0x9a: {  	v49 =	vld [tilespmem:s5+$0xB0];
	v16 =	vmax.f32 v16, v23  }
0x9b: {  	s26 =	simm.s32 $0x250;
	v21 =	vld [tilespmem:s5+$0xFFFFFF50];
	[tilespmem:s13+$0x0] =	vst v16  }
0x9c: {  	v32 =	vld [tilespmem:s26+$0xFFFFFF60]  }
0x9d: {  	v31 =	vld [tilespmem:s26+$0xFFFFFF70]  }
0x9e: {  	v13 =	vadd.f32 v20, v13;
	v30 =	vld [tilespmem:s26+$0xFFFFFF80]  }
0x9f: {  	v28 =	vld [tilespmem:s26+$0xFFFFFF90]  }
0xa0: {  	s14 =	simm.s32 $0x190;
	v29 =	vld [tilespmem:s26+$0xFFFFFFA0];
	v13 =	vadd.f32 v21, v13  }
0xa1: {  	s24 =	sand.u32 $0x3FF0, s14;
	v26 =	vld [tilespmem:s26+$0xFFFFFFB0]  }
0xa2: {  	v27 =	vld [tilespmem:s24+$0x80];
	v13 =	vadd.f32 v14, v13  }
0xa3: {  	v25 =	vld [tilespmem:s26+$0xFFFFFFD0]  }
0xa4: {  	v23 =	vld [tilespmem:s26+$0xFFFFFFE0];
	v13 =	vadd.f32 v15, v13  }
0xa5: {  	v16 =	vld [tilespmem:s24+$0x100]  }
0xa6: {  	v24 =	vld [tilespmem:s26+$0xFFFFFFF0];
	v13 =	vadd.f32 v17, v13  }
0xa7: {  	v22 =	vld [tilespmem:s26+$0x0]  }
0xa8: {  	s5 =	simm.s32 $0x5150;
	v20 =	vld [tilespmem:s26+$0x20];
	v13 =	vadd.f32 v18, v13  }
0xa9: {  	v62 =	vld [tilespmem:s5+$0xFFFFFF40]  }
0xaa: {  	v63 =	vld [tilespmem:s5+$0xFFFFFF50];
	v13 =	vadd.f32 v19, v13  }
0xab: {  	v54 =	vld [tilespmem:s5+$0xFFFFFF60]  }
0xac: {  	v50 =	vld [tilespmem:s5+$0xFFFFFF70];
	v13 =	vadd.f32 v37, v13  }
0xad: {  	v55 =	vld [tilespmem:s5+$0xFFFFFF80]  }
0xae: {  	v51 =	vld [tilespmem:s5+$0xFFFFFF90];
	v37 =	vadd.f32 v38, v13  }
0xaf: {  	v56 =	vld [tilespmem:s5+$0xFFFFFFA0]  }
0xb0: {  	v57 =	vld [tilespmem:s5+$0xFFFFFFB0];
	v37 =	vadd.f32 v39, v37  }
0xb1: {  	v58 =	vld [tilespmem:s24+$0x4F80]  }
0xb2: {  	v59 =	vld [tilespmem:s5+$0xFFFFFFD0];
	v37 =	vadd.f32 v40, v37  }
0xb3: {  	v60 =	vld [tilespmem:s5+$0xFFFFFFE0]  }
0xb4: {  	v61 =	vld [tilespmem:s5+$0xFFFFFFF0];
	v37 =	vadd.f32 v41, v37  }
0xb5: {  	v52 =	vld [tilespmem:s24+$0x5000]  }
0xb6: {  	v53 =	vld [tilespmem:s5+$0x50];
	v38 =	vmax.f32 v62, v63;
	v37 =	vadd.f32 v42, v37  }
0xb7: {  	v21 =	vld [tilespmem:s26+$0x10];
	v38 =	vmax.f32 v38, v54  }
0xb8: {  	v14 =	vld [tilespmem:s24+$0x180];
	v38 =	vmax.f32 v38, v50;
	v37 =	vadd.f32 v43, v37  }
0xb9: {  	v15 =	vld [tilespmem:s26+$0x70];
	v38 =	vmax.f32 v38, v55  }
0xba: {  	v17 =	vld [tilespmem:s26+$0x60];
	v38 =	vmax.f32 v38, v51;
	v37 =	vadd.f32 v44, v37  }
0xbb: {  	v18 =	vld [tilespmem:s26+$0x50];
	v38 =	vmax.f32 v38, v56  }
0xbc: {  	v62 =	vld [tilespmem:s5+$0x0];
	v38 =	vmax.f32 v38, v57;
	v37 =	vadd.f32 v45, v37  }
0xbd: {  	v63 =	vld [tilespmem:s5+$0x10];
	v38 =	vmax.f32 v38, v58  }
0xbe: {  	v50 =	vld [tilespmem:s5+$0x20];
	v45 =	vmax.f32 v38, v59;
	v36 =	vadd.f32 v36, v37  }
0xbf: {  	v51 =	vld [tilespmem:s5+$0x30];
	v37 =	vmax.f32 v45, v60  }
0xc0: {  	v19 =	vld [tilespmem:s26+$0x30];
	v37 =	vmax.f32 v37, v61;
	v36 =	vadd.f32 v46, v36  }
0xc1: {  	v13 =	vld [tilespmem:s26+$0x80];
	v37 =	vmax.f32 v37, v62  }
0xc2: {  	v55 =	vld [tilespmem:s5+$0x60];
	v54 =	vmax.f32 v37, v63;
	v35 =	vadd.f32 v35, v36  }
0xc3: {  	v56 =	vld [tilespmem:s5+$0x70];
	v36 =	vmax.f32 v54, v50  }
0xc4: {  	v58 =	vld [tilespmem:s5+$0x80];
	v57 =	vmax.f32 v36, v51;
	v34 =	vadd.f32 v34, v35  }
0xc5: {  	v59 =	vld [tilespmem:s5+$0x90];
	v35 =	vmax.f32 v57, v52  }
0xc6: {  	v61 =	vld [tilespmem:s5+$0xA0];
	v60 =	vmax.f32 v35, v53;
	v33 =	vadd.f32 v33, v34  }
0xc7: {  	v62 =	vld [tilespmem:s5+$0xB0];
	v34 =	vmax.f32 v60, v55  }
0xc8: {  	v37 =	vld [tilespmem:s24+$0x5080];
	v34 =	vmax.f32 v34, v56;
	v33 =	vadd.f32 v47, v33  }
0xc9: {  	v36 =	vld [tilespmem:s26+$0xFFFFFF40];
	v34 =	vmax.f32 v34, v58  }
0xca: {  	v35 =	vld [tilespmem:s26+$0x90];
	v63 =	vmax.f32 v34, v59;
	v33 =	vadd.f32 v48, v33  }
0xcb: {  	v34 =	vld [tilespmem:s26+$0xA0];
	v39 =	vmax.f32 v63, v61  }
0xcc: {  	s14 =	smov.u32 s13;
	s24 =	simm.s32 $0x320;
	v39 =	vmax.f32 v39, v62;
	v38 =	vadd.f32 v49, v33;
	v33 =	vld [tilespmem:s26+$0xB0]  }
.LBB2_4:
0xcd: {  	p0 =	sne.s32 s24, $0x2580  }
0xce: {  	v40 =	vld [tilespmem:s26+$0xFFFFFF50];
	v37 =	vmax.f32 v39, v37;
	v38 =	vadd.f32 v12, v38;
	s14 =	sadd.s32 $0x10, s14;
	v12 =	vmov v14;
	s7 =	smov.u32 s24;
	s24 =	sadd.s32 $0x190, s24  }
0xcf: {  	s26 =	sadd.s32 $0x190, s26;
	[tilespmem:s14+$0x0] =	vst v37  }
0xd0: {  	v14 =	vld [tilespmem:s26+$0xFFFFFF60]  }
0xd1: {  	v37 =	vld [tilespmem:s26+$0xFFFFFF70];
	v36 =	vadd.f32 v36, v38  }
0xd2: {  	v38 =	vld [tilespmem:s26+$0xFFFFFF80]  }
0xd3: {  	v39 =	vld [tilespmem:s26+$0xFFFFFF90];
	v36 =	vadd.f32 v40, v36  }
0xd4: {  	v40 =	vld [tilespmem:s26+$0xFFFFFFA0]  }
0xd5: {  	s7 =	sand.u32 $0x3FF0, s7;
	v41 =	vld [tilespmem:s26+$0xFFFFFFB0];
	v36 =	vadd.f32 v32, v36;
	v32 =	vmov v14  }
0xd6: {  	v42 =	vld [tilespmem:s7+$0x80]  }
0xd7: {  	v43 =	vld [tilespmem:s26+$0xFFFFFFD0];
	v14 =	vadd.f32 v31, v36;
	v31 =	vmov v37  }
0xd8: {  	v36 =	vld [tilespmem:s26+$0xFFFFFFE0]  }
0xd9: {  	v37 =	vld [tilespmem:s7+$0x100];
	v44 =	vadd.f32 v30, v14;
	v30 =	vmov v38  }
0xda: {  	v14 =	vld [tilespmem:s7+$0x180]  }
0xdb: {  	v38 =	vld [tilespmem:s26+$0xFFFFFFF0];
	v44 =	vadd.f32 v28, v44;
	v28 =	vmov v39  }
0xdc: {  	v39 =	vld [tilespmem:s26+$0x0]  }
0xdd: {  	v45 =	vld [tilespmem:s26+$0x10];
	v44 =	vadd.f32 v29, v44;
	v29 =	vmov v40  }
0xde: {  	v40 =	vld [tilespmem:s26+$0x20]  }
0xdf: {  	v46 =	vld [tilespmem:s26+$0x30];
	v44 =	vadd.f32 v26, v44;
	v26 =	vmov v41  }
0xe0: {  	v41 =	vld [tilespmem:s26+$0x50]  }
0xe1: {  	v47 =	vld [tilespmem:s26+$0x60];
	v44 =	vadd.f32 v27, v44;
	v27 =	vmov v42  }
0xe2: {  	v42 =	vld [tilespmem:s26+$0x70]  }
0xe3: {  	s5 =	sadd.s32 $0x190, s5;
	v48 =	vld [tilespmem:s26+$0x80];
	v44 =	vadd.f32 v25, v44;
	v25 =	vmov v43  }
0xe4: {  	v43 =	vld [tilespmem:s5+$0xFFFFFF40]  }
0xe5: {  	v49 =	vld [tilespmem:s5+$0xFFFFFF50];
	v44 =	vadd.f32 v23, v44;
	v23 =	vmov v36  }
0xe6: {  	v36 =	vld [tilespmem:s5+$0xFFFFFF60]  }
0xe7: {  	v50 =	vld [tilespmem:s5+$0xFFFFFF70];
	v44 =	vadd.f32 v24, v44;
	v24 =	vmov v38  }
0xe8: {  	v38 =	vld [tilespmem:s5+$0xFFFFFF80]  }
0xe9: {  	v51 =	vld [tilespmem:s5+$0xFFFFFF90];
	v44 =	vadd.f32 v22, v44;
	v22 =	vmov v39  }
0xea: {  	v39 =	vmax.f32 v43, v49;
	v43 =	vld [tilespmem:s5+$0xFFFFFFA0]  }
0xeb: {  	v36 =	vmax.f32 v39, v36;
	v39 =	vld [tilespmem:s5+$0xFFFFFFB0];
	v44 =	vadd.f32 v21, v44;
	v21 =	vmov v45  }
0xec: {  	v36 =	vmax.f32 v36, v50;
	v45 =	vld [tilespmem:s7+$0x4F80]  }
0xed: {  	v36 =	vmax.f32 v36, v38;
	v38 =	vld [tilespmem:s5+$0xFFFFFFD0];
	v44 =	vadd.f32 v20, v44;
	v20 =	vmov v40  }
0xee: {  	v36 =	vmax.f32 v36, v51;
	v40 =	vld [tilespmem:s5+$0xFFFFFFE0]  }
0xef: {  	v36 =	vmax.f32 v36, v43;
	v43 =	vld [tilespmem:s5+$0xFFFFFFF0];
	v44 =	vadd.f32 v19, v44;
	v19 =	vmov v46  }
0xf0: {  	v36 =	vmax.f32 v36, v39;
	v39 =	vld [tilespmem:s5+$0x0]  }
0xf1: {  	v36 =	vmax.f32 v36, v45;
	v45 =	vld [tilespmem:s5+$0x10];
	v44 =	vadd.f32 v16, v44;
	v16 =	vmov v37  }
0xf2: {  	v36 =	vmax.f32 v36, v38;
	v37 =	vld [tilespmem:s5+$0x20]  }
0xf3: {  	v36 =	vmax.f32 v36, v40;
	v38 =	vld [tilespmem:s5+$0x30];
	v40 =	vadd.f32 v18, v44;
	v18 =	vmov v41  }
0xf4: {  	v36 =	vmax.f32 v36, v43;
	v41 =	vld [tilespmem:s7+$0x5000]  }
0xf5: {  	v36 =	vmax.f32 v36, v39;
	v39 =	vld [tilespmem:s5+$0x50];
	v40 =	vadd.f32 v17, v40;
	v17 =	vmov v47  }
0xf6: {  	v36 =	vmax.f32 v36, v45;
	v43 =	vld [tilespmem:s5+$0x60]  }
0xf7: {  	v36 =	vmax.f32 v36, v37;
	v37 =	vld [tilespmem:s5+$0x70];
	v40 =	vadd.f32 v15, v40;
	v15 =	vmov v42  }
0xf8: {  	v36 =	vmax.f32 v36, v38;
	v38 =	vld [tilespmem:s5+$0x80]  }
0xf9: {  	v36 =	vmax.f32 v36, v41;
	v41 =	vld [tilespmem:s5+$0x90];
	v40 =	vadd.f32 v13, v40;
	v13 =	vmov v48  }
0xfa: {  	v36 =	vmax.f32 v36, v39;
	v39 =	vld [tilespmem:s5+$0xA0]  }
0xfb: {  	v36 =	vmax.f32 v36, v43;
	v42 =	vld [tilespmem:s5+$0xB0];
	v40 =	vadd.f32 v35, v40  }
.Ltmp4:
0xfc: {  	v35 =	vmax.f32 v36, v37;
	v37 =	vld [tilespmem:s7+$0x5080];
	(pc) =	sbr.rel @p0 .LBB2_4-.Ltmp4, $4  }
0xfd: {  	v36 =	vmax.f32 v35, v38;
	v35 =	vld [tilespmem:s26+$0x90];
	v38 =	vadd.f32 v34, v40  }
0xfe: {  	v40 =	vmax.f32 v36, v41;
	v34 =	vld [tilespmem:s26+$0xA0]  }
0xff: {  	v36 =	vld [tilespmem:s26+$0xFFFFFF40];
	v39 =	vmax.f32 v40, v39;
	v38 =	vadd.f32 v33, v38  }
0x100: {  	v33 =	vld [tilespmem:s26+$0xB0];
	v39 =	vmax.f32 v39, v42  }
0x101: {  	p0 =	seq.s32 s15, $0x4  }
0x102: {  	s24 =	smul.u32 @!p0 $0x4E20, s15;
	_ =	sdelay $0x1  }
0x103: {  	s5 =	sadd.s32 @!p0 s24, s31  }
0x104: {  	v37 =	vmax.f32 v39, v37;
	s7 =	sadd.s32 $0x10, s14;
	s5 =	sshrl.u32 @!p0 s5, $0x3  }
0x105: {  	v40 =	vld [tilespmem:s26+$0xFFFFFF50];
	[tilespmem:s7+$0x0] =	vst v37;
	s8 =	simm.s32 @!p0 $0x0;
	s7 =	sadd.s32 @!p0 s3, s5  }
0x106: {  	[tilespmem:s8], [sflag:$0x1] =	stream.linear.gather @!p0 [hbm4b:s7+s8], $0x2710, $0x38;
	[tilespmem:$0xB500] =	vst v63  }
0x107: {  	s5 =	sadd.s32 @!p0 s4, s5;
	s7 =	simm.s32 @!p0 $0x4F00  }
0x108: {  	[tilespmem:s7], [sflag:$0x3] =	stream.linear.gather @!p0 [hbm4b:s5+s8], $0x2710, $0x38;
	[tilespmem:$0xB500] =	vst v63  }
0x109: {  	_ =	swait.ge [sflag:s18], $0x2710  }
0x10a: {  	[sflag:s18] =	ssyncset.done $0x0  }
0x10b: {  	[sflag:s18] =	ssyncadd.s32 $0xFFFFD8F0  }
0x10c: {  	_ =	swait.ge [sflag:s19], $0x2710  }
0x10d: {  	[sflag:s19] =	ssyncset.done $0x0  }
0x10e: {  	s5 =	simm.s32 $0x2840;
	[sflag:s19] =	ssyncadd.s32 $0xFFFFD8F0  }
0x10f: {  	v12 =	vadd.f32 v12, v38;
	v44 =	vld [tilespmem:s5+$0xFFFFFF60]  }
0x110: {  	v45 =	vld [tilespmem:s5+$0xFFFFFF70]  }
0x111: {  	v12 =	vadd.f32 v36, v12;
	v46 =	vld [tilespmem:s5+$0xFFFFFF80]  }
0x112: {  	v47 =	vld [tilespmem:s5+$0xFFFFFF90]  }
0x113: {  	s14 =	simm.s32 $0x0;
	v12 =	vadd.f32 v40, v12;
	v48 =	vld [tilespmem:s5+$0xFFFFFFA0]  }
0x114: {  	s7 =	sand.u32 $0x3FF0, s14;
	v49 =	vld [tilespmem:s5+$0xFFFFFFB0]  }
0x115: {  	v12 =	vadd.f32 v32, v12;
	v50 =	vld [tilespmem:s7+$0x2800]  }
0x116: {  	v51 =	vld [tilespmem:s5+$0xFFFFFFD0]  }
0x117: {  	v31 =	vadd.f32 v31, v12;
	v52 =	vld [tilespmem:s5+$0xFFFFFFE0]  }
0x118: {  	v38 =	vld [tilespmem:s7+$0x2880]  }
0x119: {  	v30 =	vadd.f32 v30, v31;
	v12 =	vld [tilespmem:s7+$0x2900]  }
0x11a: {  	v53 =	vld [tilespmem:s5+$0xFFFFFFF0]  }
0x11b: {  	v28 =	vadd.f32 v28, v30;
	v54 =	vld [tilespmem:s5+$0x0]  }
0x11c: {  	v43 =	vld [tilespmem:s5+$0x10]  }
0x11d: {  	v42 =	vld [tilespmem:s5+$0x20];
	v28 =	vadd.f32 v29, v28  }
0x11e: {  	v41 =	vld [tilespmem:s5+$0x30]  }
0x11f: {  	v40 =	vld [tilespmem:s5+$0x50];
	v26 =	vadd.f32 v26, v28  }
0x120: {  	v39 =	vld [tilespmem:s5+$0x60]  }
0x121: {  	s26 =	simm.s32 $0x7740;
	v37 =	vld [tilespmem:s5+$0x70];
	v26 =	vadd.f32 v27, v26  }
0x122: {  	v27 =	vld [tilespmem:s26+$0xFFFFFF40]  }
0x123: {  	v25 =	vadd.f32 v25, v26;
	v26 =	vld [tilespmem:s26+$0xFFFFFF50]  }
0x124: {  	v28 =	vld [tilespmem:s26+$0xFFFFFF60]  }
0x125: {  	v23 =	vadd.f32 v23, v25;
	v25 =	vld [tilespmem:s26+$0xFFFFFF70]  }
0x126: {  	v29 =	vld [tilespmem:s26+$0xFFFFFF80]  }
0x127: {  	v23 =	vadd.f32 v24, v23;
	v24 =	vld [tilespmem:s26+$0xFFFFFF90]  }
0x128: {  	v26 =	vmax.f32 v27, v26;
	v27 =	vld [tilespmem:s26+$0xFFFFFFA0]  }
0x129: {  	v22 =	vadd.f32 v22, v23;
	v23 =	vmax.f32 v26, v28;
	v26 =	vld [tilespmem:s26+$0xFFFFFFB0]  }
0x12a: {  	v23 =	vmax.f32 v23, v25;
	v25 =	vld [tilespmem:s7+$0x7700]  }
0x12b: {  	v21 =	vadd.f32 v21, v22;
	v22 =	vmax.f32 v23, v29;
	v23 =	vld [tilespmem:s26+$0xFFFFFFD0]  }
0x12c: {  	v22 =	vmax.f32 v22, v24;
	v24 =	vld [tilespmem:s26+$0xFFFFFFE0]  }
0x12d: {  	v20 =	vadd.f32 v20, v21;
	v21 =	vmax.f32 v22, v27;
	v22 =	vld [tilespmem:s26+$0xFFFFFFF0]  }
0x12e: {  	v21 =	vmax.f32 v21, v26;
	v26 =	vld [tilespmem:s26+$0x0]  }
0x12f: {  	v19 =	vadd.f32 v19, v20;
	v20 =	vmax.f32 v21, v25;
	v21 =	vld [tilespmem:s26+$0x10]  }
0x130: {  	v20 =	vmax.f32 v20, v23;
	v23 =	vld [tilespmem:s26+$0x20]  }
0x131: {  	v16 =	vadd.f32 v16, v19;
	v19 =	vmax.f32 v20, v24;
	v20 =	vld [tilespmem:s26+$0x30]  }
0x132: {  	v19 =	vmax.f32 v19, v22;
	v22 =	vld [tilespmem:s7+$0x7780]  }
0x133: {  	v16 =	vadd.f32 v18, v16;
	v18 =	vmax.f32 v19, v26;
	v19 =	vld [tilespmem:s26+$0x50]  }
0x134: {  	v18 =	vmax.f32 v18, v21;
	v21 =	vld [tilespmem:s26+$0x60]  }
0x135: {  	v16 =	vadd.f32 v17, v16;
	v17 =	vmax.f32 v18, v23;
	v18 =	vld [tilespmem:s26+$0x70]  }
0x136: {  	v17 =	vmax.f32 v17, v20;
	v20 =	vld [tilespmem:s26+$0x80]  }
0x137: {  	v15 =	vadd.f32 v15, v16;
	v16 =	vmax.f32 v17, v22;
	v17 =	vld [tilespmem:s26+$0x90]  }
0x138: {  	v16 =	vmax.f32 v16, v19;
	v19 =	vld [tilespmem:s26+$0xA0]  }
0x139: {  	v13 =	vadd.f32 v13, v15;
	v15 =	vmax.f32 v16, v21;
	v16 =	vld [tilespmem:s26+$0xB0]  }
0x13a: {  	v15 =	vmax.f32 v15, v18;
	v18 =	vld [tilespmem:s7+$0x7800]  }
0x13b: {  	v36 =	vld [tilespmem:s5+$0x80];
	v13 =	vadd.f32 v35, v13;
	v15 =	vmax.f32 v15, v20  }
0x13c: {  	v55 =	vld [tilespmem:s5+$0xA0];
	v15 =	vmax.f32 v15, v17  }
0x13d: {  	v35 =	vld [tilespmem:s5+$0x90];
	v13 =	vadd.f32 v34, v13;
	v15 =	vmax.f32 v15, v19  }
0x13e: {  	v17 =	vld [tilespmem:s5+$0xFFFFFF40];
	v15 =	vmax.f32 v15, v16  }
0x13f: {  	v34 =	vld [tilespmem:s5+$0xB0];
	v13 =	vadd.f32 v33, v13;
	v15 =	vmax.f32 v15, v18  }
0x140: {  	s26 =	simm.s32 $0x29D0;
	v19 =	vld [tilespmem:s5+$0xFFFFFF50];
	[tilespmem:s6+$0x0] =	vst v15  }
0x141: {  	v15 =	vadd.f32 v14, v13;
	v13 =	vld [tilespmem:s26+$0xFFFFFF60]  }
0x142: {  	v14 =	vld [tilespmem:s26+$0xFFFFFF70]  }
0x143: {  	s8 =	simm.s32 $0x190;
	v16 =	vld [tilespmem:s26+$0xFFFFFF90];
	v17 =	vadd.f32 v17, v15  }
0x144: {  	s14 =	sand.u32 $0x3FF0, s8;
	v18 =	vld [tilespmem:s26+$0xFFFFFFA0]  }
0x145: {  	v20 =	vld [tilespmem:s14+$0x2800];
	v17 =	vadd.f32 v19, v17  }
0x146: {  	v21 =	vld [tilespmem:s26+$0xFFFFFFD0]  }
0x147: {  	v22 =	vld [tilespmem:s26+$0xFFFFFFE0];
	v17 =	vadd.f32 v44, v17  }
0x148: {  	v32 =	vld [tilespmem:s14+$0x2900]  }
0x149: {  	v25 =	vld [tilespmem:s26+$0x10];
	v23 =	vadd.f32 v45, v17  }
0x14a: {  	v27 =	vld [tilespmem:s26+$0x30]  }
0x14b: {  	v29 =	vld [tilespmem:s26+$0x60];
	v24 =	vadd.f32 v46, v23  }
0x14c: {  	s5 =	simm.s32 $0x78D0;
	v31 =	vld [tilespmem:s26+$0x80]  }
0x14d: {  	v58 =	vld [tilespmem:s5+$0xFFFFFF40];
	v26 =	vadd.f32 v47, v24  }
0x14e: {  	v59 =	vld [tilespmem:s5+$0xFFFFFF50]  }
0x14f: {  	v60 =	vld [tilespmem:s5+$0xFFFFFF60];
	v28 =	vadd.f32 v48, v26  }
0x150: {  	v61 =	vld [tilespmem:s5+$0xFFFFFF70]  }
0x151: {  	v62 =	vld [tilespmem:s5+$0xFFFFFF80];
	v30 =	vadd.f32 v49, v28  }
0x152: {  	v63 =	vld [tilespmem:s5+$0xFFFFFF90]  }
0x153: {  	v56 =	vld [tilespmem:s14+$0x7700];
	v57 =	vadd.f32 v50, v30  }
0x154: {  	v15 =	vld [tilespmem:s26+$0xFFFFFF80]  }
0x155: {  	v19 =	vld [tilespmem:s26+$0xFFFFFFB0];
	v33 =	vadd.f32 v51, v57  }
0x156: {  	v44 =	vmax.f32 v58, v59;
	v59 =	vld [tilespmem:s5+$0xFFFFFFE0]  }
0x157: {  	v44 =	vmax.f32 v44, v60;
	v60 =	vld [tilespmem:s5+$0xFFFFFFF0];
	v33 =	vadd.f32 v52, v33  }
0x158: {  	v17 =	vld [tilespmem:s14+$0x2880]  }
0x159: {  	v23 =	vld [tilespmem:s26+$0xFFFFFFF0];
	v33 =	vadd.f32 v53, v33  }
0x15a: {  	v24 =	vld [tilespmem:s26+$0x0]  }
0x15b: {  	v52 =	vld [tilespmem:s5+$0xFFFFFFA0];
	v33 =	vadd.f32 v54, v33  }
0x15c: {  	v53 =	vld [tilespmem:s5+$0xFFFFFFB0]  }
0x15d: {  	v47 =	vld [tilespmem:s5+$0x20];
	v54 =	vmax.f32 v44, v61;
	v33 =	vadd.f32 v43, v33  }
0x15e: {  	v57 =	vld [tilespmem:s5+$0xFFFFFFD0];
	v43 =	vmax.f32 v54, v62  }
0x15f: {  	v26 =	vld [tilespmem:s26+$0x20];
	v58 =	vmax.f32 v43, v63;
	v33 =	vadd.f32 v42, v33  }
0x160: {  	v48 =	vld [tilespmem:s5+$0x30];
	v42 =	vmax.f32 v58, v52  }
0x161: {  	v62 =	vld [tilespmem:s5+$0x0];
	v61 =	vmax.f32 v42, v53;
	v33 =	vadd.f32 v41, v33  }
0x162: {  	v63 =	vld [tilespmem:s5+$0x10];
	v41 =	vmax.f32 v61, v56  }
0x163: {  	v28 =	vld [tilespmem:s26+$0x50];
	v46 =	vmax.f32 v41, v57;
	v33 =	vadd.f32 v38, v33  }
0x164: {  	v49 =	vld [tilespmem:s14+$0x7780];
	v38 =	vmax.f32 v46, v59  }
0x165: {  	v30 =	vld [tilespmem:s26+$0x70];
	v38 =	vmax.f32 v38, v60;
	v33 =	vadd.f32 v40, v33  }
0x166: {  	v50 =	vld [tilespmem:s5+$0x50];
	v38 =	vmax.f32 v38, v62  }
0x167: {  	v51 =	vld [tilespmem:s5+$0x60];
	v38 =	vmax.f32 v38, v63;
	v33 =	vadd.f32 v39, v33  }
0x168: {  	v52 =	vld [tilespmem:s5+$0x70];
	v38 =	vmax.f32 v38, v47  }
0x169: {  	v54 =	vld [tilespmem:s5+$0x80];
	v53 =	vmax.f32 v38, v48;
	v33 =	vadd.f32 v37, v33  }
0x16a: {  	v56 =	vld [tilespmem:s5+$0x90];
	v37 =	vmax.f32 v53, v49  }
0x16b: {  	v58 =	vld [tilespmem:s5+$0xA0];
	v57 =	vmax.f32 v37, v50;
	v33 =	vadd.f32 v36, v33  }
0x16c: {  	v59 =	vld [tilespmem:s5+$0xB0];
	v36 =	vmax.f32 v57, v51  }
0x16d: {  	v37 =	vld [tilespmem:s26+$0xFFFFFF40];
	v60 =	vmax.f32 v36, v52;
	v33 =	vadd.f32 v35, v33  }
0x16e: {  	v36 =	vld [tilespmem:s14+$0x7800];
	v61 =	vmax.f32 v60, v54  }
0x16f: {  	v35 =	vld [tilespmem:s26+$0x90];
	v63 =	vmax.f32 v61, v56;
	v62 =	vadd.f32 v55, v33  }
0x170: {  	v33 =	vld [tilespmem:s26+$0xA0];
	v40 =	vmax.f32 v63, v58  }
0x171: {  	s15 =	sadd.s32 $0x1, s15;
	s7 =	simm.s32 $0x320;
	s14 =	smov.u32 s6;
	v38 =	vmax.f32 v40, v59;
	v39 =	vadd.f32 v34, v62;
	v34 =	vld [tilespmem:s26+$0xB0]  }
.LBB2_6:
0x172: {  	p1 =	sne.s32 s7, $0x2580  }
0x173: {  	v40 =	vld [tilespmem:s26+$0xFFFFFF50];
	v36 =	vmax.f32 v38, v36;
	v38 =	vadd.f32 v12, v39;
	s14 =	sadd.s32 $0x10, s14;
	v12 =	vmov v32;
	s8 =	smov.u32 s7;
	s7 =	sadd.s32 $0x190, s7  }
0x174: {  	s26 =	sadd.s32 $0x190, s26;
	[tilespmem:s14+$0x0] =	vst v36  }
0x175: {  	v32 =	vld [tilespmem:s26+$0xFFFFFF60]  }
0x176: {  	v36 =	vld [tilespmem:s26+$0xFFFFFF70];
	v37 =	vadd.f32 v37, v38  }
0x177: {  	v38 =	vld [tilespmem:s26+$0xFFFFFF80]  }
0x178: {  	v39 =	vld [tilespmem:s26+$0xFFFFFF90];
	v37 =	vadd.f32 v40, v37  }
0x179: {  	v40 =	vld [tilespmem:s26+$0xFFFFFFA0]  }
0x17a: {  	s8 =	sand.u32 $0x3FF0, s8;
	v41 =	vld [tilespmem:s26+$0xFFFFFFB0];
	v37 =	vadd.f32 v13, v37;
	v13 =	vmov v32  }
0x17b: {  	v42 =	vld [tilespmem:s8+$0x2800]  }
0x17c: {  	v43 =	vld [tilespmem:s26+$0xFFFFFFD0];
	v32 =	vadd.f32 v14, v37;
	v14 =	vmov v36  }
0x17d: {  	v36 =	vld [tilespmem:s26+$0xFFFFFFE0]  }
0x17e: {  	v37 =	vld [tilespmem:s8+$0x2880];
	v44 =	vadd.f32 v15, v32;
	v15 =	vmov v38  }
0x17f: {  	v32 =	vld [tilespmem:s8+$0x2900]  }
0x180: {  	v38 =	vld [tilespmem:s26+$0xFFFFFFF0];
	v44 =	vadd.f32 v16, v44;
	v16 =	vmov v39  }
0x181: {  	v39 =	vld [tilespmem:s26+$0x0]  }
0x182: {  	v45 =	vld [tilespmem:s26+$0x10];
	v44 =	vadd.f32 v18, v44;
	v18 =	vmov v40  }
0x183: {  	v40 =	vld [tilespmem:s26+$0x20]  }
0x184: {  	v46 =	vld [tilespmem:s26+$0x30];
	v44 =	vadd.f32 v19, v44;
	v19 =	vmov v41  }
0x185: {  	v41 =	vld [tilespmem:s26+$0x50]  }
0x186: {  	v47 =	vld [tilespmem:s26+$0x60];
	v44 =	vadd.f32 v20, v44;
	v20 =	vmov v42  }
0x187: {  	v42 =	vld [tilespmem:s26+$0x70]  }
0x188: {  	s5 =	sadd.s32 $0x190, s5;
	v48 =	vld [tilespmem:s26+$0x80];
	v44 =	vadd.f32 v21, v44;
	v21 =	vmov v43  }
0x189: {  	v43 =	vld [tilespmem:s5+$0xFFFFFF40]  }
0x18a: {  	v49 =	vld [tilespmem:s5+$0xFFFFFF50];
	v44 =	vadd.f32 v22, v44;
	v22 =	vmov v36  }
0x18b: {  	v36 =	vld [tilespmem:s5+$0xFFFFFF60]  }
0x18c: {  	v50 =	vld [tilespmem:s5+$0xFFFFFF70];
	v44 =	vadd.f32 v23, v44;
	v23 =	vmov v38  }
0x18d: {  	v38 =	vld [tilespmem:s5+$0xFFFFFF80]  }
0x18e: {  	v51 =	vld [tilespmem:s5+$0xFFFFFF90];
	v44 =	vadd.f32 v24, v44;
	v24 =	vmov v39  }
0x18f: {  	v39 =	vmax.f32 v43, v49;
	v43 =	vld [tilespmem:s5+$0xFFFFFFA0]  }
0x190: {  	v36 =	vmax.f32 v39, v36;
	v39 =	vld [tilespmem:s5+$0xFFFFFFB0];
	v44 =	vadd.f32 v25, v44;
	v25 =	vmov v45  }
0x191: {  	v36 =	vmax.f32 v36, v50;
	v45 =	vld [tilespmem:s8+$0x7700]  }
0x192: {  	v36 =	vmax.f32 v36, v38;
	v38 =	vld [tilespmem:s5+$0xFFFFFFD0];
	v44 =	vadd.f32 v26, v44;
	v26 =	vmov v40  }
0x193: {  	v36 =	vmax.f32 v36, v51;
	v40 =	vld [tilespmem:s5+$0xFFFFFFE0]  }
0x194: {  	v36 =	vmax.f32 v36, v43;
	v43 =	vld [tilespmem:s5+$0xFFFFFFF0];
	v44 =	vadd.f32 v27, v44;
	v27 =	vmov v46  }
0x195: {  	v36 =	vmax.f32 v36, v39;
	v39 =	vld [tilespmem:s5+$0x0]  }
0x196: {  	v36 =	vmax.f32 v36, v45;
	v45 =	vld [tilespmem:s5+$0x10];
	v44 =	vadd.f32 v17, v44;
	v17 =	vmov v37  }
0x197: {  	v36 =	vmax.f32 v36, v38;
	v37 =	vld [tilespmem:s5+$0x20]  }
0x198: {  	v36 =	vmax.f32 v36, v40;
	v38 =	vld [tilespmem:s5+$0x30];
	v40 =	vadd.f32 v28, v44;
	v28 =	vmov v41  }
0x199: {  	v36 =	vmax.f32 v36, v43;
	v41 =	vld [tilespmem:s8+$0x7780]  }
0x19a: {  	v36 =	vmax.f32 v36, v39;
	v39 =	vld [tilespmem:s5+$0x50];
	v40 =	vadd.f32 v29, v40;
	v29 =	vmov v47  }
0x19b: {  	v36 =	vmax.f32 v36, v45;
	v43 =	vld [tilespmem:s5+$0x60]  }
0x19c: {  	v36 =	vmax.f32 v36, v37;
	v37 =	vld [tilespmem:s5+$0x70];
	v40 =	vadd.f32 v30, v40;
	v30 =	vmov v42  }
0x19d: {  	v36 =	vmax.f32 v36, v38;
	v38 =	vld [tilespmem:s5+$0x80]  }
0x19e: {  	v36 =	vmax.f32 v36, v41;
	v41 =	vld [tilespmem:s5+$0x90];
	v40 =	vadd.f32 v31, v40;
	v31 =	vmov v48  }
0x19f: {  	v36 =	vmax.f32 v36, v39;
	v39 =	vld [tilespmem:s5+$0xA0]  }
0x1a0: {  	v36 =	vmax.f32 v36, v43;
	v42 =	vld [tilespmem:s5+$0xB0];
	v40 =	vadd.f32 v35, v40  }
.Ltmp5:
0x1a1: {  	v35 =	vmax.f32 v36, v37;
	v36 =	vld [tilespmem:s8+$0x7800];
	(pc) =	sbr.rel @p1 .LBB2_6-.Ltmp5, $4  }
0x1a2: {  	v37 =	vmax.f32 v35, v38;
	v35 =	vld [tilespmem:s26+$0x90];
	v38 =	vadd.f32 v33, v40  }
0x1a3: {  	v40 =	vmax.f32 v37, v41;
	v33 =	vld [tilespmem:s26+$0xA0]  }
0x1a4: {  	v37 =	vld [tilespmem:s26+$0xFFFFFF40];
	v40 =	vmax.f32 v40, v39;
	v39 =	vadd.f32 v34, v38  }
0x1a5: {  	v34 =	vld [tilespmem:s26+$0xB0];
	v38 =	vmax.f32 v40, v42  }
0x1a6: {  	v40 =	vld [tilespmem:s26+$0xFFFFFF50]  }
0x1a7: {  	v12 =	vadd.f32 v12, v39;
	_ =	sdelay $0x1  }
0x1a8: {  	v12 =	vadd.f32 v37, v12;
	_ =	sdelay $0x1  }
0x1a9: {  	v12 =	vadd.f32 v40, v12;
	_ =	sdelay $0x1  }
0x1aa: {  	v12 =	vadd.f32 v13, v12;
	_ =	sdelay $0x1  }
0x1ab: {  	v12 =	vadd.f32 v14, v12;
	_ =	sdelay $0x1  }
0x1ac: {  	v12 =	vadd.f32 v15, v12;
	_ =	sdelay $0x1  }
0x1ad: {  	v12 =	vadd.f32 v16, v12;
	_ =	sdelay $0x1  }
0x1ae: {  	v12 =	vadd.f32 v18, v12;
	_ =	sdelay $0x1  }
0x1af: {  	v12 =	vadd.f32 v19, v12;
	_ =	sdelay $0x1  }
0x1b0: {  	v12 =	vadd.f32 v20, v12;
	_ =	sdelay $0x1  }
0x1b1: {  	v12 =	vadd.f32 v21, v12;
	_ =	sdelay $0x1  }
0x1b2: {  	v12 =	vadd.f32 v22, v12;
	_ =	sdelay $0x1  }
0x1b3: {  	v12 =	vadd.f32 v23, v12;
	_ =	sdelay $0x1  }
0x1b4: {  	v12 =	vadd.f32 v24, v12;
	_ =	sdelay $0x1  }
0x1b5: {  	v12 =	vadd.f32 v25, v12;
	_ =	sdelay $0x1  }
0x1b6: {  	v12 =	vadd.f32 v26, v12;
	_ =	sdelay $0x1  }
0x1b7: {  	v12 =	vadd.f32 v27, v12;
	_ =	sdelay $0x1  }
0x1b8: {  	v12 =	vadd.f32 v17, v12;
	_ =	sdelay $0x1  }
0x1b9: {  	v12 =	vadd.f32 v28, v12;
	_ =	sdelay $0x1  }
0x1ba: {  	v12 =	vadd.f32 v29, v12;
	_ =	sdelay $0x1  }
0x1bb: {  	v12 =	vadd.f32 v30, v12;
	_ =	sdelay $0x1  }
0x1bc: {  	v12 =	vadd.f32 v31, v12;
	_ =	sdelay $0x1  }
0x1bd: {  	p1 =	sne.s32 @!p0 s15, $0x5;
	v12 =	vadd.f32 v35, v12  }
0x1be: {  	s5 =	sadd.s32 @!p0 s24, s0;
	s7 =	sadd.s32 $0x10, s14;
	p1 =	por p0, !p1  }
.Ltmp6:
0x1bf: {  	s8 =	simm.s32 @!p0 $0x0;
	s5 =	sshrl.u32 @!p0 s5, $0x3;
	v13 =	vmax.f32 v38, v36;
	v12 =	vadd.f32 v33, v12;
	(pc) =	sbr.rel @!p1 .LBB2_3-.Ltmp6, $4  }
0x1c0: {  	s14 =	simm.s32 @!p0 $0x2780;
	s13 =	sadd.s32 @!p0 $0x320, s13;
	[tilespmem:s7+$0x0] =	vst v13;
	s7 =	sadd.s32 @!p0 s3, s5  }
0x1c1: {  	[tilespmem:s14], [sflag:$0x2] =	stream.linear.gather @!p0 [hbm4b:s7+s8], $0x2710, $0x38;
	v12 =	vadd.f32 v34, v12;
	[tilespmem:$0xB500] =	vst v63  }
0x1c2: {  	s6 =	sadd.s32 @!p0 $0x320, s6;
	s5 =	sadd.s32 @!p0 s4, s5;
	s7 =	simm.s32 @!p0 $0x7680  }
0x1c3: {  	[tilespmem:s7], [sflag:$0x4] =	stream.linear.gather @!p0 [hbm4b:s5+s8], $0x2710, $0x38;
	v13 =	vadd.f32 v32, v12;
	[tilespmem:$0xB500] =	vst v63  }
0x1c4: {  	p0 =	seq.s32 s29, $0x3  }
0x1c5: {  	s0 =	sshrl.u32 @!p0 s30, $0x3  }
0x1c6: {  	s1 =	sadd.s32 @!p0 $0x30D4, s0  }
0x1c7: {  	s6 =	simm.s32 @!p0 $0x0;
	s5 =	sadd.s32 @!p0 s3, s1  }
0x1c8: {  	[tilespmem:s6], [sflag:$0x1] =	stream.linear.gather @!p0 [hbm4b:s5+s6], $0x2710, $0x38;
	[tilespmem:$0xB500] =	vst v63  }
0x1c9: {  	s0 =	sadd.s32 @!p0 $0x35B6, s0;
	s1 =	sadd.s32 @!p0 s4, s1;
	s5 =	simm.s32 @!p0 $0x4F00  }
0x1ca: {  	[tilespmem:s5], [sflag:$0x3] =	stream.linear.gather @!p0 [hbm4b:s1+s6], $0x2710, $0x38;
	[tilespmem:$0xB500] =	vst v63  }
0x1cb: {  	v12 =	vperm.xlane v13, v0;
	s1 =	sadd.s32 @!p0 s3, s0;
	s5 =	simm.s32 @!p0 $0x2780  }
0x1cc: {  	[tilespmem:s5], [sflag:$0x2] =	stream.linear.gather @!p0 [hbm4b:s1+s6], $0x2710, $0x38;
	[tilespmem:$0xB500] =	vst v63  }
0x1cd: {  	v12 =	vadd.f32 v12, v13;
	s0 =	sadd.s32 @!p0 s4, s0;
	s1 =	simm.s32 @!p0 $0x7680  }
0x1ce: {  	[tilespmem:s1], [sflag:$0x4] =	stream.linear.gather @!p0 [hbm4b:s0+s6], $0x2710, $0x38;
	[tilespmem:$0xB500] =	vst v63  }
0x1cf: {  	v13 =	vperm.xlane v12, v1;
	[tilespmem:$0xB300] =	vst v4  }
0x1d0: {  	v14 =	vimm.s32 $0x0;
	[tilespmem:$0xB380] =	vst v5  }
0x1d1: {  	s31 =	simm.s32 $0x9E00;
	v12 =	vadd.f32 v13, v12;
	[tilespmem:$0xB400] =	vst v14  }
0x1d2: {  	v15 =	vld [tilespmem:s31+$0x0]  }
0x1d3: {  	v13 =	vperm.xlane v12, v2;
	_ =	sdelay $0x1  }
0x1d4: {  	v12 =	vadd.f32 v13, v12  }
0x1d5: {  	v16 =	vimm.f32 $-1.000000000e+00;
	s5 =	simm.s32 $0x1  }
0x1d6: {  	s0 =	sadd.s32 $0x1, s29;
	s1 =	simm.s32 $0x0;
	s6 =	simm.s32 $0x9E10;
	v13 =	vperm.xlane v12, v3;
	vm0 =	vgt.f32 v15, v16  }
.LBB2_9:
0x1d7: {  	p0 =	sne.s32 s5, $0xF9;
	v16 =	vsel vm0, v15, v16;
	v15 =	vld [tilespmem:s6+$0x0];
	v14 =	vsel vm0, s1, v14;
	s1 =	smov.u32 s5;
	s5 =	sadd.s32 $0x1, s5  }
.Ltmp7:
0x1d8: {  	(pc) =	sbr.rel @p0 .LBB2_9-.Ltmp7, $2  }
0x1d9: {  	_ =	sdelay $0x2  }
0x1da: {  	s6 =	sadd.s32 $0x10, s6;
	vm0 =	vgt.f32 v15, v16  }
0x1db: {  	v15 =	vsel vm0, v15, v16  }
0x1dc: {  	v16 =	vperm.xlane v15, v6;
	_ =	sdelay $0x1  }
0x1dd: {  	v16 =	vmax.f32 v15, v16  }
0x1de: {  	v17 =	vperm.xlane v16, v7;
	_ =	sdelay $0x1  }
0x1df: {  	v16 =	vmax.f32 v16, v17  }
0x1e0: {  	v17 =	vperm.xlane v16, v8;
	_ =	sdelay $0x1  }
0x1e1: {  	v16 =	vmax.f32 v16, v17  }
0x1e2: {  	v17 =	vperm.xlane v16, v3;
	_ =	sdelay $0x1  }
0x1e3: {  	v16 =	vmax.f32 v16, v17  }
0x1e4: {  	v14 =	vsel vm0, s1, v14;
	vm13 =	veq.f32 v15, v16  }
0x1e5: {  	v14 =	vnsel vm13, $0xFFFFFFFF, v14  }
0x1e6: {  	v15 =	vperm.xlane v14, v6;
	_ =	sdelay $0x1  }
0x1e7: {  	vm0 =	vgt.s32 v14, v15  }
0x1e8: {  	v14 =	vsel vm0, v14, v15  }
0x1e9: {  	v15 =	vperm.xlane v14, v7;
	_ =	sdelay $0x1  }
0x1ea: {  	vm0 =	vgt.s32 v14, v15  }
0x1eb: {  	v14 =	vsel vm0, v14, v15  }
0x1ec: {  	v15 =	vperm.xlane v14, v8;
	_ =	sdelay $0x1  }
0x1ed: {  	vm0 =	vgt.s32 v14, v15  }
0x1ee: {  	v14 =	vsel vm0, v14, v15  }
0x1ef: {  	v15 =	vperm.xlane v14, v3;
	_ =	sdelay $0x1  }
0x1f0: {  	vm0 =	vgt.s32 v14, v15  }
0x1f1: {  	v14 =	vsel vm0, v14, v15  }
0x1f2: {  	(v2sf) =	vpush v14, $0x0;
	_ =	sdelay $0xe  }
0x1f3: {  	s1 =	spop (v2sf)  }
0x1f4: {  	s13 =	smul.u32 $0x190, s1;
	_ =	sdelay $0x1  }
0x1f5: {  	s5 =	sadd.s32 s30, s13  }
0x1f6: {  	s5 =	sshrl.u32 s5, $0x3  }
0x1f7: {  	s7 =	simm.s32 $0x0;
	s6 =	sadd.s32 s3, s5  }
0x1f8: {  	[tilespmem:s20], [sflag:$0x5] =	stream.linear.gather [hbm4b:s6+s7], $0x190, $0x38;
	[tilespmem:$0xB500] =	vst v63  }
0x1f9: {  	s5 =	sadd.s32 s4, s5  }
0x1fa: {  	[tilespmem:s21], [sflag:$0x6] =	stream.linear.gather [hbm4b:s5+s7], $0x190, $0x38;
	[tilespmem:$0xB500] =	vst v63  }
0x1fb: {  	_ =	swait.ge [sflag:s22], $0x190  }
0x1fc: {  	[sflag:s22] =	ssyncset.done $0x0  }
0x1fd: {  	[sflag:s22] =	ssyncadd.s32 $0xFFFFFE70  }
0x1fe: {  	_ =	swait.ge [sflag:s23], $0x190  }
0x1ff: {  	[sflag:s23] =	ssyncset.done $0x0  }
0x200: {  	s31 =	simm.s32 $0x0;
	[sflag:s23] =	ssyncadd.s32 $0xFFFFFE70  }
0x201: {  	v14 =	vld [tilespmem:s31+$0xB000];
	_ =	sdelay $0x4  }
0x202: {  	v14 =	vmax.f32 v14, $9.999999710e-10  }
0x203: {  	v14 =	vmin.f32 v14, $1.000000000e+00  }
0x204: {  	v15 =	vand.u32 $0x7FFFFF, v14  }
0x205: {  	v15 =	vor.u32 $0x3F000000, v15  }
0x206: {  	vm14 =	vlt.f32 v15, $7.071067690e-01  }
0x207: {  	v55 =	vnsel vm14, $0x80000000, v15  }
0x208: {  	v15 =	vadd.f32 v15, v55;
	_ =	sdelay $0x1  }
0x209: {  	v15 =	vadd.f32 $-1.000000000e+00, v15;
	_ =	sdelay $0x1  }
0x20a: {  	v56 =	vmul.f32 $7.037683580e-02, v15;
	_ =	sdelay $0x1  }
0x20b: {  	v16 =	vadd.f32 $-1.151461010e-01, v56;
	_ =	sdelay $0x1  }
0x20c: {  	v16 =	vmul.f32 v16, v15;
	_ =	sdelay $0x1  }
0x20d: {  	v16 =	vadd.f32 $1.167699840e-01, v16;
	_ =	sdelay $0x1  }
0x20e: {  	v16 =	vmul.f32 v16, v15;
	_ =	sdelay $0x1  }
0x20f: {  	v16 =	vadd.f32 $-1.242014100e-01, v16;
	_ =	sdelay $0x1  }
0x210: {  	v16 =	vmul.f32 v16, v15;
	_ =	sdelay $0x1  }
0x211: {  	v16 =	vadd.f32 $1.424932330e-01, v16;
	_ =	sdelay $0x1  }
0x212: {  	v16 =	vmul.f32 v16, v15;
	_ =	sdelay $0x1  }
0x213: {  	v16 =	vadd.f32 $-1.666805740e-01, v16;
	_ =	sdelay $0x1  }
0x214: {  	v16 =	vmul.f32 v16, v15;
	_ =	sdelay $0x1  }
0x215: {  	v16 =	vadd.f32 $2.000071410e-01, v16;
	_ =	sdelay $0x1  }
0x216: {  	v16 =	vmul.f32 v16, v15;
	_ =	sdelay $0x1  }
0x217: {  	v16 =	vadd.f32 $-2.499999400e-01, v16  }
0x218: {  	v14 =	vshra.s32 v14, $0x17  }
0x219: {  	v14 =	vadd.s32 $0xFFFFFF82, v14;
	v16 =	vmul.f32 v16, v15  }
0x21a: {  	v14 =	vcvt.s32.f32 v14  }
0x21b: {  	v16 =	vadd.f32 $3.333333130e-01, v16  }
0x21c: {  	v57 =	vadd.f32 $-1.000000000e+00, v14  }
0x21d: {  	v18 =	vmul.f32 v15, v15;
	v16 =	vmul.f32 v16, v15  }
0x21e: {  	v14 =	vsel vm14, v57, v14  }
0x21f: {  	v17 =	vmul.f32 $-2.121944420e-04, v14;
	v16 =	vmul.f32 v16, v18;
	_ =	sdelay $0x1  }
0x220: {  	v58 =	vmul.f32 $-5.000000000e-01, v18;
	v16 =	vadd.f32 v17, v16;
	_ =	sdelay $0x1  }
0x221: {  	v16 =	vadd.f32 v58, v16  }
0x222: {  	v59 =	vld [tilespmem:s31+$0xAE00]  }
0x223: {  	v12 =	vadd.f32 v13, v12;
	v60 =	vld [tilespmem:$0xB380];
	v14 =	vmul.f32 $6.933593750e-01, v14;
	v15 =	vadd.f32 v16, v15  }
0x224: {  	v61 =	vld [tilespmem:$0xB300]  }
0x225: {  	v13 =	vmul.f32 $9.999999960e-13, v12;
	v14 =	vadd.f32 v15, v14;
	_ =	sdelay $0x1  }
0x226: {  	v15 =	vadd.f32 v59, v13;
	v14 =	vsub.f32 $0.0e+00, v14;
	_ =	sdelay $0x1  }
0x227: {  	v62 =	vld [tilespmem:$0xB400];
	v19 =	vmul.f32 v60, v15;
	v20 =	vmul.f32 v14, v61;
	_ =	sdelay $0x1  }
0x228: {  	vm15 =	vgt.f32 v19, v20  }
0x229: {  	v15 =	vsel vm15, v15, v61  }
0x22a: {  	v63 =	vor.u32 s13, v9;
	v14 =	vsel vm15, v14, v60;
	[tilespmem:$0xB300] =	vst v15  }
0x22b: {  	v15 =	vsel vm15, v63, v62;
	[tilespmem:$0xB380] =	vst v14  }
0x22c: {  	s6 =	simm.s32 $0x10;
	s5 =	simm.s32 $0x80;
	[tilespmem:$0xB400] =	vst v15  }
.LBB2_11:
0x22d: {  	p0 =	sne.s32 s5, $0x600;
	v14 =	vld [tilespmem:s6+$0xB000]  }
0x22e: {  	v15 =	vld [tilespmem:s6+$0xAE00];
	_ =	sdelay $0x3  }
0x22f: {  	v14 =	vmax.f32 v14, $9.999999710e-10  }
0x230: {  	v14 =	vmin.f32 v14, $1.000000000e+00  }
0x231: {  	v16 =	vand.u32 $0x7FFFFF, v14  }
0x232: {  	v16 =	vor.u32 $0x3F000000, v16  }
0x233: {  	vm0 =	vlt.f32 v16, $7.071067690e-01  }
0x234: {  	v17 =	vnsel vm0, $0x80000000, v16  }
0x235: {  	v16 =	vadd.f32 v16, v17;
	_ =	sdelay $0x1  }
0x236: {  	v16 =	vadd.f32 $-1.000000000e+00, v16;
	_ =	sdelay $0x1  }
0x237: {  	v17 =	vmul.f32 $7.037683580e-02, v16;
	_ =	sdelay $0x1  }
0x238: {  	v17 =	vadd.f32 $-1.151461010e-01, v17;
	_ =	sdelay $0x1  }
0x239: {  	v17 =	vmul.f32 v17, v16;
	_ =	sdelay $0x1  }
0x23a: {  	v17 =	vadd.f32 $1.167699840e-01, v17;
	_ =	sdelay $0x1  }
0x23b: {  	v17 =	vmul.f32 v17, v16;
	_ =	sdelay $0x1  }
0x23c: {  	v17 =	vadd.f32 $-1.242014100e-01, v17;
	_ =	sdelay $0x1  }
0x23d: {  	v17 =	vmul.f32 v17, v16;
	_ =	sdelay $0x1  }
0x23e: {  	v17 =	vadd.f32 $1.424932330e-01, v17;
	_ =	sdelay $0x1  }
0x23f: {  	v17 =	vmul.f32 v17, v16;
	_ =	sdelay $0x1  }
0x240: {  	v17 =	vadd.f32 $-1.666805740e-01, v17;
	_ =	sdelay $0x1  }
0x241: {  	v17 =	vmul.f32 v17, v16;
	_ =	sdelay $0x1  }
0x242: {  	v17 =	vadd.f32 $2.000071410e-01, v17;
	_ =	sdelay $0x1  }
0x243: {  	v17 =	vmul.f32 v17, v16;
	_ =	sdelay $0x1  }
0x244: {  	v17 =	vadd.f32 $-2.499999400e-01, v17  }
0x245: {  	v14 =	vshra.s32 v14, $0x17  }
0x246: {  	v14 =	vadd.s32 $0xFFFFFF82, v14;
	v17 =	vmul.f32 v17, v16  }
0x247: {  	v14 =	vcvt.s32.f32 v14  }
0x248: {  	v17 =	vadd.f32 $3.333333130e-01, v17  }
0x249: {  	v18 =	vadd.f32 $-1.000000000e+00, v14  }
0x24a: {  	v19 =	vmul.f32 v16, v16;
	v17 =	vmul.f32 v17, v16  }
0x24b: {  	v14 =	vsel vm0, v18, v14  }
0x24c: {  	v18 =	vmul.f32 $-2.121944420e-04, v14;
	v17 =	vmul.f32 v17, v19;
	_ =	sdelay $0x1  }
0x24d: {  	v17 =	vadd.f32 v18, v17;
	v18 =	vmul.f32 $-5.000000000e-01, v19;
	_ =	sdelay $0x1  }
0x24e: {  	v17 =	vadd.f32 v18, v17;
	_ =	sdelay $0x1  }
0x24f: {  	v14 =	vmul.f32 $6.933593750e-01, v14;
	v18 =	vld [tilespmem:$0xB380];
	v16 =	vadd.f32 v17, v16  }
0x250: {  	v17 =	vld [tilespmem:$0xB300]  }
0x251: {  	v14 =	vadd.f32 v16, v14;
	_ =	sdelay $0x1  }
0x252: {  	v15 =	vadd.f32 v15, v13;
	v16 =	vld [tilespmem:$0xB400];
	v14 =	vsub.f32 $0.0e+00, v14;
	_ =	sdelay $0x1  }
0x253: {  	v19 =	vmul.f32 v18, v15;
	v20 =	vmul.f32 v14, v17  }
0x254: {  	s13 =	sadd.s32 $0x10, s13  }
.Ltmp8:
0x255: {  	vm0 =	vgt.f32 v19, v20;
	v19 =	vor.u32 s13, v9;
	(pc) =	sbr.rel @p0 .LBB2_11-.Ltmp8, $4  }
0x256: {  	v15 =	vsel vm0, v15, v17;
	v14 =	vsel vm0, v14, v18;
	v16 =	vsel vm0, v19, v16  }
0x257: {  	[tilespmem:$0xB300] =	vst v15  }
0x258: {  	[tilespmem:$0xB380] =	vst v14  }
0x259: {  	s6 =	sshra.s32 s5, $0x2;
	s5 =	sadd.s32 $0x40, s5;
	[tilespmem:$0xB400] =	vst v16  }
0x25a: {  	v14 =	vld [tilespmem:s6+$0xB000];
	_ =	sdelay $0x4  }
0x25b: {  	v14 =	vmax.f32 v14, $9.999999710e-10  }
0x25c: {  	v14 =	vmin.f32 v14, $1.000000000e+00  }
0x25d: {  	v15 =	vand.u32 $0x7FFFFF, v14  }
0x25e: {  	v15 =	vor.u32 $0x3F000000, v15  }
0x25f: {  	vm0 =	vlt.f32 v15, $7.071067690e-01  }
0x260: {  	v16 =	vnsel vm0, $0x80000000, v15  }
0x261: {  	v15 =	vadd.f32 v15, v16;
	_ =	sdelay $0x1  }
0x262: {  	v15 =	vadd.f32 $-1.000000000e+00, v15;
	_ =	sdelay $0x1  }
0x263: {  	v16 =	vmul.f32 $7.037683580e-02, v15;
	_ =	sdelay $0x1  }
0x264: {  	v16 =	vadd.f32 $-1.151461010e-01, v16;
	_ =	sdelay $0x1  }
0x265: {  	v16 =	vmul.f32 v16, v15;
	_ =	sdelay $0x1  }
0x266: {  	v16 =	vadd.f32 $1.167699840e-01, v16;
	_ =	sdelay $0x1  }
0x267: {  	v16 =	vmul.f32 v16, v15;
	_ =	sdelay $0x1  }
0x268: {  	v16 =	vadd.f32 $-1.242014100e-01, v16;
	_ =	sdelay $0x1  }
0x269: {  	v16 =	vmul.f32 v16, v15;
	_ =	sdelay $0x1  }
0x26a: {  	v16 =	vadd.f32 $1.424932330e-01, v16;
	_ =	sdelay $0x1  }
0x26b: {  	v16 =	vmul.f32 v16, v15;
	_ =	sdelay $0x1  }
0x26c: {  	v16 =	vadd.f32 $-1.666805740e-01, v16;
	_ =	sdelay $0x1  }
0x26d: {  	v16 =	vmul.f32 v16, v15;
	_ =	sdelay $0x1  }
0x26e: {  	v16 =	vadd.f32 $2.000071410e-01, v16;
	_ =	sdelay $0x1  }
0x26f: {  	v16 =	vmul.f32 v16, v15;
	_ =	sdelay $0x1  }
0x270: {  	v16 =	vadd.f32 $-2.499999400e-01, v16  }
0x271: {  	v14 =	vshra.s32 v14, $0x17  }
0x272: {  	v14 =	vadd.s32 $0xFFFFFF82, v14;
	v16 =	vmul.f32 v16, v15  }
0x273: {  	v14 =	vcvt.s32.f32 v14  }
0x274: {  	v16 =	vadd.f32 $3.333333130e-01, v16  }
0x275: {  	v17 =	vadd.f32 $-1.000000000e+00, v14  }
0x276: {  	v18 =	vmul.f32 v15, v15;
	v16 =	vmul.f32 v16, v15  }
0x277: {  	v14 =	vsel vm0, v17, v14  }
0x278: {  	v17 =	vmul.f32 $-2.121944420e-04, v14;
	v16 =	vmul.f32 v16, v18;
	_ =	sdelay $0x1  }
0x279: {  	v16 =	vadd.f32 v17, v16;
	v17 =	vmul.f32 $-5.000000000e-01, v18;
	_ =	sdelay $0x1  }
0x27a: {  	v16 =	vadd.f32 v17, v16  }
0x27b: {  	v17 =	vld [tilespmem:s6+$0xAE00]  }
0x27c: {  	v63 =	vld [tilespmem:$0xB380];
	v14 =	vmul.f32 $6.933593750e-01, v14;
	v15 =	vadd.f32 v16, v15  }
0x27d: {  	v16 =	vld [tilespmem:$0xB300]  }
0x27e: {  	v14 =	vadd.f32 v15, v14;
	_ =	sdelay $0x1  }
0x27f: {  	v15 =	vadd.f32 v17, v13;
	v14 =	vsub.f32 $0.0e+00, v14;
	_ =	sdelay $0x1  }
0x280: {  	v17 =	vmul.f32 v63, v15;
	v19 =	vmul.f32 v14, v16;
	_ =	sdelay $0x1  }
0x281: {  	vm15 =	vgt.f32 v17, v19  }
0x282: {  	v14 =	vsel vm15, v14, v63  }
0x283: {  	[tilespmem:$0xB380] =	vst v14  }
0x284: {  	v14 =	vld [tilespmem:$0xB380];
	_ =	sdelay $0x4  }
0x285: {  	(erf) = vrcp.f32 v14;
	_ =	sdelay $0x2  }
0x286: {  	v14 =	vsel vm15, v15, v16  }
0x287: {  	[tilespmem:$0xB300] =	vst v14  }
0x288: {  	v14 =	vld [tilespmem:$0xB300];
	_ =	sdelay $0x3  }
0x289: {  	v15 =	vpop (erf)  }
0x28a: {  	v14 =	vmul.f32 v15, v14;
	_ =	sdelay $0x1  }
0x28b: {  	v15 =	vperm.xlane v14, v0;
	_ =	sdelay $0x1  }
0x28c: {  	v14 =	vmax.f32 v14, v15  }
0x28d: {  	v15 =	vperm.xlane v14, v1;
	_ =	sdelay $0x1  }
0x28e: {  	v14 =	vmax.f32 v14, v15  }
0x28f: {  	v15 =	vperm.xlane v14, v2;
	_ =	sdelay $0x1  }
0x290: {  	v14 =	vmax.f32 v14, v15  }
0x291: {  	v15 =	vperm.xlane v14, v3;
	_ =	sdelay $0x1  }
0x292: {  	v14 =	vmax.f32 v14, v15  }
0x293: {  	(erf) = vrcp.f32 v14;
	_ =	sdelay $0x5  }
0x294: {  	v14 =	vadd.f32 $1.000000000e+00, v13;
	_ =	sdelay $0x1  }
0x295: {  	v14 =	vmul.f32 $1.000010010e+00, v14  }
0x296: {  	v15 =	vpop (erf)  }
0x297: {  	v15 =	vmul.f32 v15, v14;
	_ =	sdelay $0x1  }
0x298: {  	v15 =	vsub.f32 $1.000000000e+00, v15;
	_ =	sdelay $0x1  }
0x299: {  	v15 =	vadd.f32 $-9.999999970e-07, v15;
	_ =	sdelay $0x1  }
0x29a: {  	(v2sf) =	vpush v15, $0x0;
	_ =	sdelay $0x7  }
0x29b: {  	v16 =	vld [tilespmem:$0xB400];
	_ =	sdelay $0x2  }
.Ltmp9:
0x29c: {  	s5 =	sadd.s32 $0x10, s13;
	(pc) =	sbr.rel .LBB2_13-.Ltmp9, $4  }
0x29d: {  	v17 =	vor.u32 s5, v9  }
0x29e: {  	v16 =	vsel vm15, v17, v16  }
0x29f: {  	[tilespmem:$0xB400] =	vst v16  }
0x2a0: {  	s13 =	simm.s32 $0x0;
	s14 =	simm.s32 $0x0;
	[tilespmem:$0xB480] =	vst v15;
	s5 =	spop (v2sf)  }
.LBB2_14:
0x2a1: {  	v15 =	vpsel p0, v15, v15  }
.LBB2_18:
0x2a2: {  	(v2sf) =	vpush v15, $0x0;
	_ =	sdelay $0x8  }
0x2a3: {  	s14 =	sadd.s32 $0x1, s14  }
0x2a4: {  	p0 =	sne.s32 s14, $0xFA  }
.Ltmp10:
0x2a5: {  	_ = 	snop;
	(pc) =	sbr.rel @!p0 .LBB2_19-.Ltmp10, $2  }
0x2a6: {  	_ =	sdelay $0x2  }
0x2a7: {  	s13 =	sadd.s32 $0x190, s13;
	s5 =	spop (v2sf)  }
.LBB2_13:
0x2a8: {  	s6 =	sshll.u32 s14, $0x4  }
0x2a9: {  	s6 =	sand.u32 $0x3FFFFFF0, s6  }
0x2aa: {  	v16 =	vld [tilespmem:s6+$0x9E00];
	_ =	sdelay $0x4  }
0x2ab: {  	v17 =	vperm.xlane v16, v0;
	_ =	sdelay $0x1  }
0x2ac: {  	v16 =	vmax.f32 v16, v17  }
0x2ad: {  	v17 =	vperm.xlane v16, v1;
	_ =	sdelay $0x1  }
0x2ae: {  	v16 =	vmax.f32 v16, v17  }
0x2af: {  	v17 =	vperm.xlane v16, v2;
	_ =	sdelay $0x1  }
0x2b0: {  	v16 =	vmax.f32 v16, v17  }
0x2b1: {  	v17 =	vperm.xlane v16, v3;
	_ =	sdelay $0x1  }
0x2b2: {  	v16 =	vmax.f32 v16, v17  }
0x2b3: {  	(v2sf) =	vpush v16, $0x0;
	_ =	sdelay $0xe  }
0x2b4: {  	p0 =	seq.s32 s14, s1;
	s6 =	spop (v2sf)  }
0x2b5: {  	p1 =	sgt.f32 @!p0 s6, s5;
	_ =	sdelay $0x1  }
0x2b6: {  	p1 =	por p0, !p1  }
.Ltmp11:
0x2b7: {  	_ = 	snop;
	(pc) =	sbr.rel @p1 .LBB2_14-.Ltmp11, $1  }
0x2b8: {  	_ =	sdelay $0x3  }
0x2b9: {  	s5 =	smul.u32 $0x190, s14;
	_ =	sdelay $0x1  }
0x2ba: {  	s5 =	sadd.s32 s30, s5  }
0x2bb: {  	s5 =	sshrl.u32 s5, $0x3  }
0x2bc: {  	s7 =	simm.s32 $0x0;
	s6 =	sadd.s32 s3, s5  }
0x2bd: {  	[tilespmem:s20], [sflag:$0x5] =	stream.linear.gather [hbm4b:s6+s7], $0x190, $0x38;
	[tilespmem:$0xB500] =	vst v63  }
0x2be: {  	s5 =	sadd.s32 s4, s5  }
0x2bf: {  	[tilespmem:s21], [sflag:$0x6] =	stream.linear.gather [hbm4b:s5+s7], $0x190, $0x38;
	[tilespmem:$0xB500] =	vst v63  }
0x2c0: {  	_ =	swait.ge [sflag:s22], $0x190  }
0x2c1: {  	[sflag:s22] =	ssyncset.done $0x0  }
0x2c2: {  	[sflag:s22] =	ssyncadd.s32 $0xFFFFFE70  }
0x2c3: {  	_ =	swait.ge [sflag:s23], $0x190  }
0x2c4: {  	[sflag:s23] =	ssyncset.done $0x0  }
0x2c5: {  	s31 =	simm.s32 $0x0;
	[sflag:s23] =	ssyncadd.s32 $0xFFFFFE70  }
0x2c6: {  	v15 =	vld [tilespmem:s31+$0xB000];
	_ =	sdelay $0x4  }
0x2c7: {  	v15 =	vmax.f32 v15, $9.999999710e-10  }
0x2c8: {  	v15 =	vmin.f32 v15, $1.000000000e+00  }
0x2c9: {  	v16 =	vand.u32 $0x7FFFFF, v15  }
0x2ca: {  	v16 =	vor.u32 $0x3F000000, v16  }
0x2cb: {  	vm0 =	vlt.f32 v16, $7.071067690e-01  }
0x2cc: {  	v17 =	vnsel vm0, $0x80000000, v16  }
0x2cd: {  	v16 =	vadd.f32 v16, v17;
	_ =	sdelay $0x1  }
0x2ce: {  	v16 =	vadd.f32 $-1.000000000e+00, v16;
	_ =	sdelay $0x1  }
0x2cf: {  	v55 =	vmul.f32 $7.037683580e-02, v16;
	_ =	sdelay $0x1  }
0x2d0: {  	v17 =	vadd.f32 $-1.151461010e-01, v55;
	_ =	sdelay $0x1  }
0x2d1: {  	v17 =	vmul.f32 v17, v16;
	_ =	sdelay $0x1  }
0x2d2: {  	v17 =	vadd.f32 $1.167699840e-01, v17;
	_ =	sdelay $0x1  }
0x2d3: {  	v17 =	vmul.f32 v17, v16;
	_ =	sdelay $0x1  }
0x2d4: {  	v17 =	vadd.f32 $-1.242014100e-01, v17;
	_ =	sdelay $0x1  }
0x2d5: {  	v17 =	vmul.f32 v17, v16;
	_ =	sdelay $0x1  }
0x2d6: {  	v17 =	vadd.f32 $1.424932330e-01, v17;
	_ =	sdelay $0x1  }
0x2d7: {  	v17 =	vmul.f32 v17, v16;
	_ =	sdelay $0x1  }
0x2d8: {  	v17 =	vadd.f32 $-1.666805740e-01, v17;
	_ =	sdelay $0x1  }
0x2d9: {  	v17 =	vmul.f32 v17, v16;
	_ =	sdelay $0x1  }
0x2da: {  	v17 =	vadd.f32 $2.000071410e-01, v17;
	_ =	sdelay $0x1  }
0x2db: {  	v17 =	vmul.f32 v17, v16;
	_ =	sdelay $0x1  }
0x2dc: {  	v17 =	vadd.f32 $-2.499999400e-01, v17  }
0x2dd: {  	v15 =	vshra.s32 v15, $0x17  }
0x2de: {  	v15 =	vadd.s32 $0xFFFFFF82, v15;
	v17 =	vmul.f32 v17, v16  }
0x2df: {  	v15 =	vcvt.s32.f32 v15  }
0x2e0: {  	v17 =	vadd.f32 $3.333333130e-01, v17  }
0x2e1: {  	v18 =	vadd.f32 $-1.000000000e+00, v15  }
0x2e2: {  	v19 =	vmul.f32 v16, v16;
	v17 =	vmul.f32 v17, v16  }
0x2e3: {  	v15 =	vsel vm0, v18, v15  }
0x2e4: {  	v18 =	vmul.f32 $-2.121944420e-04, v15;
	v17 =	vmul.f32 v17, v19;
	_ =	sdelay $0x1  }
0x2e5: {  	v56 =	vmul.f32 $-5.000000000e-01, v19;
	v17 =	vadd.f32 v18, v17;
	_ =	sdelay $0x1  }
0x2e6: {  	v17 =	vadd.f32 v56, v17  }
0x2e7: {  	v57 =	vld [tilespmem:s31+$0xAE00]  }
0x2e8: {  	v58 =	vld [tilespmem:$0xB380];
	v15 =	vmul.f32 $6.933593750e-01, v15;
	v16 =	vadd.f32 v17, v16  }
0x2e9: {  	v59 =	vld [tilespmem:$0xB300]  }
0x2ea: {  	v15 =	vadd.f32 v16, v15;
	_ =	sdelay $0x1  }
0x2eb: {  	v60 =	vadd.f32 v57, v13;
	v15 =	vsub.f32 $0.0e+00, v15;
	_ =	sdelay $0x1  }
0x2ec: {  	v61 =	vld [tilespmem:$0xB400];
	v20 =	vmul.f32 v58, v60;
	v21 =	vmul.f32 v15, v59;
	_ =	sdelay $0x1  }
0x2ed: {  	vm15 =	vgt.f32 v20, v21  }
0x2ee: {  	v16 =	vsel vm15, v60, v59  }
0x2ef: {  	v62 =	vor.u32 s13, v9;
	v15 =	vsel vm15, v15, v58;
	[tilespmem:$0xB300] =	vst v16  }
0x2f0: {  	v63 =	vsel vm15, v62, v61;
	[tilespmem:$0xB380] =	vst v15  }
0x2f1: {  	s6 =	simm.s32 $0x80;
	s7 =	simm.s32 $0x10;
	s5 =	smov.u32 s13;
	[tilespmem:$0xB400] =	vst v63  }
.LBB2_16:
0x2f2: {  	p0 =	sne.s32 s6, $0x600;
	v15 =	vld [tilespmem:s7+$0xB000]  }
0x2f3: {  	v16 =	vld [tilespmem:s7+$0xAE00];
	_ =	sdelay $0x3  }
0x2f4: {  	v15 =	vmax.f32 v15, $9.999999710e-10  }
0x2f5: {  	v15 =	vmin.f32 v15, $1.000000000e+00  }
0x2f6: {  	v17 =	vand.u32 $0x7FFFFF, v15  }
0x2f7: {  	v17 =	vor.u32 $0x3F000000, v17  }
0x2f8: {  	vm0 =	vlt.f32 v17, $7.071067690e-01  }
0x2f9: {  	v18 =	vnsel vm0, $0x80000000, v17  }
0x2fa: {  	v17 =	vadd.f32 v17, v18;
	_ =	sdelay $0x1  }
0x2fb: {  	v17 =	vadd.f32 $-1.000000000e+00, v17;
	_ =	sdelay $0x1  }
0x2fc: {  	v18 =	vmul.f32 $7.037683580e-02, v17;
	_ =	sdelay $0x1  }
0x2fd: {  	v18 =	vadd.f32 $-1.151461010e-01, v18;
	_ =	sdelay $0x1  }
0x2fe: {  	v18 =	vmul.f32 v18, v17;
	_ =	sdelay $0x1  }
0x2ff: {  	v18 =	vadd.f32 $1.167699840e-01, v18;
	_ =	sdelay $0x1  }
0x300: {  	v18 =	vmul.f32 v18, v17;
	_ =	sdelay $0x1  }
0x301: {  	v18 =	vadd.f32 $-1.242014100e-01, v18;
	_ =	sdelay $0x1  }
0x302: {  	v18 =	vmul.f32 v18, v17;
	_ =	sdelay $0x1  }
0x303: {  	v18 =	vadd.f32 $1.424932330e-01, v18;
	_ =	sdelay $0x1  }
0x304: {  	v18 =	vmul.f32 v18, v17;
	_ =	sdelay $0x1  }
0x305: {  	v18 =	vadd.f32 $-1.666805740e-01, v18;
	_ =	sdelay $0x1  }
0x306: {  	v18 =	vmul.f32 v18, v17;
	_ =	sdelay $0x1  }
0x307: {  	v18 =	vadd.f32 $2.000071410e-01, v18;
	_ =	sdelay $0x1  }
0x308: {  	v18 =	vmul.f32 v18, v17;
	_ =	sdelay $0x1  }
0x309: {  	v18 =	vadd.f32 $-2.499999400e-01, v18  }
0x30a: {  	v15 =	vshra.s32 v15, $0x17  }
0x30b: {  	v15 =	vadd.s32 $0xFFFFFF82, v15;
	v18 =	vmul.f32 v18, v17  }
0x30c: {  	v15 =	vcvt.s32.f32 v15  }
0x30d: {  	v18 =	vadd.f32 $3.333333130e-01, v18  }
0x30e: {  	v19 =	vadd.f32 $-1.000000000e+00, v15  }
0x30f: {  	v20 =	vmul.f32 v17, v17;
	v18 =	vmul.f32 v18, v17  }
0x310: {  	v15 =	vsel vm0, v19, v15  }
0x311: {  	v19 =	vmul.f32 $-2.121944420e-04, v15;
	v18 =	vmul.f32 v18, v20;
	_ =	sdelay $0x1  }
0x312: {  	v18 =	vadd.f32 v19, v18;
	v19 =	vmul.f32 $-5.000000000e-01, v20;
	_ =	sdelay $0x1  }
0x313: {  	v18 =	vadd.f32 v19, v18;
	_ =	sdelay $0x1  }
0x314: {  	v15 =	vmul.f32 $6.933593750e-01, v15;
	v19 =	vld [tilespmem:$0xB380];
	v17 =	vadd.f32 v18, v17  }
0x315: {  	v18 =	vld [tilespmem:$0xB300]  }
0x316: {  	v15 =	vadd.f32 v17, v15;
	_ =	sdelay $0x1  }
0x317: {  	v16 =	vadd.f32 v16, v13;
	v17 =	vld [tilespmem:$0xB400];
	v15 =	vsub.f32 $0.0e+00, v15;
	_ =	sdelay $0x1  }
0x318: {  	v20 =	vmul.f32 v19, v16;
	v21 =	vmul.f32 v15, v18  }
0x319: {  	s5 =	sadd.s32 $0x10, s5  }
.Ltmp12:
0x31a: {  	vm0 =	vgt.f32 v20, v21;
	v20 =	vor.u32 s5, v9;
	(pc) =	sbr.rel @p0 .LBB2_16-.Ltmp12, $4  }
0x31b: {  	v16 =	vsel vm0, v16, v18;
	v15 =	vsel vm0, v15, v19;
	v17 =	vsel vm0, v20, v17  }
0x31c: {  	[tilespmem:$0xB300] =	vst v16  }
0x31d: {  	[tilespmem:$0xB380] =	vst v15  }
0x31e: {  	s7 =	sshra.s32 s6, $0x2;
	s6 =	sadd.s32 $0x40, s6;
	[tilespmem:$0xB400] =	vst v17  }
0x31f: {  	v15 =	vld [tilespmem:s7+$0xB000];
	_ =	sdelay $0x4  }
0x320: {  	v15 =	vmax.f32 v15, $9.999999710e-10  }
0x321: {  	v15 =	vmin.f32 v15, $1.000000000e+00  }
0x322: {  	v16 =	vand.u32 $0x7FFFFF, v15  }
0x323: {  	v16 =	vor.u32 $0x3F000000, v16  }
0x324: {  	vm0 =	vlt.f32 v16, $7.071067690e-01  }
0x325: {  	v17 =	vnsel vm0, $0x80000000, v16  }
0x326: {  	v16 =	vadd.f32 v16, v17;
	_ =	sdelay $0x1  }
0x327: {  	v16 =	vadd.f32 $-1.000000000e+00, v16;
	_ =	sdelay $0x1  }
0x328: {  	v17 =	vmul.f32 $7.037683580e-02, v16;
	_ =	sdelay $0x1  }
0x329: {  	v17 =	vadd.f32 $-1.151461010e-01, v17;
	_ =	sdelay $0x1  }
0x32a: {  	v17 =	vmul.f32 v17, v16;
	_ =	sdelay $0x1  }
0x32b: {  	v17 =	vadd.f32 $1.167699840e-01, v17;
	_ =	sdelay $0x1  }
0x32c: {  	v17 =	vmul.f32 v17, v16;
	_ =	sdelay $0x1  }
0x32d: {  	v17 =	vadd.f32 $-1.242014100e-01, v17;
	_ =	sdelay $0x1  }
0x32e: {  	v17 =	vmul.f32 v17, v16;
	_ =	sdelay $0x1  }
0x32f: {  	v17 =	vadd.f32 $1.424932330e-01, v17;
	_ =	sdelay $0x1  }
0x330: {  	v17 =	vmul.f32 v17, v16;
	_ =	sdelay $0x1  }
0x331: {  	v17 =	vadd.f32 $-1.666805740e-01, v17;
	_ =	sdelay $0x1  }
0x332: {  	v17 =	vmul.f32 v17, v16;
	_ =	sdelay $0x1  }
0x333: {  	v17 =	vadd.f32 $2.000071410e-01, v17;
	_ =	sdelay $0x1  }
0x334: {  	v17 =	vmul.f32 v17, v16;
	_ =	sdelay $0x1  }
0x335: {  	v17 =	vadd.f32 $-2.499999400e-01, v17  }
0x336: {  	v15 =	vshra.s32 v15, $0x17  }
0x337: {  	v15 =	vadd.s32 $0xFFFFFF82, v15;
	v17 =	vmul.f32 v17, v16  }
0x338: {  	v15 =	vcvt.s32.f32 v15  }
0x339: {  	v17 =	vadd.f32 $3.333333130e-01, v17  }
0x33a: {  	v18 =	vadd.f32 $-1.000000000e+00, v15  }
0x33b: {  	v19 =	vmul.f32 v16, v16;
	v17 =	vmul.f32 v17, v16  }
0x33c: {  	v15 =	vsel vm0, v18, v15  }
0x33d: {  	v18 =	vmul.f32 $-2.121944420e-04, v15;
	v17 =	vmul.f32 v17, v19;
	_ =	sdelay $0x1  }
0x33e: {  	v61 =	vmul.f32 $-5.000000000e-01, v19;
	v17 =	vadd.f32 v18, v17;
	_ =	sdelay $0x1  }
0x33f: {  	v17 =	vadd.f32 v61, v17  }
0x340: {  	v62 =	vld [tilespmem:s7+$0xAE00]  }
0x341: {  	v63 =	vld [tilespmem:$0xB380];
	v15 =	vmul.f32 $6.933593750e-01, v15;
	v16 =	vadd.f32 v17, v16  }
0x342: {  	v17 =	vld [tilespmem:$0xB300]  }
0x343: {  	v15 =	vadd.f32 v16, v15;
	_ =	sdelay $0x1  }
0x344: {  	v16 =	vadd.f32 v62, v13;
	v15 =	vsub.f32 $0.0e+00, v15;
	_ =	sdelay $0x1  }
0x345: {  	v18 =	vmul.f32 v63, v16;
	v20 =	vmul.f32 v15, v17;
	_ =	sdelay $0x1  }
0x346: {  	vm15 =	vgt.f32 v18, v20  }
0x347: {  	v15 =	vsel vm15, v15, v63  }
0x348: {  	[tilespmem:$0xB380] =	vst v15  }
0x349: {  	v15 =	vld [tilespmem:$0xB380];
	_ =	sdelay $0x4  }
0x34a: {  	(erf) = vrcp.f32 v15;
	_ =	sdelay $0x2  }
0x34b: {  	v15 =	vsel vm15, v16, v17  }
0x34c: {  	[tilespmem:$0xB300] =	vst v15  }
0x34d: {  	v15 =	vld [tilespmem:$0xB300];
	_ =	sdelay $0x3  }
0x34e: {  	v16 =	vpop (erf)  }
0x34f: {  	v15 =	vmul.f32 v16, v15;
	_ =	sdelay $0x1  }
0x350: {  	v16 =	vperm.xlane v15, v0;
	_ =	sdelay $0x1  }
0x351: {  	v15 =	vmax.f32 v15, v16  }
0x352: {  	v16 =	vperm.xlane v15, v1;
	_ =	sdelay $0x1  }
0x353: {  	v15 =	vmax.f32 v15, v16  }
0x354: {  	v16 =	vperm.xlane v15, v2;
	_ =	sdelay $0x1  }
0x355: {  	v15 =	vmax.f32 v15, v16  }
0x356: {  	v16 =	vperm.xlane v15, v3;
	_ =	sdelay $0x1  }
0x357: {  	v15 =	vmax.f32 v15, v16  }
0x358: {  	(erf) = vrcp.f32 v15;
	_ =	sdelay $0x8  }
0x359: {  	v15 =	vld [tilespmem:$0xB400];
	v16 =	vpop (erf)  }
0x35a: {  	v16 =	vmul.f32 v16, v14;
	_ =	sdelay $0x1  }
.Ltmp13:
0x35b: {  	s5 =	sadd.s32 $0x10, s5;
	v16 =	vsub.f32 $1.000000000e+00, v16;
	(pc) =	sbr.rel .LBB2_18-.Ltmp13, $4  }
0x35c: {  	v17 =	vor.u32 s5, v9  }
0x35d: {  	v17 =	vsel vm15, v17, v15;
	v15 =	vadd.f32 $-9.999999970e-07, v16  }
0x35e: {  	[tilespmem:$0xB400] =	vst v17  }
0x35f: {  	[tilespmem:$0xB480] =	vst v15  }
.LBB2_21:
0x360: {  	_ =	sfence.sel $0x180000  }
0x361: {  	[bflag:$0x0] =	sbarrier.arrive $0xFFFF  }
0x362: {  	_ =	strace $0x90000047  }
0x363: {  	s0 =	stileid.u32;
	[bflag:$0x2] =	sbarrier.arrive $0xFFFF  }
0x364: {  	p0 =	sne.s32 s0, $0x0;
	s0 =	rddreg [dreg:$0x1]  }
0x365: {  	s0 =	sadd.s32 @!p0 $0x100000, s0  }
0x366: {  	[sflag:s0] =	ssyncadd.tile.s32 @!p0 $0x1;
	_ =	shalt  }
.Lfunc_end2:
_tile_overlayer_lowered:
.L_overlay_start_2:
0x367: {  	(tag) =	ssettag $0x2  }
0x368: {  	s0 =	rddreg [dreg:$0x0];
	s2 =	stileid.u32  }
0x369: {  	s1 =	rddreg [dreg:$0x1];
	p0 =	sne.s32 s2, $0x0  }
0x36a: {  	s3 =	rddreg [dreg:$0x2];
	[bflag:$0x3] =	sbarrier.arrive $0xFFFF;
	s2 =	simm.s32 @!p0 $0x1C07  }
0x36b: {  	[timem:s3], [sflag:s2] =	dma.local @!p0 [hbm:s0], s1  }
0x36c: {  	s0 =	simm.s32 @!p0 $0x7  }
0x36d: {  	_ =	swait.ge @!p0 [sflag:s0], s1  }
0x36e: {  	s1 =	ssub.s32 @!p0 $0x0, s1;
	[sflag:s0] =	ssyncset.done @!p0 $0x0  }
0x36f: {  	[sflag:s0] =	ssyncadd.s32 @!p0 s1  }
0x370: {  	[bflag:$0x3] =	sbarrier.arrive $0xFFFF  }
0x371: {  	_ =	shalt  }

</sc_bundles>
